<compile_context>
chip_gen: v7x
topology: tpu7x:2x2x1
jax: 0.10.2.dev20260603
libtpu: 0.0.44.dev20260713+nightly
codegen_flags: <defaults>
</compile_context>

<pallas_src>
import functools

import numpy as np
import jax
import jax.numpy as jnp
from jax import lax
from jax.experimental import pallas as pl
from jax.experimental.pallas import tpu as pltpu
from jax.experimental.pallas import tpu_sc as plsc

MUL = 16
ALPHA = 1.0 / np.sqrt(2.0 * MUL)
INV_SQRT3 = 1.0 / np.sqrt(3.0)

_SC_CORES = 2
_SC_SUBCORES = 16
_WINDOW = 128
_SWINDOW = 128
_LANES = 128

_PERM_IN = np.array(
    list(range(16)) + [16 + u * 3 + i for i in range(3) for u in range(16)],
    dtype=np.int32)

_S16_NP = np.zeros((256, 16), np.float32)
for _w in range(16):
    for _u in range(16):
        _S16_NP[_w * 16 + _u, _w] = 1.0

_POUT_NP = np.zeros((64, 64), np.float32)
for _w in range(16):
    _POUT_NP[_w, _w] = 1.0
for _i in range(3):
    for _w in range(16):
        _POUT_NP[16 + _i * 16 + _w, 16 + _w * 3 + _i] = 1.0


def _vector_mesh():
    return plsc.VectorSubcoreMesh(core_axis_name="core", subcore_axis_name="subcore")


def _sc_gather(node_p, src2d):
    n_edges = src2d.shape[1]
    grid = n_edges // _WINDOW

    @functools.partial(
        pl.kernel,
        out_type=jax.ShapeDtypeStruct((n_edges, _LANES), node_p.dtype),
        mesh=_vector_mesh(),
    )
    def gk(node_hbm, idx_hbm, out_hbm):
        def body(i_v, o_v):
            pltpu.sync_copy(node_hbm.at[i_v.at[0]], o_v)

        pltpu.emit_pipeline(
            body,
            grid=(grid,),
            in_specs=[pl.BlockSpec((1, _WINDOW), lambda i: (0, i))],
            out_specs=[pl.BlockSpec((_WINDOW, _LANES), lambda i: (i, 0))],
            core_axis_name=("core", "subcore"),
            dimension_semantics=(pltpu.PARALLEL,),
        )(idx_hbm, out_hbm)

    return gk(node_p, src2d)


def _sc_scatter(msg128, dst2d, src2d, zeros_hbm, n_nodes):
    n_edges = msg128.shape[0]
    grid = n_edges // _SWINDOW
    big = 640
    rest = n_nodes - 15 * big
    nz = 80

    @functools.partial(
        pl.kernel,
        out_type=jax.ShapeDtypeStruct((_SC_CORES * n_nodes, _LANES),
                                      jnp.float32),
        mesh=_vector_mesh(),
        scratch_types=[
            pltpu.VMEM_SHARED((n_nodes, _LANES), jnp.float32),
            pltpu.VMEM((_SWINDOW, _LANES), jnp.float32),
        ],
    )
    def sk(msg_hbm, dst_hbm, srcidx_hbm, z_hbm, aggp_hbm, agg_sh, ones_v):
        c = lax.axis_index("core")
        s = lax.axis_index("subcore")
        zrow = jnp.zeros((16,), jnp.float32)
        onerow = jnp.where(lax.iota(jnp.int32, 16) == 0, 1.0, 0.0)

        @pl.loop(0, _SWINDOW)
        def _(i):
            for k in range(_LANES // 16):
                ones_v[i, pl.ds(16 * k, 16)] = onerow if k == 4 else zrow

        @pl.when(s < 15)
        def _():
            @pl.loop(0, big // nz)
            def _(k):
                pltpu.sync_copy(z_hbm, agg_sh.at[pl.ds(s * big + k * nz, nz)])

        @pl.when(s == 15)
        def _():
            @pl.loop(0, rest // nz)
            def _(k):
                pltpu.sync_copy(z_hbm, agg_sh.at[pl.ds(15 * big + k * nz, nz)])

        plsc.subcore_barrier()

        def body(m_v, d_v, si_v):
            pltpu.sync_copy(m_v, agg_sh.at[d_v.at[0]], add=True)
            pltpu.sync_copy(ones_v, agg_sh.at[si_v.at[0]], add=True)

        pltpu.emit_pipeline(
            body,
            grid=(grid,),
            in_specs=[
                pl.BlockSpec((_SWINDOW, _LANES), lambda i: (i, 0)),
                pl.BlockSpec((1, _SWINDOW), lambda i: (0, i)),
                pl.BlockSpec((1, _SWINDOW), lambda i: (0, i)),
            ],
            out_specs=[],
            core_axis_name=("core", "subcore"),
            dimension_semantics=(pltpu.PARALLEL,),
        )(msg_hbm, dst_hbm, srcidx_hbm)

        plsc.subcore_barrier()

        @pl.when(s < 15)
        def _():
            pltpu.sync_copy(agg_sh.at[pl.ds(s * big, big)],
                            aggp_hbm.at[pl.ds(c * n_nodes + s * big, big)])

        @pl.when(s == 15)
        def _():
            pltpu.sync_copy(agg_sh.at[pl.ds(15 * big, rest)],
                            aggp_hbm.at[pl.ds(c * n_nodes + 15 * big, rest)])

    return sk(msg128, dst2d, src2d, zeros_hbm)


def _tc_dense(xg, ea, sh, Wh, bh2, Wbig, bbig2, s16, block):
    n_edges = xg.shape[0]
    grid = n_edges // block

    def body(x_ref, ea_ref, sh_ref, wh_ref, bh_ref, wb_ref, bb_ref, s16_ref,
             msg_ref):
        x = x_ref[...]
        shv = sh_ref[...]
        hp = jnp.dot(ea_ref[...], wh_ref[...],
                     preferred_element_type=jnp.float32) + bh_ref[...]
        h = hp * (1.0 / (1.0 + jnp.exp(-hp)))
        wb = jnp.dot(h, wb_ref[...],
                     preferred_element_type=jnp.float32) + bb_ref[...]
        x0 = x[:, :16]
        x1 = [x[:, 16 + 16 * i:32 + 16 * i] for i in range(3)]
        y0 = shv[:, 0:1]
        y1 = [shv[:, 1 + i:2 + i] for i in range(3)]
        a1 = x0 * y0
        dotv = (x1[0] * y1[0] + x1[1] * y1[1] + x1[2] * y1[2]) * INV_SQRT3
        vecs = [a1, dotv, x0, x1[0] * y0, x1[1] * y0, x1[2] * y0]
        vbig = jnp.concatenate(
            [jnp.concatenate([v] * 16, axis=1) for v in vecs], axis=1)
        p = wb * vbig
        p01 = p[:, :256] + p[:, 256:512]
        pstk = jnp.concatenate(
            [p01, p[:, 512:768], p[:, 768:1024], p[:, 1024:1280],
             p[:, 1280:1536]], axis=0)
        t = jnp.dot(pstk, s16_ref[...], preferred_element_type=jnp.float32)
        out0 = t[:block]
        t2 = t[block:2 * block]
        out1 = [t2 * y1[i] + t[(2 + i) * block:(3 + i) * block]
                for i in range(3)]
        msg = jnp.concatenate(
            [out0, out1[0], out1[1], out1[2]], axis=1) * ALPHA
        msg_ref[...] = jnp.concatenate(
            [msg, jnp.zeros((block, _LANES - 64), jnp.float32)], axis=1)

    return pl.pallas_call(
        body,
        grid=(grid,),
        in_specs=[
            pl.BlockSpec((block, _LANES), lambda i: (i, 0)),
            pl.BlockSpec((block, 16), lambda i: (i, 0)),
            pl.BlockSpec((block, 4), lambda i: (i, 0)),
            pl.BlockSpec((16, 16), lambda i: (0, 0)),
            pl.BlockSpec((1, 16), lambda i: (0, 0)),
            pl.BlockSpec((16, 1536), lambda i: (0, 0)),
            pl.BlockSpec((1, 1536), lambda i: (0, 0)),
            pl.BlockSpec((256, 16), lambda i: (0, 0)),
        ],
        out_specs=pl.BlockSpec((block, _LANES), lambda i: (i, 0)),
        out_shape=jax.ShapeDtypeStruct((n_edges, _LANES), jnp.float32),
        compiler_params=pltpu.CompilerParams(
            dimension_semantics=("arbitrary",)),
    )(xg, ea, sh, Wh, bh2, Wbig, bbig2, s16)


def _tc_finalize(aggp, pout, n_nodes):
    def body(a_ref, p_ref, o_ref):
        a = a_ref[...]
        agg = a[:n_nodes, :64] + a[n_nodes:, :64]
        deg = a[:n_nodes, 64:65] + a[n_nodes:, 64:65]
        res = agg / jnp.maximum(deg, 1.0)
        o_ref[...] = jnp.dot(res, p_ref[...],
                             preferred_element_type=jnp.float32)

    return pl.pallas_call(
        body,
        out_shape=jax.ShapeDtypeStruct((n_nodes, 64), jnp.float32),
    )(aggp, pout)


def kernel(node_attr, edge_index, edge_attr, edge_sh, Wh, bh, Wo, bo):
    n_nodes, feat = node_attr.shape
    n_edges = edge_index.shape[1]

    node_p = jnp.pad(node_attr[:, _PERM_IN], ((0, 0), (0, _LANES - feat)))
    src2d = edge_index[0].reshape(1, n_edges)
    dst2d = edge_index[1].reshape(1, n_edges)
    wo4 = Wo.reshape(16, 4, 16, 16)
    wp = [jnp.swapaxes(wo4[:, p], 1, 2).reshape(16, 256) for p in range(4)]
    wbig = jnp.concatenate([wp[0], wp[3], wp[1], wp[2], wp[2], wp[2]], axis=1)
    bo4 = bo.reshape(4, 16, 16)
    bp = [bo4[p].T.reshape(256) for p in range(4)]
    bbig2 = jnp.concatenate(
        [bp[0], bp[3], bp[1], bp[2], bp[2], bp[2]]).reshape(1, 1536)
    bh2 = bh.reshape(1, 16)
    s16 = jnp.asarray(_S16_NP)
    pout = jnp.asarray(_POUT_NP)

    xg = _sc_gather(node_p, src2d)
    msg128 = _tc_dense(xg, edge_attr, edge_sh, Wh, bh2, wbig, bbig2, s16,
                       block=1000)
    zeros_hbm = jnp.zeros((80, _LANES), jnp.float32)
    aggp = _sc_scatter(msg128, dst2d, src2d, zeros_hbm, n_nodes)
    return _tc_finalize(aggp, pout, n_nodes)

# --- scband reference (transcript-rebuilt; emitter-appended) ---
"""Pipeline reference for scband-fused-conv-55465207660825 (READ-ONLY COPY).

The authoritative reference and input builder live on the scoring server;
editing this copy changes nothing except your own understanding.
"""

import jax, jax.numpy as jnp
import numpy as np

N = 10000
E = 160000
MUL = 16
EDGE_ATTR_DIM = 16
W_NUMEL = 4 * MUL * MUL  # 4 uvw paths of 16x16 weights each
ALPHA = 1.0 / np.sqrt(2.0 * MUL)  # path normalization: two paths feed each output irrep, fan = 2*MUL
INV_SQRT3 = 1.0 / np.sqrt(3.0)  # CG coefficient for 1o x 1o -> 0e


def _fused_conv(node_attr, edge_attr, edge_sh, Wh, bh, Wo, bo, edge_index):
    # oeq.TensorProductConv(X, Y, W, rows=dst, cols=src): gather X[src], TP with edge_sh,
    # per-edge weights from radial MLP, scatter-add into dst.
    src = edge_index[0]
    dst = edge_index[1]
    # radial_nn: ScalarMLP(edge_attr_dim -> hidden=edge_attr_dim -> weight_numel) with SiLU
    h = jax.nn.silu(edge_attr @ Wh + bh)
    w = h @ Wo + bo  # [E, W_NUMEL]
    w1 = w[:, :MUL * MUL].reshape(E, MUL, MUL)               # 0e x 0e -> 0e
    w2 = w[:, MUL * MUL:2 * MUL * MUL].reshape(E, MUL, MUL)  # 0e x 1o -> 1o
    w3 = w[:, 2 * MUL * MUL:3 * MUL * MUL].reshape(E, MUL, MUL)  # 1o x 0e -> 1o
    w4 = w[:, 3 * MUL * MUL:].reshape(E, MUL, MUL)           # 1o x 1o -> 0e
    x = node_attr[src]  # gather [E, 64]
    x0 = x[:, :MUL]                       # [E, 16] scalars
    x1 = x[:, MUL:].reshape(E, MUL, 3)    # [E, 16, 3] vectors
    y0 = edge_sh[:, 0:1]                  # [E, 1]
    y1 = edge_sh[:, 1:4]                  # [E, 3]
    out0 = jnp.einsum('euw,eu->ew', w1, x0 * y0)
    dot = jnp.einsum('eui,ei->eu', x1, y1) * INV_SQRT3
    out0 = out0 + jnp.einsum('euw,eu->ew', w4, dot)
    out1 = jnp.einsum('euw,eu,ei->ewi', w2, x0, y1)
    out1 = out1 + jnp.einsum('euw,eui->ewi', w3, x1 * y0[:, :, None])
    msg = jnp.concatenate([out0 * ALPHA, (out1 * ALPHA).reshape(E, 3 * MUL)], axis=1)  # [E, 64]
    agg = jnp.zeros((N, 4 * MUL), dtype=msg.dtype).at[dst].add(msg)
    # original code: num_neighbors = scatter(ones_like(src), src); out = agg / clamp_min(deg, 1)
    deg = jnp.zeros((N,), dtype=jnp.float32).at[src].add(1.0)
    return agg / jnp.maximum(deg, 1.0)[:, None]


def setup_inputs(seed: int = 0) -> dict:
    key = jax.random.key(seed)
    ks = jax.random.split(key, 6)
    node_attr = jax.random.normal(ks[0], (N, 4 * MUL), dtype=jnp.float32)
    edge_index = jax.random.randint(ks[1], (2, E), 0, N)
    edge_attr = jax.random.normal(ks[2], (E, EDGE_ATTR_DIM), dtype=jnp.float32)
    edge_sh = jax.random.normal(ks[3], (E, 4), dtype=jnp.float32)
    Wh = jax.random.normal(ks[4], (EDGE_ATTR_DIM, EDGE_ATTR_DIM), dtype=jnp.float32) / np.sqrt(EDGE_ATTR_DIM)
    bh = jnp.zeros((EDGE_ATTR_DIM,), dtype=jnp.float32)
    Wo = jax.random.normal(ks[5], (EDGE_ATTR_DIM, W_NUMEL), dtype=jnp.float32) / np.sqrt(EDGE_ATTR_DIM)
    bo = jnp.zeros((W_NUMEL,), dtype=jnp.float32)
    return {"node_attr": node_attr, "edge_index": edge_index, "edge_attr": edge_attr,
            "edge_sh": edge_sh, "Wh": Wh, "bh": bh, "Wo": Wo, "bo": bo}


def reference(node_attr, edge_index, edge_attr, edge_sh, Wh, bh, Wo, bo):
    return _fused_conv(node_attr, edge_attr, edge_sh, Wh, bh, Wo, bo, edge_index)

if __name__ == "__main__":
    import jax
    _d = setup_inputs()
    print(jax.jit(kernel)(*tuple(_d.values())))

</pallas_src>

<mosaic_0001>
#map = affine_map<(d0, d1) -> (0, 0)>
module attributes {stable_mosaic.version = 14 : i64} {
  func.func @gk(%arg0: i32, %arg1: i32, %arg2: memref<10000x128xf32, #tpu.memory_space<hbm>>, %arg3: memref<1x160000xi32, #tpu.memory_space<hbm>>, %arg4: memref<160000x128xf32, #tpu.memory_space<hbm>>) attributes {dimension_semantics = [#tpu.dimension_semantics<core_parallel>, #tpu.dimension_semantics<subcore_parallel>], iteration_bounds = array<i64: 2, 16>, scalar_prefetch = 0 : i64, scratch_operands = 0 : i64, tpu.core_type = #tpu.core_type<sc_vector_subcore>, window_params = [{transform_indices = #map}, {transform_indices = #map}, {transform_indices = #map}]} {
    %mul3A = arith.constant 1 : i32
    %mul3A_0 = arith.muli %arg1, %mul3A : i32
    %add3A = arith.constant 0 : i32
    %add3A_1 = arith.addi %add3A, %mul3A_0 : i32
    %mul3A_2 = arith.constant 16 : i32
    %mul3A_3 = arith.muli %arg0, %mul3A_2 : i32
    %add3A_4 = arith.addi %add3A_1, %mul3A_3 : i32
    %lt3A = arith.constant 2 : i32
    %lt3A_5 = arith.cmpi slt, %add3A_4, %lt3A : i32
    %jit3A = arith.constant 40 : i32
    %jit3A_6 = arith.constant 39 : i32
    %select_n3A = arith.select %lt3A_5, %jit3A, %jit3A_6 : i32
    %lt3A_7 = arith.constant 2 : i32
    %lt3A_8 = arith.cmpi slt, %add3A_4, %lt3A_7 : i32
    %mul3A_9 = arith.muli %add3A_4, %select_n3A : i32
    %mul3A_10 = arith.constant 39 : i32
    %mul3A_11 = arith.muli %add3A_4, %mul3A_10 : i32
    %add3A_12 = arith.constant 2 : i32
    %add3A_13 = arith.addi %mul3A_11, %add3A_12 : i32
    %select_n3A_14 = arith.select %lt3A_8, %mul3A_9, %add3A_13 : i32
    %mul3A_15 = arith.constant 1 : i32
    %mul3A_16 = arith.muli %mul3A_15, %select_n3A : i32
    "tpu.region"() ({
      %run_scoped3A = memref.alloca() : memref<2x1x128xi32, #tpu.memory_space<vmem>>
      %run_scoped3A_17 = tpu.sem_alloc : memref<2x!tpu.dma_semaphore, #tpu.memory_space<semaphore_mem>>
      %run_scoped3A_18 = memref.alloca() : memref<2x128x128xf32, #tpu.memory_space<vmem>>
      %run_scoped3A_19 = tpu.sem_alloc : memref<2x!tpu.dma_semaphore, #tpu.memory_space<semaphore_mem>>
      %gt3A = arith.constant 0 : i32
      %gt3A_20 = arith.cmpi sgt, %mul3A_16, %gt3A : i32
      %convert_element_type3A = arith.extui %gt3A_20 : i1 to i32
      %cond3A = arith.constant 0 : i32
      %cond3A_21 = arith.cmpi ne, %convert_element_type3A, %cond3A : i32
      scf.if %cond3A_21 {
        %mul3A_22 = arith.constant 1 : i32
        %mul3A_23 = arith.muli %mul3A_22, %select_n3A : i32
        %sub3A = arith.constant 1 : i32
        %sub3A_24 = arith.subi %mul3A_23, %sub3A : i32
        %eq3A = arith.constant 0 : i32
        %eq3A_25 = arith.cmpi eq, %sub3A_24, %eq3A : i32
        %add3A_26 = arith.constant 0 : i32
        %add3A_27 = arith.addi %add3A_26, %select_n3A_14 : i32
        %select_n3A_28 = arith.constant true
        %select_n3A_29 = arith.constant 0 : i32
        %select_n3A_30 = arith.constant -1 : i32
        %select_n3A_31 = arith.select %select_n3A_28, %select_n3A_30, %select_n3A_29 : i32
        %eq3A_32 = arith.constant -1 : i32
        %eq3A_33 = arith.cmpi eq, %select_n3A_31, %eq3A_32 : i32
        %sub3A_34 = arith.constant 1 : i32
        %sub3A_35 = arith.subi %select_n3A, %sub3A_34 : i32
        %select_n3A_36 = arith.select %eq3A_33, %sub3A_35, %select_n3A_31 : i32
        %add3A_37 = arith.addi %select_n3A_36, %select_n3A_14 : i32
        %select_n3A_38 = arith.constant true
        %select_n3A_39 = arith.constant 0 : i32
        %select_n3A_40 = arith.constant 1 : i32
        %select_n3A_41 = arith.select %select_n3A_38, %select_n3A_40, %select_n3A_39 : i32
        %eq3A_42 = arith.cmpi eq, %select_n3A_41, %select_n3A : i32
        %select_n3A_43 = arith.constant 0 : i32
        %select_n3A_44 = arith.select %eq3A_42, %select_n3A_43, %select_n3A_41 : i32
        %add3A_45 = arith.addi %select_n3A_44, %select_n3A_14 : i32
        %add3A_46 = arith.constant 1 : i32
        %add3A_47 = arith.addi %select_n3A_44, %add3A_46 : i32
        %select_n3A_48 = arith.constant true
        %select_n3A_49 = arith.select %select_n3A_48, %add3A_47, %select_n3A_44 : i32
        %eq3A_50 = arith.cmpi eq, %select_n3A_49, %select_n3A : i32
        %select_n3A_51 = arith.constant 0 : i32
        %select_n3A_52 = arith.select %eq3A_50, %select_n3A_51, %select_n3A_49 : i32
        %add3A_53 = arith.addi %select_n3A_52, %select_n3A_14 : i32
        "tpu.trace_start"() <{level = 10 : i32, message = "ep_initialize_0"}> : () -> ()
        %rem3A = arith.constant 0 : i32
        %rem3A_54 = arith.constant 2 : i32
        %rem3A_55 = arith.remui %rem3A, %rem3A_54 : i32
        %mul3A_56 = arith.constant 128 : i32
        %mul3A_57 = arith.muli %mul3A_56, %add3A_27 : i32
        %dma_start3A = arith.constant 0 : i32
        %dma_start3A_58 = arith.constant 0 : i32
        %dma_start3A_59 = tpu.memref_slice %run_scoped3A[%rem3A_55, %dma_start3A, %dma_start3A_58] : memref<2x1x128xi32, #tpu.memory_space<vmem>> -> memref<1x1x128xi32, #tpu.memory_space<vmem>>
        %dma_start3A_60 = tpu.memref_squeeze %dma_start3A_59 : memref<1x1x128xi32, #tpu.memory_space<vmem>> -> memref<1x128xi32, #tpu.memory_space<vmem>>
        %dma_start3A_61 = arith.constant 0 : i32
        %dma_start3A_62 = tpu.memref_slice %arg3[%dma_start3A_61, %mul3A_57] : memref<1x160000xi32, #tpu.memory_space<hbm>> -> memref<1x128xi32, #tpu.memory_space<hbm>>
        %dma_start3A_63 = tpu.memref_slice %run_scoped3A_17[%rem3A_55] : memref<2x!tpu.dma_semaphore, #tpu.memory_space<semaphore_mem>> -> memref<1x!tpu.dma_semaphore, #tpu.memory_space<semaphore_mem>>
        %dma_start3A_64 = tpu.memref_squeeze %dma_start3A_63 : memref<1x!tpu.dma_semaphore, #tpu.memory_space<semaphore_mem>> -> memref<!tpu.dma_semaphore, #tpu.memory_space<semaphore_mem>>
        %dma_start3A_65 = arith.constant 0 : i32
        %dma_start3A_66 = arith.constant 0 : i32
        %dma_start3A_67 = tpu.memref_slice %run_scoped3A[%rem3A_55, %dma_start3A_65, %dma_start3A_66] : memref<2x1x128xi32, #tpu.memory_space<vmem>> -> memref<1x1x128xi32, #tpu.memory_space<vmem>>
        %dma_start3A_68 = tpu.memref_squeeze %dma_start3A_67 : memref<1x1x128xi32, #tpu.memory_space<vmem>> -> memref<1x128xi32, #tpu.memory_space<vmem>>
        %dma_start3A_69 = arith.constant 0 : i32
        %dma_start3A_70 = tpu.memref_slice %arg3[%dma_start3A_69, %mul3A_57] : memref<1x160000xi32, #tpu.memory_space<hbm>> -> memref<1x128xi32, #tpu.memory_space<hbm>>
        tpu.enqueue_dma source(%dma_start3A_70 : memref<1x128xi32, #tpu.memory_space<hbm>>) target(%dma_start3A_68 : memref<1x128xi32, #tpu.memory_space<vmem>>) target_semaphore(%dma_start3A_64 : memref<!tpu.dma_semaphore, #tpu.memory_space<semaphore_mem>>)
        %add3A_71 = arith.constant 0 : i32
        %add3A_72 = arith.constant 1 : i32
        %add3A_73 = arith.addi %add3A_71, %add3A_72 : i32
        %select_n3A_74 = arith.constant true
        %select_n3A_75 = arith.constant 0 : i32
        %select_n3A_76 = arith.select %select_n3A_74, %add3A_73, %select_n3A_75 : i32
        %while3A = arith.constant 0 : i32
        %while3A_77 = arith.constant 0 : i32
        %while3A_78 = arith.constant 0 : i32
        %while3A_79 = arith.constant 0 : i32
        %while3A_80 = arith.constant 0 : i32
        "tpu.trace_stop"() : () -> ()
        %while3A_81 = arith.subi %mul3A_16, %while3A : i32
        %while3A_82 = arith.addi %while3A, %while3A_81 : i32
        %while3A_83 = arith.constant 1 : i32
        %while3A_84 = arith.divsi %while3A_81, %while3A_83 : i32
        %while3A_85 = arith.muli %while3A_84, %while3A_83 : i32
        %while3A_86 = arith.addi %while3A, %while3A_85 : i32
        %while3A_87 = arith.constant 1 : i32
        %while3A_88:5 = scf.for %while3A_142 = %while3A to %while3A_86 step %while3A_87 iter_args(%while3A_143 = %select_n3A_76, %while3A_144 = %while3A_77, %while3A_145 = %while3A_78, %while3A_146 = %while3A_79, %while3A_147 = %while3A_80) -> (i32, i32, i32, i32, i32)  : i32 {
          %mul3A_148 = arith.constant 1 : i32
          %mul3A_149 = arith.muli %mul3A_148, %select_n3A : i32
          %eq3A_150 = arith.constant 0 : i32
          %eq3A_151 = arith.cmpi eq, %while3A_142, %eq3A_150 : i32
          %sub3A_152 = arith.constant 1 : i32
          %sub3A_153 = arith.subi %mul3A_149, %sub3A_152 : i32
          %eq3A_154 = arith.cmpi eq, %while3A_142, %sub3A_153 : i32
          %add3A_155 = arith.addi %while3A_147, %select_n3A_14 : i32
          %sub3A_156 = arith.constant 1 : i32
          %sub3A_157 = arith.subi %while3A_147, %sub3A_156 : i32
          %select_n3A_158 = arith.constant true
          %select_n3A_159 = arith.select %select_n3A_158, %sub3A_157, %while3A_147 : i32
          %eq3A_160 = arith.constant -1 : i32
          %eq3A_161 = arith.cmpi eq, %select_n3A_159, %eq3A_160 : i32
          %sub3A_162 = arith.constant 1 : i32
          %sub3A_163 = arith.subi %select_n3A, %sub3A_162 : i32
          %select_n3A_164 = arith.select %eq3A_161, %sub3A_163, %select_n3A_159 : i32
          %add3A_165 = arith.addi %select_n3A_164, %select_n3A_14 : i32
          %add3A_166 = arith.constant 1 : i32
          %add3A_167 = arith.addi %while3A_147, %add3A_166 : i32
          %select_n3A_168 = arith.constant true
          %select_n3A_169 = arith.select %select_n3A_168, %add3A_167, %while3A_147 : i32
          %eq3A_170 = arith.cmpi eq, %select_n3A_169, %select_n3A : i32
          %select_n3A_171 = arith.constant 0 : i32
          %select_n3A_172 = arith.select %eq3A_170, %select_n3A_171, %select_n3A_169 : i32
          %add3A_173 = arith.addi %select_n3A_172, %select_n3A_14 : i32
          %add3A_174 = arith.constant 1 : i32
          %add3A_175 = arith.addi %select_n3A_172, %add3A_174 : i32
          %select_n3A_176 = arith.constant true
          %select_n3A_177 = arith.select %select_n3A_176, %add3A_175, %select_n3A_172 : i32
          %eq3A_178 = arith.cmpi eq, %select_n3A_177, %select_n3A : i32
          %select_n3A_179 = arith.constant 0 : i32
          %select_n3A_180 = arith.select %eq3A_178, %select_n3A_179, %select_n3A_177 : i32
          %add3A_181 = arith.addi %select_n3A_180, %select_n3A_14 : i32
          %ne3A = arith.cmpi ne, %add3A_155, %add3A_173 : i32
          %or3A = arith.constant false
          %or3A_182 = arith.ori %or3A, %ne3A : i1
          %sub3A_183 = arith.constant 2 : i32
          %sub3A_184 = arith.subi %mul3A_149, %sub3A_183 : i32
          %add3A_185 = arith.constant 1 : i32
          %add3A_186 = arith.addi %sub3A_184, %add3A_185 : i32
          %ge3A = arith.cmpi sge, %while3A_142, %add3A_186 : i32
          %not3A = arith.constant true
          %not3A_187 = arith.xori %ge3A, %not3A : i1
          %and3A = arith.andi %or3A_182, %not3A_187 : i1
          %convert_element_type3A_188 = arith.extui %and3A : i1 to i32
          %cond3A_189 = arith.constant 0 : i32
          %cond3A_190 = arith.cmpi ne, %convert_element_type3A_188, %cond3A_189 : i32
          scf.if %cond3A_190 {
            "tpu.trace_start"() <{level = 10 : i32, message = "ep_copy_in"}> : () -> ()
            %rem3A_294 = arith.constant 2 : i32
            %rem3A_295 = arith.remui %while3A_143, %rem3A_294 : i32
            %mul3A_296 = arith.constant 128 : i32
            %mul3A_297 = arith.muli %mul3A_296, %add3A_173 : i32
            %dma_start3A_298 = arith.constant 0 : i32
            %dma_start3A_299 = arith.constant 0 : i32
            %dma_start3A_300 = tpu.memref_slice %run_scoped3A[%rem3A_295, %dma_start3A_298, %dma_start3A_299] : memref<2x1x128xi32, #tpu.memory_space<vmem>> -> memref<1x1x128xi32, #tpu.memory_space<vmem>>
            %dma_start3A_301 = tpu.memref_squeeze %dma_start3A_300 : memref<1x1x128xi32, #tpu.memory_space<vmem>> -> memref<1x128xi32, #tpu.memory_space<vmem>>
            %dma_start3A_302 = arith.constant 0 : i32
            %dma_start3A_303 = tpu.memref_slice %arg3[%dma_start3A_302, %mul3A_297] : memref<1x160000xi32, #tpu.memory_space<hbm>> -> memref<1x128xi32, #tpu.memory_space<hbm>>
            %dma_start3A_304 = tpu.memref_slice %run_scoped3A_17[%rem3A_295] : memref<2x!tpu.dma_semaphore, #tpu.memory_space<semaphore_mem>> -> memref<1x!tpu.dma_semaphore, #tpu.memory_space<semaphore_mem>>
            %dma_start3A_305 = tpu.memref_squeeze %dma_start3A_304 : memref<1x!tpu.dma_semaphore, #tpu.memory_space<semaphore_mem>> -> memref<!tpu.dma_semaphore, #tpu.memory_space<semaphore_mem>>
            %dma_start3A_306 = arith.constant 0 : i32
            %dma_start3A_307 = arith.constant 0 : i32
            %dma_start3A_308 = tpu.memref_slice %run_scoped3A[%rem3A_295, %dma_start3A_306, %dma_start3A_307] : memref<2x1x128xi32, #tpu.memory_space<vmem>> -> memref<1x1x128xi32, #tpu.memory_space<vmem>>
            %dma_start3A_309 = tpu.memref_squeeze %dma_start3A_308 : memref<1x1x128xi32, #tpu.memory_space<vmem>> -> memref<1x128xi32, #tpu.memory_space<vmem>>
            %dma_start3A_310 = arith.constant 0 : i32
            %dma_start3A_311 = tpu.memref_slice %arg3[%dma_start3A_310, %mul3A_297] : memref<1x160000xi32, #tpu.memory_space<hbm>> -> memref<1x128xi32, #tpu.memory_space<hbm>>
            tpu.enqueue_dma source(%dma_start3A_311 : memref<1x128xi32, #tpu.memory_space<hbm>>) target(%dma_start3A_309 : memref<1x128xi32, #tpu.memory_space<vmem>>) target_semaphore(%dma_start3A_305 : memref<!tpu.dma_semaphore, #tpu.memory_space<semaphore_mem>>)
            "tpu.trace_stop"() : () -> ()
          } else {
          }
          %and3A_191 = arith.constant true
          %and3A_192 = arith.andi %and3A, %and3A_191 : i1
          %add3A_193 = arith.constant 1 : i32
          %add3A_194 = arith.addi %while3A_143, %add3A_193 : i32
          %select_n3A_195 = arith.select %and3A_192, %add3A_194, %while3A_143 : i32
          %ne3A_196 = arith.cmpi ne, %add3A_155, %add3A_173 : i32
          %or3A_197 = arith.constant false
          %or3A_198 = arith.ori %or3A_197, %ne3A_196 : i1
          %or3A_199 = arith.constant false
          %or3A_200 = arith.ori %or3A_198, %or3A_199 : i1
          %sub3A_201 = arith.constant 2 : i32
          %sub3A_202 = arith.subi %mul3A_149, %sub3A_201 : i32
          %add3A_203 = arith.constant 1 : i32
          %add3A_204 = arith.addi %sub3A_202, %add3A_203 : i32
          %ge3A_205 = arith.cmpi sge, %while3A_142, %add3A_204 : i32
          %not3A_206 = arith.constant true
          %not3A_207 = arith.xori %ge3A_205, %not3A_206 : i1
          %and3A_208 = arith.andi %or3A_200, %not3A_207 : i1
          %ne3A_209 = arith.cmpi ne, %add3A_155, %add3A_165 : i32
          %or3A_210 = arith.constant false
          %or3A_211 = arith.ori %or3A_210, %ne3A_209 : i1
          %or3A_212 = arith.ori %or3A_211, %eq3A_151 : i1
          %convert_element_type3A_213 = arith.extui %or3A_212 : i1 to i32
          %cond3A_214 = arith.constant 0 : i32
          %cond3A_215 = arith.cmpi ne, %convert_element_type3A_213, %cond3A_214 : i32
          scf.if %cond3A_215 {
            "tpu.trace_start"() <{level = 10 : i32, message = "ep_wait_in"}> : () -> ()
            %mul3A_294 = arith.constant 128 : i32
            %mul3A_295 = arith.muli %mul3A_294, %add3A_155 : i32
            %rem3A_296 = arith.constant 2 : i32
            %rem3A_297 = arith.remui %while3A_144, %rem3A_296 : i32
            %dma_wait3A = arith.constant 0 : i32
            %dma_wait3A_298 = arith.constant 0 : i32
            %dma_wait3A_299 = tpu.memref_slice %run_scoped3A[%rem3A_297, %dma_wait3A, %dma_wait3A_298] : memref<2x1x128xi32, #tpu.memory_space<vmem>> -> memref<1x1x128xi32, #tpu.memory_space<vmem>>
            %dma_wait3A_300 = tpu.memref_squeeze %dma_wait3A_299 : memref<1x1x128xi32, #tpu.memory_space<vmem>> -> memref<1x128xi32, #tpu.memory_space<vmem>>
            %dma_wait3A_301 = arith.constant 0 : i32
            %dma_wait3A_302 = tpu.memref_slice %arg3[%dma_wait3A_301, %mul3A_295] : memref<1x160000xi32, #tpu.memory_space<hbm>> -> memref<1x128xi32, #tpu.memory_space<hbm>>
            %dma_wait3A_303 = tpu.memref_slice %run_scoped3A_17[%rem3A_297] : memref<2x!tpu.dma_semaphore, #tpu.memory_space<semaphore_mem>> -> memref<1x!tpu.dma_semaphore, #tpu.memory_space<semaphore_mem>>
            %dma_wait3A_304 = tpu.memref_squeeze %dma_wait3A_303 : memref<1x!tpu.dma_semaphore, #tpu.memory_space<semaphore_mem>> -> memref<!tpu.dma_semaphore, #tpu.memory_space<semaphore_mem>>
            %dma_wait3A_305 = arith.constant 0 : i32
            %dma_wait3A_306 = arith.constant 0 : i32
            %dma_wait3A_307 = tpu.memref_slice %run_scoped3A[%rem3A_297, %dma_wait3A_305, %dma_wait3A_306] : memref<2x1x128xi32, #tpu.memory_space<vmem>> -> memref<1x1x128xi32, #tpu.memory_space<vmem>>
            %dma_wait3A_308 = tpu.memref_squeeze %dma_wait3A_307 : memref<1x1x128xi32, #tpu.memory_space<vmem>> -> memref<1x128xi32, #tpu.memory_space<vmem>>
            %dma_wait3A_309 = arith.constant 0 : i32
            %dma_wait3A_310 = tpu.memref_slice %arg3[%dma_wait3A_309, %mul3A_295] : memref<1x160000xi32, #tpu.memory_space<hbm>> -> memref<1x128xi32, #tpu.memory_space<hbm>>
            tpu.wait_dma2 semaphore(%dma_wait3A_304 : memref<!tpu.dma_semaphore, #tpu.memory_space<semaphore_mem>>) src(%dma_wait3A_310 : memref<1x128xi32, #tpu.memory_space<hbm>>) dst(%dma_wait3A_308 : memref<1x128xi32, #tpu.memory_space<vmem>>)
            "tpu.trace_stop"() : () -> ()
          } else {
          }
          %ne3A_216 = arith.cmpi ne, %add3A_155, %add3A_165 : i32
          %or3A_217 = arith.constant false
          %or3A_218 = arith.ori %or3A_217, %ne3A_216 : i1
          %or3A_219 = arith.constant false
          %or3A_220 = arith.ori %or3A_218, %or3A_219 : i1
          %or3A_221 = arith.ori %or3A_220, %eq3A_151 : i1
          %convert_element_type3A_222 = arith.extui %or3A_221 : i1 to i32
          %cond3A_223 = arith.constant 0 : i32
          %cond3A_224 = arith.cmpi ne, %convert_element_type3A_222, %cond3A_223 : i32
          scf.if %cond3A_224 {
          } else {
          }
          %rem3A_225 = arith.constant 2 : i32
          %rem3A_226 = arith.remui %while3A_144, %rem3A_225 : i32
          %rem3A_227 = arith.constant 2 : i32
          %rem3A_228 = arith.remui %while3A_145, %rem3A_227 : i32
          %run_scoped3A_229 = arith.constant 0 : i32
          "tpu.trace_start"() <{level = 10 : i32, message = "ep_run_kernel"}> : () -> ()
          "tpu.region"() ({
            %run_scoped3A_294 = tpu.sem_alloc : memref<!tpu.dma_semaphore, #tpu.memory_space<semaphore_mem>>
            %dma_start3A_295 = arith.constant 0 : i32
            %dma_start3A_296 = arith.constant 0 : i32
            %dma_start3A_297 = tpu.memref_slice %run_scoped3A_18[%rem3A_228, %dma_start3A_295, %dma_start3A_296] : memref<2x128x128xf32, #tpu.memory_space<vmem>> -> memref<1x128x128xf32, #tpu.memory_space<vmem>>
            %dma_start3A_298 = tpu.memref_squeeze %dma_start3A_297 : memref<1x128x128xf32, #tpu.memory_space<vmem>> -> memref<128x128xf32, #tpu.memory_space<vmem>>
            %dma_start3A_299 = arith.constant 0 : i32
            %dma_start3A_300 = arith.constant 0 : i32
            %dma_start3A_301 = tpu.memref_slice %run_scoped3A[%rem3A_226, %dma_start3A_299, %dma_start3A_300] : memref<2x1x128xi32, #tpu.memory_space<vmem>> -> memref<1x1x128xi32, #tpu.memory_space<vmem>>
            %dma_start3A_302 = tpu.memref_squeeze %dma_start3A_301 : memref<1x1x128xi32, #tpu.memory_space<vmem>> -> memref<1x128xi32, #tpu.memory_space<vmem>>
            %dma_start3A_303 = arith.constant 0 : i32
            %dma_start3A_304 = tpu.memref_slice %dma_start3A_302[%run_scoped3A_229, %dma_start3A_303] : memref<1x128xi32, #tpu.memory_space<vmem>> -> memref<1x128xi32, #tpu.memory_space<vmem>>
            %dma_start3A_305 = tpu.memref_squeeze %dma_start3A_304 : memref<1x128xi32, #tpu.memory_space<vmem>> -> memref<128xi32, #tpu.memory_space<vmem>>
            %dma_start3A_306 = arith.constant 0 : i32
            %dma_start3A_307 = arith.constant 0 : i32
            %dma_start3A_308 = tpu.memref_slice %arg2[%dma_start3A_306, %dma_start3A_307] : memref<10000x128xf32, #tpu.memory_space<hbm>> -> memref<10000x128xf32, #tpu.memory_space<hbm>>
            tpu.enqueue_indirect_dma source(%dma_start3A_308 : memref<10000x128xf32, #tpu.memory_space<hbm>>) target(%dma_start3A_298 : memref<128x128xf32, #tpu.memory_space<vmem>>) offsets(%dma_start3A_305 : memref<128xi32, #tpu.memory_space<vmem>>) semaphore(%run_scoped3A_294 : memref<!tpu.dma_semaphore, #tpu.memory_space<semaphore_mem>>)
            %dma_wait3A = arith.constant 0 : i32
            %dma_wait3A_309 = arith.constant 0 : i32
            %dma_wait3A_310 = tpu.memref_slice %run_scoped3A_18[%rem3A_228, %dma_wait3A, %dma_wait3A_309] : memref<2x128x128xf32, #tpu.memory_space<vmem>> -> memref<1x128x128xf32, #tpu.memory_space<vmem>>
            %dma_wait3A_311 = tpu.memref_squeeze %dma_wait3A_310 : memref<1x128x128xf32, #tpu.memory_space<vmem>> -> memref<128x128xf32, #tpu.memory_space<vmem>>
            %dma_wait3A_312 = arith.constant 0 : i32
            %dma_wait3A_313 = arith.constant 0 : i32
            %dma_wait3A_314 = tpu.memref_slice %run_scoped3A[%rem3A_226, %dma_wait3A_312, %dma_wait3A_313] : memref<2x1x128xi32, #tpu.memory_space<vmem>> -> memref<1x1x128xi32, #tpu.memory_space<vmem>>
            %dma_wait3A_315 = tpu.memref_squeeze %dma_wait3A_314 : memref<1x1x128xi32, #tpu.memory_space<vmem>> -> memref<1x128xi32, #tpu.memory_space<vmem>>
            %dma_wait3A_316 = arith.constant 0 : i32
            %dma_wait3A_317 = tpu.memref_slice %dma_wait3A_315[%run_scoped3A_229, %dma_wait3A_316] : memref<1x128xi32, #tpu.memory_space<vmem>> -> memref<1x128xi32, #tpu.memory_space<vmem>>
            %dma_wait3A_318 = tpu.memref_squeeze %dma_wait3A_317 : memref<1x128xi32, #tpu.memory_space<vmem>> -> memref<128xi32, #tpu.memory_space<vmem>>
            %dma_wait3A_319 = arith.constant 0 : i32
            %dma_wait3A_320 = arith.constant 0 : i32
            %dma_wait3A_321 = tpu.memref_slice %arg2[%dma_wait3A_319, %dma_wait3A_320] : memref<10000x128xf32, #tpu.memory_space<hbm>> -> memref<10000x128xf32, #tpu.memory_space<hbm>>
            tpu.wait_indirect_dma semaphore(%run_scoped3A_294 : memref<!tpu.dma_semaphore, #tpu.memory_space<semaphore_mem>>) src(%dma_wait3A_321 : memref<10000x128xf32, #tpu.memory_space<hbm>>) dst(%dma_wait3A_311 : memref<128x128xf32, #tpu.memory_space<vmem>>)
            tpu.yield
          }) : () -> ()
          "tpu.trace_stop"() : () -> ()
          %ne3A_230 = arith.cmpi ne, %add3A_155, %add3A_173 : i32
          %or3A_231 = arith.constant false
          %or3A_232 = arith.ori %or3A_231, %ne3A_230 : i1
          %or3A_233 = arith.ori %or3A_232, %eq3A_154 : i1
          %convert_element_type3A_234 = arith.extui %or3A_233 : i1 to i32
          %cond3A_235 = arith.constant 0 : i32
          %cond3A_236 = arith.cmpi ne, %convert_element_type3A_234, %cond3A_235 : i32
          scf.if %cond3A_236 {
          } else {
          }
          %and3A_237 = arith.constant false
          %and3A_238 = arith.andi %or3A_233, %and3A_237 : i1
          %ne3A_239 = arith.cmpi ne, %add3A_155, %add3A_173 : i32
          %or3A_240 = arith.constant false
          %or3A_241 = arith.ori %or3A_240, %ne3A_239 : i1
          %or3A_242 = arith.constant false
          %or3A_243 = arith.ori %or3A_241, %or3A_242 : i1
          %or3A_244 = arith.ori %or3A_243, %eq3A_154 : i1
          %convert_element_type3A_245 = arith.extui %or3A_244 : i1 to i32
          %cond3A_246 = arith.constant 0 : i32
          %cond3A_247 = arith.cmpi ne, %convert_element_type3A_245, %cond3A_246 : i32
          scf.if %cond3A_247 {
            "tpu.trace_start"() <{level = 10 : i32, message = "ep_copy_out"}> : () -> ()
            %rem3A_294 = arith.constant 2 : i32
            %rem3A_295 = arith.remui %while3A_145, %rem3A_294 : i32
            %mul3A_296 = arith.constant 128 : i32
            %mul3A_297 = arith.muli %mul3A_296, %add3A_155 : i32
            %dma_start3A_298 = arith.constant 0 : i32
            %dma_start3A_299 = arith.constant 0 : i32
            %dma_start3A_300 = tpu.memref_slice %run_scoped3A_18[%rem3A_295, %dma_start3A_298, %dma_start3A_299] : memref<2x128x128xf32, #tpu.memory_space<vmem>> -> memref<1x128x128xf32, #tpu.memory_space<vmem>>
            %dma_start3A_301 = tpu.memref_squeeze %dma_start3A_300 : memref<1x128x128xf32, #tpu.memory_space<vmem>> -> memref<128x128xf32, #tpu.memory_space<vmem>>
            %dma_start3A_302 = arith.constant 0 : i32
            %dma_start3A_303 = tpu.memref_slice %arg4[%mul3A_297, %dma_start3A_302] : memref<160000x128xf32, #tpu.memory_space<hbm>> -> memref<128x128xf32, #tpu.memory_space<hbm>>
            %dma_start3A_304 = tpu.memref_slice %run_scoped3A_19[%rem3A_295] : memref<2x!tpu.dma_semaphore, #tpu.memory_space<semaphore_mem>> -> memref<1x!tpu.dma_semaphore, #tpu.memory_space<semaphore_mem>>
            %dma_start3A_305 = tpu.memref_squeeze %dma_start3A_304 : memref<1x!tpu.dma_semaphore, #tpu.memory_space<semaphore_mem>> -> memref<!tpu.dma_semaphore, #tpu.memory_space<semaphore_mem>>
            %dma_start3A_306 = arith.constant 0 : i32
            %dma_start3A_307 = tpu.memref_slice %arg4[%mul3A_297, %dma_start3A_306] : memref<160000x128xf32, #tpu.memory_space<hbm>> -> memref<128x128xf32, #tpu.memory_space<hbm>>
            %dma_start3A_308 = arith.constant 0 : i32
            %dma_start3A_309 = arith.constant 0 : i32
            %dma_start3A_310 = tpu.memref_slice %run_scoped3A_18[%rem3A_295, %dma_start3A_308, %dma_start3A_309] : memref<2x128x128xf32, #tpu.memory_space<vmem>> -> memref<1x128x128xf32, #tpu.memory_space<vmem>>
            %dma_start3A_311 = tpu.memref_squeeze %dma_start3A_310 : memref<1x128x128xf32, #tpu.memory_space<vmem>> -> memref<128x128xf32, #tpu.memory_space<vmem>>
            tpu.enqueue_dma source(%dma_start3A_311 : memref<128x128xf32, #tpu.memory_space<vmem>>) target(%dma_start3A_307 : memref<128x128xf32, #tpu.memory_space<hbm>>) target_semaphore(%dma_start3A_305 : memref<!tpu.dma_semaphore, #tpu.memory_space<semaphore_mem>>)
            "tpu.trace_stop"() : () -> ()
          } else {
          }
          %and3A_248 = arith.constant true
          %and3A_249 = arith.andi %or3A_244, %and3A_248 : i1
          %add3A_250 = arith.constant 1 : i32
          %add3A_251 = arith.addi %while3A_145, %add3A_250 : i32
          %select_n3A_252 = arith.select %and3A_249, %add3A_251, %while3A_145 : i32
          %ne3A_253 = arith.cmpi ne, %add3A_155, %add3A_165 : i32
          %or3A_254 = arith.constant false
          %or3A_255 = arith.ori %or3A_254, %ne3A_253 : i1
          %not3A_256 = arith.constant true
          %not3A_257 = arith.xori %eq3A_151, %not3A_256 : i1
          %and3A_258 = arith.andi %or3A_255, %not3A_257 : i1
          %convert_element_type3A_259 = arith.extui %and3A_258 : i1 to i32
          %cond3A_260 = arith.constant 0 : i32
          %cond3A_261 = arith.cmpi ne, %convert_element_type3A_259, %cond3A_260 : i32
          scf.if %cond3A_261 {
          } else {
          }
          %and3A_262 = arith.constant false
          %and3A_263 = arith.andi %and3A_258, %and3A_262 : i1
          %ne3A_264 = arith.cmpi ne, %add3A_155, %add3A_165 : i32
          %or3A_265 = arith.constant false
          %or3A_266 = arith.ori %or3A_265, %ne3A_264 : i1
          %or3A_267 = arith.constant false
          %or3A_268 = arith.ori %or3A_266, %or3A_267 : i1
          %not3A_269 = arith.constant true
          %not3A_270 = arith.xori %eq3A_151, %not3A_269 : i1
          %and3A_271 = arith.andi %or3A_268, %not3A_270 : i1
          %convert_element_type3A_272 = arith.extui %and3A_271 : i1 to i32
          %cond3A_273 = arith.constant 0 : i32
          %cond3A_274 = arith.cmpi ne, %convert_element_type3A_272, %cond3A_273 : i32
          scf.if %cond3A_274 {
            "tpu.trace_start"() <{level = 10 : i32, message = "ep_wait_out"}> : () -> ()
            %rem3A_294 = arith.constant 2 : i32
            %rem3A_295 = arith.remui %while3A_146, %rem3A_294 : i32
            %mul3A_296 = arith.constant 128 : i32
            %mul3A_297 = arith.muli %mul3A_296, %add3A_165 : i32
            %dma_wait3A = arith.constant 0 : i32
            %dma_wait3A_298 = arith.constant 0 : i32
            %dma_wait3A_299 = tpu.memref_slice %run_scoped3A_18[%rem3A_295, %dma_wait3A, %dma_wait3A_298] : memref<2x128x128xf32, #tpu.memory_space<vmem>> -> memref<1x128x128xf32, #tpu.memory_space<vmem>>
            %dma_wait3A_300 = tpu.memref_squeeze %dma_wait3A_299 : memref<1x128x128xf32, #tpu.memory_space<vmem>> -> memref<128x128xf32, #tpu.memory_space<vmem>>
            %dma_wait3A_301 = arith.constant 0 : i32
            %dma_wait3A_302 = tpu.memref_slice %arg4[%mul3A_297, %dma_wait3A_301] : memref<160000x128xf32, #tpu.memory_space<hbm>> -> memref<128x128xf32, #tpu.memory_space<hbm>>
            %dma_wait3A_303 = tpu.memref_slice %run_scoped3A_19[%rem3A_295] : memref<2x!tpu.dma_semaphore, #tpu.memory_space<semaphore_mem>> -> memref<1x!tpu.dma_semaphore, #tpu.memory_space<semaphore_mem>>
            %dma_wait3A_304 = tpu.memref_squeeze %dma_wait3A_303 : memref<1x!tpu.dma_semaphore, #tpu.memory_space<semaphore_mem>> -> memref<!tpu.dma_semaphore, #tpu.memory_space<semaphore_mem>>
            %dma_wait3A_305 = arith.constant 0 : i32
            %dma_wait3A_306 = tpu.memref_slice %arg4[%mul3A_297, %dma_wait3A_305] : memref<160000x128xf32, #tpu.memory_space<hbm>> -> memref<128x128xf32, #tpu.memory_space<hbm>>
            %dma_wait3A_307 = arith.constant 0 : i32
            %dma_wait3A_308 = arith.constant 0 : i32
            %dma_wait3A_309 = tpu.memref_slice %run_scoped3A_18[%rem3A_295, %dma_wait3A_307, %dma_wait3A_308] : memref<2x128x128xf32, #tpu.memory_space<vmem>> -> memref<1x128x128xf32, #tpu.memory_space<vmem>>
            %dma_wait3A_310 = tpu.memref_squeeze %dma_wait3A_309 : memref<1x128x128xf32, #tpu.memory_space<vmem>> -> memref<128x128xf32, #tpu.memory_space<vmem>>
            tpu.wait_dma2 semaphore(%dma_wait3A_304 : memref<!tpu.dma_semaphore, #tpu.memory_space<semaphore_mem>>) src(%dma_wait3A_310 : memref<128x128xf32, #tpu.memory_space<vmem>>) dst(%dma_wait3A_306 : memref<128x128xf32, #tpu.memory_space<hbm>>)
            "tpu.trace_stop"() : () -> ()
          } else {
          }
          %and3A_275 = arith.constant true
          %and3A_276 = arith.andi %and3A_271, %and3A_275 : i1
          %add3A_277 = arith.constant 1 : i32
          %add3A_278 = arith.addi %while3A_146, %add3A_277 : i32
          %select_n3A_279 = arith.select %and3A_276, %add3A_278, %while3A_146 : i32
          %ne3A_280 = arith.cmpi ne, %add3A_155, %add3A_173 : i32
          %or3A_281 = arith.constant false
          %or3A_282 = arith.ori %or3A_281, %ne3A_280 : i1
          %or3A_283 = arith.ori %or3A_282, %eq3A_154 : i1
          %add3A_284 = arith.constant 1 : i32
          %add3A_285 = arith.addi %while3A_144, %add3A_284 : i32
          %select_n3A_286 = arith.select %or3A_283, %add3A_285, %while3A_144 : i32
          %add3A_287 = arith.constant 1 : i32
          %add3A_288 = arith.addi %while3A_147, %add3A_287 : i32
          %select_n3A_289 = arith.constant true
          %select_n3A_290 = arith.select %select_n3A_289, %add3A_288, %while3A_147 : i32
          %eq3A_291 = arith.cmpi eq, %select_n3A_290, %select_n3A : i32
          %select_n3A_292 = arith.constant 0 : i32
          %select_n3A_293 = arith.select %eq3A_291, %select_n3A_292, %select_n3A_290 : i32
          scf.yield %select_n3A_195, %select_n3A_286, %select_n3A_252, %select_n3A_279, %select_n3A_293 : i32, i32, i32, i32, i32
        }
        %while3A_89 = arith.constant 1 : i32
        %while3A_90:5 = scf.for %while3A_142 = %while3A_86 to %while3A_82 step %while3A_89 iter_args(%while3A_143 = %while3A_88#0, %while3A_144 = %while3A_88#1, %while3A_145 = %while3A_88#2, %while3A_146 = %while3A_88#3, %while3A_147 = %while3A_88#4) -> (i32, i32, i32, i32, i32)  : i32 {
          %mul3A_148 = arith.constant 1 : i32
          %mul3A_149 = arith.muli %mul3A_148, %select_n3A : i32
          %eq3A_150 = arith.constant 0 : i32
          %eq3A_151 = arith.cmpi eq, %while3A_142, %eq3A_150 : i32
          %sub3A_152 = arith.constant 1 : i32
          %sub3A_153 = arith.subi %mul3A_149, %sub3A_152 : i32
          %eq3A_154 = arith.cmpi eq, %while3A_142, %sub3A_153 : i32
          %add3A_155 = arith.addi %while3A_147, %select_n3A_14 : i32
          %sub3A_156 = arith.constant 1 : i32
          %sub3A_157 = arith.subi %while3A_147, %sub3A_156 : i32
          %select_n3A_158 = arith.constant true
          %select_n3A_159 = arith.select %select_n3A_158, %sub3A_157, %while3A_147 : i32
          %eq3A_160 = arith.constant -1 : i32
          %eq3A_161 = arith.cmpi eq, %select_n3A_159, %eq3A_160 : i32
          %sub3A_162 = arith.constant 1 : i32
          %sub3A_163 = arith.subi %select_n3A, %sub3A_162 : i32
          %select_n3A_164 = arith.select %eq3A_161, %sub3A_163, %select_n3A_159 : i32
          %add3A_165 = arith.addi %select_n3A_164, %select_n3A_14 : i32
          %add3A_166 = arith.constant 1 : i32
          %add3A_167 = arith.addi %while3A_147, %add3A_166 : i32
          %select_n3A_168 = arith.constant true
          %select_n3A_169 = arith.select %select_n3A_168, %add3A_167, %while3A_147 : i32
          %eq3A_170 = arith.cmpi eq, %select_n3A_169, %select_n3A : i32
          %select_n3A_171 = arith.constant 0 : i32
          %select_n3A_172 = arith.select %eq3A_170, %select_n3A_171, %select_n3A_169 : i32
          %add3A_173 = arith.addi %select_n3A_172, %select_n3A_14 : i32
          %add3A_174 = arith.constant 1 : i32
          %add3A_175 = arith.addi %select_n3A_172, %add3A_174 : i32
          %select_n3A_176 = arith.constant true
          %select_n3A_177 = arith.select %select_n3A_176, %add3A_175, %select_n3A_172 : i32
          %eq3A_178 = arith.cmpi eq, %select_n3A_177, %select_n3A : i32
          %select_n3A_179 = arith.constant 0 : i32
          %select_n3A_180 = arith.select %eq3A_178, %select_n3A_179, %select_n3A_177 : i32
          %add3A_181 = arith.addi %select_n3A_180, %select_n3A_14 : i32
          %ne3A = arith.cmpi ne, %add3A_155, %add3A_173 : i32
          %or3A = arith.constant false
          %or3A_182 = arith.ori %or3A, %ne3A : i1
          %sub3A_183 = arith.constant 2 : i32
          %sub3A_184 = arith.subi %mul3A_149, %sub3A_183 : i32
          %add3A_185 = arith.constant 1 : i32
          %add3A_186 = arith.addi %sub3A_184, %add3A_185 : i32
          %ge3A = arith.cmpi sge, %while3A_142, %add3A_186 : i32
          %not3A = arith.constant true
          %not3A_187 = arith.xori %ge3A, %not3A : i1
          %and3A = arith.andi %or3A_182, %not3A_187 : i1
          %convert_element_type3A_188 = arith.extui %and3A : i1 to i32
          %cond3A_189 = arith.constant 0 : i32
          %cond3A_190 = arith.cmpi ne, %convert_element_type3A_188, %cond3A_189 : i32
          scf.if %cond3A_190 {
            "tpu.trace_start"() <{level = 10 : i32, message = "ep_copy_in"}> : () -> ()
            %rem3A_294 = arith.constant 2 : i32
            %rem3A_295 = arith.remui %while3A_143, %rem3A_294 : i32
            %mul3A_296 = arith.constant 128 : i32
            %mul3A_297 = arith.muli %mul3A_296, %add3A_173 : i32
            %dma_start3A_298 = arith.constant 0 : i32
            %dma_start3A_299 = arith.constant 0 : i32
            %dma_start3A_300 = tpu.memref_slice %run_scoped3A[%rem3A_295, %dma_start3A_298, %dma_start3A_299] : memref<2x1x128xi32, #tpu.memory_space<vmem>> -> memref<1x1x128xi32, #tpu.memory_space<vmem>>
            %dma_start3A_301 = tpu.memref_squeeze %dma_start3A_300 : memref<1x1x128xi32, #tpu.memory_space<vmem>> -> memref<1x128xi32, #tpu.memory_space<vmem>>
            %dma_start3A_302 = arith.constant 0 : i32
            %dma_start3A_303 = tpu.memref_slice %arg3[%dma_start3A_302, %mul3A_297] : memref<1x160000xi32, #tpu.memory_space<hbm>> -> memref<1x128xi32, #tpu.memory_space<hbm>>
            %dma_start3A_304 = tpu.memref_slice %run_scoped3A_17[%rem3A_295] : memref<2x!tpu.dma_semaphore, #tpu.memory_space<semaphore_mem>> -> memref<1x!tpu.dma_semaphore, #tpu.memory_space<semaphore_mem>>
            %dma_start3A_305 = tpu.memref_squeeze %dma_start3A_304 : memref<1x!tpu.dma_semaphore, #tpu.memory_space<semaphore_mem>> -> memref<!tpu.dma_semaphore, #tpu.memory_space<semaphore_mem>>
            %dma_start3A_306 = arith.constant 0 : i32
            %dma_start3A_307 = arith.constant 0 : i32
            %dma_start3A_308 = tpu.memref_slice %run_scoped3A[%rem3A_295, %dma_start3A_306, %dma_start3A_307] : memref<2x1x128xi32, #tpu.memory_space<vmem>> -> memref<1x1x128xi32, #tpu.memory_space<vmem>>
            %dma_start3A_309 = tpu.memref_squeeze %dma_start3A_308 : memref<1x1x128xi32, #tpu.memory_space<vmem>> -> memref<1x128xi32, #tpu.memory_space<vmem>>
            %dma_start3A_310 = arith.constant 0 : i32
            %dma_start3A_311 = tpu.memref_slice %arg3[%dma_start3A_310, %mul3A_297] : memref<1x160000xi32, #tpu.memory_space<hbm>> -> memref<1x128xi32, #tpu.memory_space<hbm>>
            tpu.enqueue_dma source(%dma_start3A_311 : memref<1x128xi32, #tpu.memory_space<hbm>>) target(%dma_start3A_309 : memref<1x128xi32, #tpu.memory_space<vmem>>) target_semaphore(%dma_start3A_305 : memref<!tpu.dma_semaphore, #tpu.memory_space<semaphore_mem>>)
            "tpu.trace_stop"() : () -> ()
          } else {
          }
          %and3A_191 = arith.constant true
          %and3A_192 = arith.andi %and3A, %and3A_191 : i1
          %add3A_193 = arith.constant 1 : i32
          %add3A_194 = arith.addi %while3A_143, %add3A_193 : i32
          %select_n3A_195 = arith.select %and3A_192, %add3A_194, %while3A_143 : i32
          %ne3A_196 = arith.cmpi ne, %add3A_155, %add3A_173 : i32
          %or3A_197 = arith.constant false
          %or3A_198 = arith.ori %or3A_197, %ne3A_196 : i1
          %or3A_199 = arith.constant false
          %or3A_200 = arith.ori %or3A_198, %or3A_199 : i1
          %sub3A_201 = arith.constant 2 : i32
          %sub3A_202 = arith.subi %mul3A_149, %sub3A_201 : i32
          %add3A_203 = arith.constant 1 : i32
          %add3A_204 = arith.addi %sub3A_202, %add3A_203 : i32
          %ge3A_205 = arith.cmpi sge, %while3A_142, %add3A_204 : i32
          %not3A_206 = arith.constant true
          %not3A_207 = arith.xori %ge3A_205, %not3A_206 : i1
          %and3A_208 = arith.andi %or3A_200, %not3A_207 : i1
          %ne3A_209 = arith.cmpi ne, %add3A_155, %add3A_165 : i32
          %or3A_210 = arith.constant false
          %or3A_211 = arith.ori %or3A_210, %ne3A_209 : i1
          %or3A_212 = arith.ori %or3A_211, %eq3A_151 : i1
          %convert_element_type3A_213 = arith.extui %or3A_212 : i1 to i32
          %cond3A_214 = arith.constant 0 : i32
          %cond3A_215 = arith.cmpi ne, %convert_element_type3A_213, %cond3A_214 : i32
          scf.if %cond3A_215 {
            "tpu.trace_start"() <{level = 10 : i32, message = "ep_wait_in"}> : () -> ()
            %mul3A_294 = arith.constant 128 : i32
            %mul3A_295 = arith.muli %mul3A_294, %add3A_155 : i32
            %rem3A_296 = arith.constant 2 : i32
            %rem3A_297 = arith.remui %while3A_144, %rem3A_296 : i32
            %dma_wait3A = arith.constant 0 : i32
            %dma_wait3A_298 = arith.constant 0 : i32
            %dma_wait3A_299 = tpu.memref_slice %run_scoped3A[%rem3A_297, %dma_wait3A, %dma_wait3A_298] : memref<2x1x128xi32, #tpu.memory_space<vmem>> -> memref<1x1x128xi32, #tpu.memory_space<vmem>>
            %dma_wait3A_300 = tpu.memref_squeeze %dma_wait3A_299 : memref<1x1x128xi32, #tpu.memory_space<vmem>> -> memref<1x128xi32, #tpu.memory_space<vmem>>
            %dma_wait3A_301 = arith.constant 0 : i32
            %dma_wait3A_302 = tpu.memref_slice %arg3[%dma_wait3A_301, %mul3A_295] : memref<1x160000xi32, #tpu.memory_space<hbm>> -> memref<1x128xi32, #tpu.memory_space<hbm>>
            %dma_wait3A_303 = tpu.memref_slice %run_scoped3A_17[%rem3A_297] : memref<2x!tpu.dma_semaphore, #tpu.memory_space<semaphore_mem>> -> memref<1x!tpu.dma_semaphore, #tpu.memory_space<semaphore_mem>>
            %dma_wait3A_304 = tpu.memref_squeeze %dma_wait3A_303 : memref<1x!tpu.dma_semaphore, #tpu.memory_space<semaphore_mem>> -> memref<!tpu.dma_semaphore, #tpu.memory_space<semaphore_mem>>
            %dma_wait3A_305 = arith.constant 0 : i32
            %dma_wait3A_306 = arith.constant 0 : i32
            %dma_wait3A_307 = tpu.memref_slice %run_scoped3A[%rem3A_297, %dma_wait3A_305, %dma_wait3A_306] : memref<2x1x128xi32, #tpu.memory_space<vmem>> -> memref<1x1x128xi32, #tpu.memory_space<vmem>>
            %dma_wait3A_308 = tpu.memref_squeeze %dma_wait3A_307 : memref<1x1x128xi32, #tpu.memory_space<vmem>> -> memref<1x128xi32, #tpu.memory_space<vmem>>
            %dma_wait3A_309 = arith.constant 0 : i32
            %dma_wait3A_310 = tpu.memref_slice %arg3[%dma_wait3A_309, %mul3A_295] : memref<1x160000xi32, #tpu.memory_space<hbm>> -> memref<1x128xi32, #tpu.memory_space<hbm>>
            tpu.wait_dma2 semaphore(%dma_wait3A_304 : memref<!tpu.dma_semaphore, #tpu.memory_space<semaphore_mem>>) src(%dma_wait3A_310 : memref<1x128xi32, #tpu.memory_space<hbm>>) dst(%dma_wait3A_308 : memref<1x128xi32, #tpu.memory_space<vmem>>)
            "tpu.trace_stop"() : () -> ()
          } else {
          }
          %ne3A_216 = arith.cmpi ne, %add3A_155, %add3A_165 : i32
          %or3A_217 = arith.constant false
          %or3A_218 = arith.ori %or3A_217, %ne3A_216 : i1
          %or3A_219 = arith.constant false
          %or3A_220 = arith.ori %or3A_218, %or3A_219 : i1
          %or3A_221 = arith.ori %or3A_220, %eq3A_151 : i1
          %convert_element_type3A_222 = arith.extui %or3A_221 : i1 to i32
          %cond3A_223 = arith.constant 0 : i32
          %cond3A_224 = arith.cmpi ne, %convert_element_type3A_222, %cond3A_223 : i32
          scf.if %cond3A_224 {
          } else {
          }
          %rem3A_225 = arith.constant 2 : i32
          %rem3A_226 = arith.remui %while3A_144, %rem3A_225 : i32
          %rem3A_227 = arith.constant 2 : i32
          %rem3A_228 = arith.remui %while3A_145, %rem3A_227 : i32
          %run_scoped3A_229 = arith.constant 0 : i32
          "tpu.trace_start"() <{level = 10 : i32, message = "ep_run_kernel"}> : () -> ()
          "tpu.region"() ({
            %run_scoped3A_294 = tpu.sem_alloc : memref<!tpu.dma_semaphore, #tpu.memory_space<semaphore_mem>>
            %dma_start3A_295 = arith.constant 0 : i32
            %dma_start3A_296 = arith.constant 0 : i32
            %dma_start3A_297 = tpu.memref_slice %run_scoped3A_18[%rem3A_228, %dma_start3A_295, %dma_start3A_296] : memref<2x128x128xf32, #tpu.memory_space<vmem>> -> memref<1x128x128xf32, #tpu.memory_space<vmem>>
            %dma_start3A_298 = tpu.memref_squeeze %dma_start3A_297 : memref<1x128x128xf32, #tpu.memory_space<vmem>> -> memref<128x128xf32, #tpu.memory_space<vmem>>
            %dma_start3A_299 = arith.constant 0 : i32
            %dma_start3A_300 = arith.constant 0 : i32
            %dma_start3A_301 = tpu.memref_slice %run_scoped3A[%rem3A_226, %dma_start3A_299, %dma_start3A_300] : memref<2x1x128xi32, #tpu.memory_space<vmem>> -> memref<1x1x128xi32, #tpu.memory_space<vmem>>
            %dma_start3A_302 = tpu.memref_squeeze %dma_start3A_301 : memref<1x1x128xi32, #tpu.memory_space<vmem>> -> memref<1x128xi32, #tpu.memory_space<vmem>>
            %dma_start3A_303 = arith.constant 0 : i32
            %dma_start3A_304 = tpu.memref_slice %dma_start3A_302[%run_scoped3A_229, %dma_start3A_303] : memref<1x128xi32, #tpu.memory_space<vmem>> -> memref<1x128xi32, #tpu.memory_space<vmem>>
            %dma_start3A_305 = tpu.memref_squeeze %dma_start3A_304 : memref<1x128xi32, #tpu.memory_space<vmem>> -> memref<128xi32, #tpu.memory_space<vmem>>
            %dma_start3A_306 = arith.constant 0 : i32
            %dma_start3A_307 = arith.constant 0 : i32
            %dma_start3A_308 = tpu.memref_slice %arg2[%dma_start3A_306, %dma_start3A_307] : memref<10000x128xf32, #tpu.memory_space<hbm>> -> memref<10000x128xf32, #tpu.memory_space<hbm>>
            tpu.enqueue_indirect_dma source(%dma_start3A_308 : memref<10000x128xf32, #tpu.memory_space<hbm>>) target(%dma_start3A_298 : memref<128x128xf32, #tpu.memory_space<vmem>>) offsets(%dma_start3A_305 : memref<128xi32, #tpu.memory_space<vmem>>) semaphore(%run_scoped3A_294 : memref<!tpu.dma_semaphore, #tpu.memory_space<semaphore_mem>>)
            %dma_wait3A = arith.constant 0 : i32
            %dma_wait3A_309 = arith.constant 0 : i32
            %dma_wait3A_310 = tpu.memref_slice %run_scoped3A_18[%rem3A_228, %dma_wait3A, %dma_wait3A_309] : memref<2x128x128xf32, #tpu.memory_space<vmem>> -> memref<1x128x128xf32, #tpu.memory_space<vmem>>
            %dma_wait3A_311 = tpu.memref_squeeze %dma_wait3A_310 : memref<1x128x128xf32, #tpu.memory_space<vmem>> -> memref<128x128xf32, #tpu.memory_space<vmem>>
            %dma_wait3A_312 = arith.constant 0 : i32
            %dma_wait3A_313 = arith.constant 0 : i32
            %dma_wait3A_314 = tpu.memref_slice %run_scoped3A[%rem3A_226, %dma_wait3A_312, %dma_wait3A_313] : memref<2x1x128xi32, #tpu.memory_space<vmem>> -> memref<1x1x128xi32, #tpu.memory_space<vmem>>
            %dma_wait3A_315 = tpu.memref_squeeze %dma_wait3A_314 : memref<1x1x128xi32, #tpu.memory_space<vmem>> -> memref<1x128xi32, #tpu.memory_space<vmem>>
            %dma_wait3A_316 = arith.constant 0 : i32
            %dma_wait3A_317 = tpu.memref_slice %dma_wait3A_315[%run_scoped3A_229, %dma_wait3A_316] : memref<1x128xi32, #tpu.memory_space<vmem>> -> memref<1x128xi32, #tpu.memory_space<vmem>>
            %dma_wait3A_318 = tpu.memref_squeeze %dma_wait3A_317 : memref<1x128xi32, #tpu.memory_space<vmem>> -> memref<128xi32, #tpu.memory_space<vmem>>
            %dma_wait3A_319 = arith.constant 0 : i32
            %dma_wait3A_320 = arith.constant 0 : i32
            %dma_wait3A_321 = tpu.memref_slice %arg2[%dma_wait3A_319, %dma_wait3A_320] : memref<10000x128xf32, #tpu.memory_space<hbm>> -> memref<10000x128xf32, #tpu.memory_space<hbm>>
            tpu.wait_indirect_dma semaphore(%run_scoped3A_294 : memref<!tpu.dma_semaphore, #tpu.memory_space<semaphore_mem>>) src(%dma_wait3A_321 : memref<10000x128xf32, #tpu.memory_space<hbm>>) dst(%dma_wait3A_311 : memref<128x128xf32, #tpu.memory_space<vmem>>)
            tpu.yield
          }) : () -> ()
          "tpu.trace_stop"() : () -> ()
          %ne3A_230 = arith.cmpi ne, %add3A_155, %add3A_173 : i32
          %or3A_231 = arith.constant false
          %or3A_232 = arith.ori %or3A_231, %ne3A_230 : i1
          %or3A_233 = arith.ori %or3A_232, %eq3A_154 : i1
          %convert_element_type3A_234 = arith.extui %or3A_233 : i1 to i32
          %cond3A_235 = arith.constant 0 : i32
          %cond3A_236 = arith.cmpi ne, %convert_element_type3A_234, %cond3A_235 : i32
          scf.if %cond3A_236 {
          } else {
          }
          %and3A_237 = arith.constant false
          %and3A_238 = arith.andi %or3A_233, %and3A_237 : i1
          %ne3A_239 = arith.cmpi ne, %add3A_155, %add3A_173 : i32
          %or3A_240 = arith.constant false
          %or3A_241 = arith.ori %or3A_240, %ne3A_239 : i1
          %or3A_242 = arith.constant false
          %or3A_243 = arith.ori %or3A_241, %or3A_242 : i1
          %or3A_244 = arith.ori %or3A_243, %eq3A_154 : i1
          %convert_element_type3A_245 = arith.extui %or3A_244 : i1 to i32
          %cond3A_246 = arith.constant 0 : i32
          %cond3A_247 = arith.cmpi ne, %convert_element_type3A_245, %cond3A_246 : i32
          scf.if %cond3A_247 {
            "tpu.trace_start"() <{level = 10 : i32, message = "ep_copy_out"}> : () -> ()
            %rem3A_294 = arith.constant 2 : i32
            %rem3A_295 = arith.remui %while3A_145, %rem3A_294 : i32
            %mul3A_296 = arith.constant 128 : i32
            %mul3A_297 = arith.muli %mul3A_296, %add3A_155 : i32
            %dma_start3A_298 = arith.constant 0 : i32
            %dma_start3A_299 = arith.constant 0 : i32
            %dma_start3A_300 = tpu.memref_slice %run_scoped3A_18[%rem3A_295, %dma_start3A_298, %dma_start3A_299] : memref<2x128x128xf32, #tpu.memory_space<vmem>> -> memref<1x128x128xf32, #tpu.memory_space<vmem>>
            %dma_start3A_301 = tpu.memref_squeeze %dma_start3A_300 : memref<1x128x128xf32, #tpu.memory_space<vmem>> -> memref<128x128xf32, #tpu.memory_space<vmem>>
            %dma_start3A_302 = arith.constant 0 : i32
            %dma_start3A_303 = tpu.memref_slice %arg4[%mul3A_297, %dma_start3A_302] : memref<160000x128xf32, #tpu.memory_space<hbm>> -> memref<128x128xf32, #tpu.memory_space<hbm>>
            %dma_start3A_304 = tpu.memref_slice %run_scoped3A_19[%rem3A_295] : memref<2x!tpu.dma_semaphore, #tpu.memory_space<semaphore_mem>> -> memref<1x!tpu.dma_semaphore, #tpu.memory_space<semaphore_mem>>
            %dma_start3A_305 = tpu.memref_squeeze %dma_start3A_304 : memref<1x!tpu.dma_semaphore, #tpu.memory_space<semaphore_mem>> -> memref<!tpu.dma_semaphore, #tpu.memory_space<semaphore_mem>>
            %dma_start3A_306 = arith.constant 0 : i32
            %dma_start3A_307 = tpu.memref_slice %arg4[%mul3A_297, %dma_start3A_306] : memref<160000x128xf32, #tpu.memory_space<hbm>> -> memref<128x128xf32, #tpu.memory_space<hbm>>
            %dma_start3A_308 = arith.constant 0 : i32
            %dma_start3A_309 = arith.constant 0 : i32
            %dma_start3A_310 = tpu.memref_slice %run_scoped3A_18[%rem3A_295, %dma_start3A_308, %dma_start3A_309] : memref<2x128x128xf32, #tpu.memory_space<vmem>> -> memref<1x128x128xf32, #tpu.memory_space<vmem>>
            %dma_start3A_311 = tpu.memref_squeeze %dma_start3A_310 : memref<1x128x128xf32, #tpu.memory_space<vmem>> -> memref<128x128xf32, #tpu.memory_space<vmem>>
            tpu.enqueue_dma source(%dma_start3A_311 : memref<128x128xf32, #tpu.memory_space<vmem>>) target(%dma_start3A_307 : memref<128x128xf32, #tpu.memory_space<hbm>>) target_semaphore(%dma_start3A_305 : memref<!tpu.dma_semaphore, #tpu.memory_space<semaphore_mem>>)
            "tpu.trace_stop"() : () -> ()
          } else {
          }
          %and3A_248 = arith.constant true
          %and3A_249 = arith.andi %or3A_244, %and3A_248 : i1
          %add3A_250 = arith.constant 1 : i32
          %add3A_251 = arith.addi %while3A_145, %add3A_250 : i32
          %select_n3A_252 = arith.select %and3A_249, %add3A_251, %while3A_145 : i32
          %ne3A_253 = arith.cmpi ne, %add3A_155, %add3A_165 : i32
          %or3A_254 = arith.constant false
          %or3A_255 = arith.ori %or3A_254, %ne3A_253 : i1
          %not3A_256 = arith.constant true
          %not3A_257 = arith.xori %eq3A_151, %not3A_256 : i1
          %and3A_258 = arith.andi %or3A_255, %not3A_257 : i1
          %convert_element_type3A_259 = arith.extui %and3A_258 : i1 to i32
          %cond3A_260 = arith.constant 0 : i32
          %cond3A_261 = arith.cmpi ne, %convert_element_type3A_259, %cond3A_260 : i32
          scf.if %cond3A_261 {
          } else {
          }
          %and3A_262 = arith.constant false
          %and3A_263 = arith.andi %and3A_258, %and3A_262 : i1
          %ne3A_264 = arith.cmpi ne, %add3A_155, %add3A_165 : i32
          %or3A_265 = arith.constant false
          %or3A_266 = arith.ori %or3A_265, %ne3A_264 : i1
          %or3A_267 = arith.constant false
          %or3A_268 = arith.ori %or3A_266, %or3A_267 : i1
          %not3A_269 = arith.constant true
          %not3A_270 = arith.xori %eq3A_151, %not3A_269 : i1
          %and3A_271 = arith.andi %or3A_268, %not3A_270 : i1
          %convert_element_type3A_272 = arith.extui %and3A_271 : i1 to i32
          %cond3A_273 = arith.constant 0 : i32
          %cond3A_274 = arith.cmpi ne, %convert_element_type3A_272, %cond3A_273 : i32
          scf.if %cond3A_274 {
            "tpu.trace_start"() <{level = 10 : i32, message = "ep_wait_out"}> : () -> ()
            %rem3A_294 = arith.constant 2 : i32
            %rem3A_295 = arith.remui %while3A_146, %rem3A_294 : i32
            %mul3A_296 = arith.constant 128 : i32
            %mul3A_297 = arith.muli %mul3A_296, %add3A_165 : i32
            %dma_wait3A = arith.constant 0 : i32
            %dma_wait3A_298 = arith.constant 0 : i32
            %dma_wait3A_299 = tpu.memref_slice %run_scoped3A_18[%rem3A_295, %dma_wait3A, %dma_wait3A_298] : memref<2x128x128xf32, #tpu.memory_space<vmem>> -> memref<1x128x128xf32, #tpu.memory_space<vmem>>
            %dma_wait3A_300 = tpu.memref_squeeze %dma_wait3A_299 : memref<1x128x128xf32, #tpu.memory_space<vmem>> -> memref<128x128xf32, #tpu.memory_space<vmem>>
            %dma_wait3A_301 = arith.constant 0 : i32
            %dma_wait3A_302 = tpu.memref_slice %arg4[%mul3A_297, %dma_wait3A_301] : memref<160000x128xf32, #tpu.memory_space<hbm>> -> memref<128x128xf32, #tpu.memory_space<hbm>>
            %dma_wait3A_303 = tpu.memref_slice %run_scoped3A_19[%rem3A_295] : memref<2x!tpu.dma_semaphore, #tpu.memory_space<semaphore_mem>> -> memref<1x!tpu.dma_semaphore, #tpu.memory_space<semaphore_mem>>
            %dma_wait3A_304 = tpu.memref_squeeze %dma_wait3A_303 : memref<1x!tpu.dma_semaphore, #tpu.memory_space<semaphore_mem>> -> memref<!tpu.dma_semaphore, #tpu.memory_space<semaphore_mem>>
            %dma_wait3A_305 = arith.constant 0 : i32
            %dma_wait3A_306 = tpu.memref_slice %arg4[%mul3A_297, %dma_wait3A_305] : memref<160000x128xf32, #tpu.memory_space<hbm>> -> memref<128x128xf32, #tpu.memory_space<hbm>>
            %dma_wait3A_307 = arith.constant 0 : i32
            %dma_wait3A_308 = arith.constant 0 : i32
            %dma_wait3A_309 = tpu.memref_slice %run_scoped3A_18[%rem3A_295, %dma_wait3A_307, %dma_wait3A_308] : memref<2x128x128xf32, #tpu.memory_space<vmem>> -> memref<1x128x128xf32, #tpu.memory_space<vmem>>
            %dma_wait3A_310 = tpu.memref_squeeze %dma_wait3A_309 : memref<1x128x128xf32, #tpu.memory_space<vmem>> -> memref<128x128xf32, #tpu.memory_space<vmem>>
            tpu.wait_dma2 semaphore(%dma_wait3A_304 : memref<!tpu.dma_semaphore, #tpu.memory_space<semaphore_mem>>) src(%dma_wait3A_310 : memref<128x128xf32, #tpu.memory_space<vmem>>) dst(%dma_wait3A_306 : memref<128x128xf32, #tpu.memory_space<hbm>>)
            "tpu.trace_stop"() : () -> ()
          } else {
          }
          %and3A_275 = arith.constant true
          %and3A_276 = arith.andi %and3A_271, %and3A_275 : i1
          %add3A_277 = arith.constant 1 : i32
          %add3A_278 = arith.addi %while3A_146, %add3A_277 : i32
          %select_n3A_279 = arith.select %and3A_276, %add3A_278, %while3A_146 : i32
          %ne3A_280 = arith.cmpi ne, %add3A_155, %add3A_173 : i32
          %or3A_281 = arith.constant false
          %or3A_282 = arith.ori %or3A_281, %ne3A_280 : i1
          %or3A_283 = arith.ori %or3A_282, %eq3A_154 : i1
          %add3A_284 = arith.constant 1 : i32
          %add3A_285 = arith.addi %while3A_144, %add3A_284 : i32
          %select_n3A_286 = arith.select %or3A_283, %add3A_285, %while3A_144 : i32
          %add3A_287 = arith.constant 1 : i32
          %add3A_288 = arith.addi %while3A_147, %add3A_287 : i32
          %select_n3A_289 = arith.constant true
          %select_n3A_290 = arith.select %select_n3A_289, %add3A_288, %while3A_147 : i32
          %eq3A_291 = arith.cmpi eq, %select_n3A_290, %select_n3A : i32
          %select_n3A_292 = arith.constant 0 : i32
          %select_n3A_293 = arith.select %eq3A_291, %select_n3A_292, %select_n3A_290 : i32
          scf.yield %select_n3A_195, %select_n3A_286, %select_n3A_252, %select_n3A_279, %select_n3A_293 : i32, i32, i32, i32, i32
        }
        %sub3A_91 = arith.constant 1 : i32
        %sub3A_92 = arith.subi %while3A_90#4, %sub3A_91 : i32
        %select_n3A_93 = arith.constant true
        %select_n3A_94 = arith.select %select_n3A_93, %sub3A_92, %while3A_90#4 : i32
        %eq3A_95 = arith.constant -1 : i32
        %eq3A_96 = arith.cmpi eq, %select_n3A_94, %eq3A_95 : i32
        %sub3A_97 = arith.constant 1 : i32
        %sub3A_98 = arith.subi %select_n3A, %sub3A_97 : i32
        %select_n3A_99 = arith.select %eq3A_96, %sub3A_98, %select_n3A_94 : i32
        %sub3A_100 = arith.constant 1 : i32
        %sub3A_101 = arith.subi %mul3A_16, %sub3A_100 : i32
        %mul3A_102 = arith.constant 1 : i32
        %mul3A_103 = arith.muli %mul3A_102, %select_n3A : i32
        %eq3A_104 = arith.constant 0 : i32
        %eq3A_105 = arith.cmpi eq, %sub3A_101, %eq3A_104 : i32
        %sub3A_106 = arith.constant 1 : i32
        %sub3A_107 = arith.subi %mul3A_103, %sub3A_106 : i32
        %eq3A_108 = arith.cmpi eq, %sub3A_101, %sub3A_107 : i32
        %add3A_109 = arith.addi %select_n3A_99, %select_n3A_14 : i32
        %sub3A_110 = arith.constant 1 : i32
        %sub3A_111 = arith.subi %select_n3A_99, %sub3A_110 : i32
        %select_n3A_112 = arith.constant true
        %select_n3A_113 = arith.select %select_n3A_112, %sub3A_111, %select_n3A_99 : i32
        %eq3A_114 = arith.constant -1 : i32
        %eq3A_115 = arith.cmpi eq, %select_n3A_113, %eq3A_114 : i32
        %sub3A_116 = arith.constant 1 : i32
        %sub3A_117 = arith.subi %select_n3A, %sub3A_116 : i32
        %select_n3A_118 = arith.select %eq3A_115, %sub3A_117, %select_n3A_113 : i32
        %add3A_119 = arith.addi %select_n3A_118, %select_n3A_14 : i32
        %add3A_120 = arith.constant 1 : i32
        %add3A_121 = arith.addi %select_n3A_99, %add3A_120 : i32
        %select_n3A_122 = arith.constant true
        %select_n3A_123 = arith.select %select_n3A_122, %add3A_121, %select_n3A_99 : i32
        %eq3A_124 = arith.cmpi eq, %select_n3A_123, %select_n3A : i32
        %select_n3A_125 = arith.constant 0 : i32
        %select_n3A_126 = arith.select %eq3A_124, %select_n3A_125, %select_n3A_123 : i32
        %add3A_127 = arith.addi %select_n3A_126, %select_n3A_14 : i32
        %add3A_128 = arith.constant 1 : i32
        %add3A_129 = arith.addi %select_n3A_126, %add3A_128 : i32
        %select_n3A_130 = arith.constant true
        %select_n3A_131 = arith.select %select_n3A_130, %add3A_129, %select_n3A_126 : i32
        %eq3A_132 = arith.cmpi eq, %select_n3A_131, %select_n3A : i32
        %select_n3A_133 = arith.constant 0 : i32
        %select_n3A_134 = arith.select %eq3A_132, %select_n3A_133, %select_n3A_131 : i32
        %add3A_135 = arith.addi %select_n3A_134, %select_n3A_14 : i32
        %convert_element_type3A_136 = arith.extui %eq3A_108 : i1 to i32
        %cond3A_137 = arith.constant 0 : i32
        %cond3A_138 = arith.cmpi ne, %convert_element_type3A_136, %cond3A_137 : i32
        scf.if %cond3A_138 {
        } else {
        }
        %convert_element_type3A_139 = arith.extui %eq3A_108 : i1 to i32
        %cond3A_140 = arith.constant 0 : i32
        %cond3A_141 = arith.cmpi ne, %convert_element_type3A_139, %cond3A_140 : i32
        scf.if %cond3A_141 {
          "tpu.trace_start"() <{level = 10 : i32, message = "ep_finalize"}> : () -> ()
          %rem3A_142 = arith.constant 2 : i32
          %rem3A_143 = arith.remui %while3A_90#3, %rem3A_142 : i32
          %mul3A_144 = arith.constant 128 : i32
          %mul3A_145 = arith.muli %mul3A_144, %add3A_109 : i32
          %dma_wait3A = arith.constant 0 : i32
          %dma_wait3A_146 = arith.constant 0 : i32
          %dma_wait3A_147 = tpu.memref_slice %run_scoped3A_18[%rem3A_143, %dma_wait3A, %dma_wait3A_146] : memref<2x128x128xf32, #tpu.memory_space<vmem>> -> memref<1x128x128xf32, #tpu.memory_space<vmem>>
          %dma_wait3A_148 = tpu.memref_squeeze %dma_wait3A_147 : memref<1x128x128xf32, #tpu.memory_space<vmem>> -> memref<128x128xf32, #tpu.memory_space<vmem>>
          %dma_wait3A_149 = arith.constant 0 : i32
          %dma_wait3A_150 = tpu.memref_slice %arg4[%mul3A_145, %dma_wait3A_149] : memref<160000x128xf32, #tpu.memory_space<hbm>> -> memref<128x128xf32, #tpu.memory_space<hbm>>
          %dma_wait3A_151 = tpu.memref_slice %run_scoped3A_19[%rem3A_143] : memref<2x!tpu.dma_semaphore, #tpu.memory_space<semaphore_mem>> -> memref<1x!tpu.dma_semaphore, #tpu.memory_space<semaphore_mem>>
          %dma_wait3A_152 = tpu.memref_squeeze %dma_wait3A_151 : memref<1x!tpu.dma_semaphore, #tpu.memory_space<semaphore_mem>> -> memref<!tpu.dma_semaphore, #tpu.memory_space<semaphore_mem>>
          %dma_wait3A_153 = arith.constant 0 : i32
          %dma_wait3A_154 = tpu.memref_slice %arg4[%mul3A_145, %dma_wait3A_153] : memref<160000x128xf32, #tpu.memory_space<hbm>> -> memref<128x128xf32, #tpu.memory_space<hbm>>
          %dma_wait3A_155 = arith.constant 0 : i32
          %dma_wait3A_156 = arith.constant 0 : i32
          %dma_wait3A_157 = tpu.memref_slice %run_scoped3A_18[%rem3A_143, %dma_wait3A_155, %dma_wait3A_156] : memref<2x128x128xf32, #tpu.memory_space<vmem>> -> memref<1x128x128xf32, #tpu.memory_space<vmem>>
          %dma_wait3A_158 = tpu.memref_squeeze %dma_wait3A_157 : memref<1x128x128xf32, #tpu.memory_space<vmem>> -> memref<128x128xf32, #tpu.memory_space<vmem>>
          tpu.wait_dma2 semaphore(%dma_wait3A_152 : memref<!tpu.dma_semaphore, #tpu.memory_space<semaphore_mem>>) src(%dma_wait3A_158 : memref<128x128xf32, #tpu.memory_space<vmem>>) dst(%dma_wait3A_154 : memref<128x128xf32, #tpu.memory_space<hbm>>)
          "tpu.trace_stop"() : () -> ()
        } else {
        }
      } else {
      }
      tpu.yield
    }) : () -> ()
    return
  }
}

#map = affine_map<(d0, d1) -> (0, 0)>
module attributes {stable_mosaic.version = 14 : i64} {
  func.func @sk(%arg0: i32, %arg1: i32, %arg2: memref<160000x128xf32, #tpu.memory_space<hbm>>, %arg3: memref<1x160000xi32, #tpu.memory_space<hbm>>, %arg4: memref<1x160000xi32, #tpu.memory_space<hbm>>, %arg5: memref<80x128xf32, #tpu.memory_space<hbm>>, %arg6: memref<20000x128xf32, #tpu.memory_space<hbm>>, %arg7: memref<10000x128xf32, #tpu.memory_space<vmem_shared>>, %arg8: memref<128x128xf32, #tpu.memory_space<vmem>>) attributes {dimension_semantics = [#tpu.dimension_semantics<core_parallel>, #tpu.dimension_semantics<subcore_parallel>], iteration_bounds = array<i64: 2, 16>, scalar_prefetch = 0 : i64, scratch_operands = 2 : i64, tpu.core_type = #tpu.core_type<sc_vector_subcore>, window_params = [{transform_indices = #map}, {transform_indices = #map}, {transform_indices = #map}, {transform_indices = #map}, {transform_indices = #map}]} {
    %broadcast_in_dim3A = arith.constant 0.000000e+00 : f32
    %broadcast_in_dim3A_0 = vector.broadcast %broadcast_in_dim3A : f32 to vector<16xf32>
    %iota3A = tpu.iota {dimensions = array<i32: 0>} : vector<16xi32>
    %eq3A = arith.constant 0 : i32
    %eq3A_1 = vector.broadcast %eq3A : i32 to vector<16xi32>
    %eq3A_2 = arith.cmpi eq, %iota3A, %eq3A_1 : vector<16xi32>
    %jit3A = arith.constant 1.000000e+00 : f32
    %jit3A_3 = arith.constant 0.000000e+00 : f32
    %broadcast_in_dim3A_4 = vector.broadcast %jit3A : f32 to vector<16xf32>
    %broadcast_in_dim3A_5 = vector.broadcast %jit3A_3 : f32 to vector<16xf32>
    %select_n3A = arith.select %eq3A_2, %broadcast_in_dim3A_4, %broadcast_in_dim3A_5 : vector<16xi1>, vector<16xf32>
    %scan3A = arith.constant 0 : i32
    %scan3A_6 = arith.constant 128 : i32
    %scan3A_7 = arith.addi %scan3A, %scan3A_6 : i32
    %scan3A_8 = arith.constant 1 : i32
    scf.for %scan3A_48 = %scan3A to %scan3A_7 step %scan3A_8  : i32 {
      %mul3A_49 = arith.constant 1 : i32
      %mul3A_50 = arith.muli %scan3A_48, %mul3A_49 : i32
      %add3A_51 = arith.constant 0 : i32
      %add3A_52 = arith.addi %add3A_51, %mul3A_50 : i32
      %swap3A = arith.index_cast %add3A_52 : i32 to index
      %swap3A_53 = arith.constant 0 : index
      %swap3A_54 = tpu.vector_load %arg8[%swap3A, %swap3A_53] {strides = array<i32>} : memref<128x128xf32, #tpu.memory_space<vmem>>, vector<1x16xf32>,
      %swap3A_55 = vector.shape_cast %swap3A_54 : vector<1x16xf32> to vector<16xf32>
      %swap3A_56 = vector.shape_cast %broadcast_in_dim3A_0 : vector<16xf32> to vector<1x16xf32>
      tpu.vector_store %arg8[%swap3A, %swap3A_53], %swap3A_56 {strides = array<i32>} : memref<128x128xf32, #tpu.memory_space<vmem>>, vector<1x16xf32>,
      %swap3A_57 = arith.index_cast %add3A_52 : i32 to index
      %swap3A_58 = arith.constant 16 : index
      %swap3A_59 = tpu.vector_load %arg8[%swap3A_57, %swap3A_58] {strides = array<i32>} : memref<128x128xf32, #tpu.memory_space<vmem>>, vector<1x16xf32>,
      %swap3A_60 = vector.shape_cast %swap3A_59 : vector<1x16xf32> to vector<16xf32>
      %swap3A_61 = vector.shape_cast %broadcast_in_dim3A_0 : vector<16xf32> to vector<1x16xf32>
      tpu.vector_store %arg8[%swap3A_57, %swap3A_58], %swap3A_61 {strides = array<i32>} : memref<128x128xf32, #tpu.memory_space<vmem>>, vector<1x16xf32>,
      %swap3A_62 = arith.index_cast %add3A_52 : i32 to index
      %swap3A_63 = arith.constant 32 : index
      %swap3A_64 = tpu.vector_load %arg8[%swap3A_62, %swap3A_63] {strides = array<i32>} : memref<128x128xf32, #tpu.memory_space<vmem>>, vector<1x16xf32>,
      %swap3A_65 = vector.shape_cast %swap3A_64 : vector<1x16xf32> to vector<16xf32>
      %swap3A_66 = vector.shape_cast %broadcast_in_dim3A_0 : vector<16xf32> to vector<1x16xf32>
      tpu.vector_store %arg8[%swap3A_62, %swap3A_63], %swap3A_66 {strides = array<i32>} : memref<128x128xf32, #tpu.memory_space<vmem>>, vector<1x16xf32>,
      %swap3A_67 = arith.index_cast %add3A_52 : i32 to index
      %swap3A_68 = arith.constant 48 : index
      %swap3A_69 = tpu.vector_load %arg8[%swap3A_67, %swap3A_68] {strides = array<i32>} : memref<128x128xf32, #tpu.memory_space<vmem>>, vector<1x16xf32>,
      %swap3A_70 = vector.shape_cast %swap3A_69 : vector<1x16xf32> to vector<16xf32>
      %swap3A_71 = vector.shape_cast %broadcast_in_dim3A_0 : vector<16xf32> to vector<1x16xf32>
      tpu.vector_store %arg8[%swap3A_67, %swap3A_68], %swap3A_71 {strides = array<i32>} : memref<128x128xf32, #tpu.memory_space<vmem>>, vector<1x16xf32>,
      %swap3A_72 = arith.index_cast %add3A_52 : i32 to index
      %swap3A_73 = arith.constant 64 : index
      %swap3A_74 = tpu.vector_load %arg8[%swap3A_72, %swap3A_73] {strides = array<i32>} : memref<128x128xf32, #tpu.memory_space<vmem>>, vector<1x16xf32>,
      %swap3A_75 = vector.shape_cast %swap3A_74 : vector<1x16xf32> to vector<16xf32>
      %swap3A_76 = vector.shape_cast %select_n3A : vector<16xf32> to vector<1x16xf32>
      tpu.vector_store %arg8[%swap3A_72, %swap3A_73], %swap3A_76 {strides = array<i32>} : memref<128x128xf32, #tpu.memory_space<vmem>>, vector<1x16xf32>,
      %swap3A_77 = arith.index_cast %add3A_52 : i32 to index
      %swap3A_78 = arith.constant 80 : index
      %swap3A_79 = tpu.vector_load %arg8[%swap3A_77, %swap3A_78] {strides = array<i32>} : memref<128x128xf32, #tpu.memory_space<vmem>>, vector<1x16xf32>,
      %swap3A_80 = vector.shape_cast %swap3A_79 : vector<1x16xf32> to vector<16xf32>
      %swap3A_81 = vector.shape_cast %broadcast_in_dim3A_0 : vector<16xf32> to vector<1x16xf32>
      tpu.vector_store %arg8[%swap3A_77, %swap3A_78], %swap3A_81 {strides = array<i32>} : memref<128x128xf32, #tpu.memory_space<vmem>>, vector<1x16xf32>,
      %swap3A_82 = arith.index_cast %add3A_52 : i32 to index
      %swap3A_83 = arith.constant 96 : index
      %swap3A_84 = tpu.vector_load %arg8[%swap3A_82, %swap3A_83] {strides = array<i32>} : memref<128x128xf32, #tpu.memory_space<vmem>>, vector<1x16xf32>,
      %swap3A_85 = vector.shape_cast %swap3A_84 : vector<1x16xf32> to vector<16xf32>
      %swap3A_86 = vector.shape_cast %broadcast_in_dim3A_0 : vector<16xf32> to vector<1x16xf32>
      tpu.vector_store %arg8[%swap3A_82, %swap3A_83], %swap3A_86 {strides = array<i32>} : memref<128x128xf32, #tpu.memory_space<vmem>>, vector<1x16xf32>,
      %swap3A_87 = arith.index_cast %add3A_52 : i32 to index
      %swap3A_88 = arith.constant 112 : index
      %swap3A_89 = tpu.vector_load %arg8[%swap3A_87, %swap3A_88] {strides = array<i32>} : memref<128x128xf32, #tpu.memory_space<vmem>>, vector<1x16xf32>,
      %swap3A_90 = vector.shape_cast %swap3A_89 : vector<1x16xf32> to vector<16xf32>
      %swap3A_91 = vector.shape_cast %broadcast_in_dim3A_0 : vector<16xf32> to vector<1x16xf32>
      tpu.vector_store %arg8[%swap3A_87, %swap3A_88], %swap3A_91 {strides = array<i32>} : memref<128x128xf32, #tpu.memory_space<vmem>>, vector<1x16xf32>,
    }
    %scan3A_9 = arith.constant 128 : i32
    %lt3A = arith.constant 15 : i32
    %lt3A_10 = arith.cmpi slt, %arg1, %lt3A : i32
    %convert_element_type3A = arith.extui %lt3A_10 : i1 to i32
    %cond3A = arith.constant 0 : i32
    %cond3A_11 = arith.cmpi ne, %convert_element_type3A, %cond3A : i32
    scf.if %cond3A_11 {
      %scan3A_48 = arith.constant 0 : i32
      %scan3A_49 = arith.constant 8 : i32
      %scan3A_50 = arith.addi %scan3A_48, %scan3A_49 : i32
      %scan3A_51 = arith.constant 1 : i32
      scf.for %scan3A_53 = %scan3A_48 to %scan3A_50 step %scan3A_51  : i32 {
        %mul3A_54 = arith.constant 1 : i32
        %mul3A_55 = arith.muli %scan3A_53, %mul3A_54 : i32
        %add3A_56 = arith.constant 0 : i32
        %add3A_57 = arith.addi %add3A_56, %mul3A_55 : i32
        %mul3A_58 = arith.constant 640 : i32
        %mul3A_59 = arith.muli %arg1, %mul3A_58 : i32
        %mul3A_60 = arith.constant 80 : i32
        %mul3A_61 = arith.muli %add3A_57, %mul3A_60 : i32
        %add3A_62 = arith.addi %mul3A_59, %mul3A_61 : i32
        "tpu.region"() ({
          %run_scoped3A = tpu.sem_alloc : memref<!tpu.dma_semaphore, #tpu.memory_space<semaphore_mem>>
          %dma_start3A = arith.constant 0 : i32
          %dma_start3A_63 = tpu.memref_slice %arg7[%add3A_62, %dma_start3A] : memref<10000x128xf32, #tpu.memory_space<vmem_shared>> -> memref<80x128xf32, #tpu.memory_space<vmem_shared>>
          tpu.enqueue_dma source(%arg5 : memref<80x128xf32, #tpu.memory_space<hbm>>) target(%dma_start3A_63 : memref<80x128xf32, #tpu.memory_space<vmem_shared>>) target_semaphore(%run_scoped3A : memref<!tpu.dma_semaphore, #tpu.memory_space<semaphore_mem>>)
          %dma_wait3A = arith.constant 0 : i32
          %dma_wait3A_64 = tpu.memref_slice %arg7[%add3A_62, %dma_wait3A] : memref<10000x128xf32, #tpu.memory_space<vmem_shared>> -> memref<80x128xf32, #tpu.memory_space<vmem_shared>>
          tpu.wait_dma2 semaphore(%run_scoped3A : memref<!tpu.dma_semaphore, #tpu.memory_space<semaphore_mem>>) src(%arg5 : memref<80x128xf32, #tpu.memory_space<hbm>>) dst(%dma_wait3A_64 : memref<80x128xf32, #tpu.memory_space<vmem_shared>>)
          tpu.yield
        }) : () -> ()
      }
      %scan3A_52 = arith.constant 8 : i32
    } else {
    }
    %eq3A_12 = arith.constant 15 : i32
    %eq3A_13 = arith.cmpi eq, %arg1, %eq3A_12 : i32
    %convert_element_type3A_14 = arith.extui %eq3A_13 : i1 to i32
    %cond3A_15 = arith.constant 0 : i32
    %cond3A_16 = arith.cmpi ne, %convert_element_type3A_14, %cond3A_15 : i32
    scf.if %cond3A_16 {
      %scan3A_48 = arith.constant 0 : i32
      %scan3A_49 = arith.constant 5 : i32
      %scan3A_50 = arith.addi %scan3A_48, %scan3A_49 : i32
      %scan3A_51 = arith.constant 1 : i32
      scf.for %scan3A_53 = %scan3A_48 to %scan3A_50 step %scan3A_51  : i32 {
        %mul3A_54 = arith.constant 1 : i32
        %mul3A_55 = arith.muli %scan3A_53, %mul3A_54 : i32
        %add3A_56 = arith.constant 0 : i32
        %add3A_57 = arith.addi %add3A_56, %mul3A_55 : i32
        %mul3A_58 = arith.constant 80 : i32
        %mul3A_59 = arith.muli %add3A_57, %mul3A_58 : i32
        %add3A_60 = arith.constant 9600 : i32
        %add3A_61 = arith.addi %add3A_60, %mul3A_59 : i32
        "tpu.region"() ({
          %run_scoped3A = tpu.sem_alloc : memref<!tpu.dma_semaphore, #tpu.memory_space<semaphore_mem>>
          %dma_start3A = arith.constant 0 : i32
          %dma_start3A_62 = tpu.memref_slice %arg7[%add3A_61, %dma_start3A] : memref<10000x128xf32, #tpu.memory_space<vmem_shared>> -> memref<80x128xf32, #tpu.memory_space<vmem_shared>>
          tpu.enqueue_dma source(%arg5 : memref<80x128xf32, #tpu.memory_space<hbm>>) target(%dma_start3A_62 : memref<80x128xf32, #tpu.memory_space<vmem_shared>>) target_semaphore(%run_scoped3A : memref<!tpu.dma_semaphore, #tpu.memory_space<semaphore_mem>>)
          %dma_wait3A = arith.constant 0 : i32
          %dma_wait3A_63 = tpu.memref_slice %arg7[%add3A_61, %dma_wait3A] : memref<10000x128xf32, #tpu.memory_space<vmem_shared>> -> memref<80x128xf32, #tpu.memory_space<vmem_shared>>
          tpu.wait_dma2 semaphore(%run_scoped3A : memref<!tpu.dma_semaphore, #tpu.memory_space<semaphore_mem>>) src(%arg5 : memref<80x128xf32, #tpu.memory_space<hbm>>) dst(%dma_wait3A_63 : memref<80x128xf32, #tpu.memory_space<vmem_shared>>)
          tpu.yield
        }) : () -> ()
      }
      %scan3A_52 = arith.constant 5 : i32
    } else {
    }
    %barrier3A = arith.constant 0 : index
    tpu.barrier barrier_id(%barrier3A)
    %mul3A = arith.constant 1 : i32
    %mul3A_17 = arith.muli %arg1, %mul3A : i32
    %add3A = arith.constant 0 : i32
    %add3A_18 = arith.addi %add3A, %mul3A_17 : i32
    %mul3A_19 = arith.constant 16 : i32
    %mul3A_20 = arith.muli %arg0, %mul3A_19 : i32
    %add3A_21 = arith.addi %add3A_18, %mul3A_20 : i32
    %lt3A_22 = arith.constant 2 : i32
    %lt3A_23 = arith.cmpi slt, %add3A_21, %lt3A_22 : i32
    %jit3A_24 = arith.constant 40 : i32
    %jit3A_25 = arith.constant 39 : i32
    %select_n3A_26 = arith.select %lt3A_23, %jit3A_24, %jit3A_25 : i32
    %lt3A_27 = arith.constant 2 : i32
    %lt3A_28 = arith.cmpi slt, %add3A_21, %lt3A_27 : i32
    %mul3A_29 = arith.muli %add3A_21, %select_n3A_26 : i32
    %mul3A_30 = arith.constant 39 : i32
    %mul3A_31 = arith.muli %add3A_21, %mul3A_30 : i32
    %add3A_32 = arith.constant 2 : i32
    %add3A_33 = arith.addi %mul3A_31, %add3A_32 : i32
    %select_n3A_34 = arith.select %lt3A_28, %mul3A_29, %add3A_33 : i32
    %mul3A_35 = arith.constant 1 : i32
    %mul3A_36 = arith.muli %mul3A_35, %select_n3A_26 : i32
    "tpu.region"() ({
      %run_scoped3A = memref.alloca() : memref<2x128x128xf32, #tpu.memory_space<vmem>>
      %run_scoped3A_48 = tpu.sem_alloc : memref<2x!tpu.dma_semaphore, #tpu.memory_space<semaphore_mem>>
      %run_scoped3A_49 = memref.alloca() : memref<2x1x128xi32, #tpu.memory_space<vmem>>
      %run_scoped3A_50 = tpu.sem_alloc : memref<2x!tpu.dma_semaphore, #tpu.memory_space<semaphore_mem>>
      %run_scoped3A_51 = memref.alloca() : memref<2x1x128xi32, #tpu.memory_space<vmem>>
      %run_scoped3A_52 = tpu.sem_alloc : memref<2x!tpu.dma_semaphore, #tpu.memory_space<semaphore_mem>>
      %gt3A = arith.constant 0 : i32
      %gt3A_53 = arith.cmpi sgt, %mul3A_36, %gt3A : i32
      %convert_element_type3A_54 = arith.extui %gt3A_53 : i1 to i32
      %cond3A_55 = arith.constant 0 : i32
      %cond3A_56 = arith.cmpi ne, %convert_element_type3A_54, %cond3A_55 : i32
      scf.if %cond3A_56 {
        %mul3A_57 = arith.constant 1 : i32
        %mul3A_58 = arith.muli %mul3A_57, %select_n3A_26 : i32
        %sub3A = arith.constant 1 : i32
        %sub3A_59 = arith.subi %mul3A_58, %sub3A : i32
        %eq3A_60 = arith.constant 0 : i32
        %eq3A_61 = arith.cmpi eq, %sub3A_59, %eq3A_60 : i32
        %add3A_62 = arith.constant 0 : i32
        %add3A_63 = arith.addi %add3A_62, %select_n3A_34 : i32
        %select_n3A_64 = arith.constant true
        %select_n3A_65 = arith.constant 0 : i32
        %select_n3A_66 = arith.constant -1 : i32
        %select_n3A_67 = arith.select %select_n3A_64, %select_n3A_66, %select_n3A_65 : i32
        %eq3A_68 = arith.constant -1 : i32
        %eq3A_69 = arith.cmpi eq, %select_n3A_67, %eq3A_68 : i32
        %sub3A_70 = arith.constant 1 : i32
        %sub3A_71 = arith.subi %select_n3A_26, %sub3A_70 : i32
        %select_n3A_72 = arith.select %eq3A_69, %sub3A_71, %select_n3A_67 : i32
        %add3A_73 = arith.addi %select_n3A_72, %select_n3A_34 : i32
        %select_n3A_74 = arith.constant true
        %select_n3A_75 = arith.constant 0 : i32
        %select_n3A_76 = arith.constant 1 : i32
        %select_n3A_77 = arith.select %select_n3A_74, %select_n3A_76, %select_n3A_75 : i32
        %eq3A_78 = arith.cmpi eq, %select_n3A_77, %select_n3A_26 : i32
        %select_n3A_79 = arith.constant 0 : i32
        %select_n3A_80 = arith.select %eq3A_78, %select_n3A_79, %select_n3A_77 : i32
        %add3A_81 = arith.addi %select_n3A_80, %select_n3A_34 : i32
        %add3A_82 = arith.constant 1 : i32
        %add3A_83 = arith.addi %select_n3A_80, %add3A_82 : i32
        %select_n3A_84 = arith.constant true
        %select_n3A_85 = arith.select %select_n3A_84, %add3A_83, %select_n3A_80 : i32
        %eq3A_86 = arith.cmpi eq, %select_n3A_85, %select_n3A_26 : i32
        %select_n3A_87 = arith.constant 0 : i32
        %select_n3A_88 = arith.select %eq3A_86, %select_n3A_87, %select_n3A_85 : i32
        %add3A_89 = arith.addi %select_n3A_88, %select_n3A_34 : i32
        "tpu.trace_start"() <{level = 10 : i32, message = "ep_initialize_0"}> : () -> ()
        %rem3A = arith.constant 0 : i32
        %rem3A_90 = arith.constant 2 : i32
        %rem3A_91 = arith.remui %rem3A, %rem3A_90 : i32
        %mul3A_92 = arith.constant 128 : i32
        %mul3A_93 = arith.muli %mul3A_92, %add3A_63 : i32
        %dma_start3A = arith.constant 0 : i32
        %dma_start3A_94 = arith.constant 0 : i32
        %dma_start3A_95 = tpu.memref_slice %run_scoped3A[%rem3A_91, %dma_start3A, %dma_start3A_94] : memref<2x128x128xf32, #tpu.memory_space<vmem>> -> memref<1x128x128xf32, #tpu.memory_space<vmem>>
        %dma_start3A_96 = tpu.memref_squeeze %dma_start3A_95 : memref<1x128x128xf32, #tpu.memory_space<vmem>> -> memref<128x128xf32, #tpu.memory_space<vmem>>
        %dma_start3A_97 = arith.constant 0 : i32
        %dma_start3A_98 = tpu.memref_slice %arg2[%mul3A_93, %dma_start3A_97] : memref<160000x128xf32, #tpu.memory_space<hbm>> -> memref<128x128xf32, #tpu.memory_space<hbm>>
        %dma_start3A_99 = tpu.memref_slice %run_scoped3A_48[%rem3A_91] : memref<2x!tpu.dma_semaphore, #tpu.memory_space<semaphore_mem>> -> memref<1x!tpu.dma_semaphore, #tpu.memory_space<semaphore_mem>>
        %dma_start3A_100 = tpu.memref_squeeze %dma_start3A_99 : memref<1x!tpu.dma_semaphore, #tpu.memory_space<semaphore_mem>> -> memref<!tpu.dma_semaphore, #tpu.memory_space<semaphore_mem>>
        %dma_start3A_101 = arith.constant 0 : i32
        %dma_start3A_102 = arith.constant 0 : i32
        %dma_start3A_103 = tpu.memref_slice %run_scoped3A[%rem3A_91, %dma_start3A_101, %dma_start3A_102] : memref<2x128x128xf32, #tpu.memory_space<vmem>> -> memref<1x128x128xf32, #tpu.memory_space<vmem>>
        %dma_start3A_104 = tpu.memref_squeeze %dma_start3A_103 : memref<1x128x128xf32, #tpu.memory_space<vmem>> -> memref<128x128xf32, #tpu.memory_space<vmem>>
        %dma_start3A_105 = arith.constant 0 : i32
        %dma_start3A_106 = tpu.memref_slice %arg2[%mul3A_93, %dma_start3A_105] : memref<160000x128xf32, #tpu.memory_space<hbm>> -> memref<128x128xf32, #tpu.memory_space<hbm>>
        tpu.enqueue_dma source(%dma_start3A_106 : memref<128x128xf32, #tpu.memory_space<hbm>>) target(%dma_start3A_104 : memref<128x128xf32, #tpu.memory_space<vmem>>) target_semaphore(%dma_start3A_100 : memref<!tpu.dma_semaphore, #tpu.memory_space<semaphore_mem>>)
        %add3A_107 = arith.constant 0 : i32
        %add3A_108 = arith.constant 1 : i32
        %add3A_109 = arith.addi %add3A_107, %add3A_108 : i32
        %select_n3A_110 = arith.constant true
        %select_n3A_111 = arith.constant 0 : i32
        %select_n3A_112 = arith.select %select_n3A_110, %add3A_109, %select_n3A_111 : i32
        %rem3A_113 = arith.constant 0 : i32
        %rem3A_114 = arith.constant 2 : i32
        %rem3A_115 = arith.remui %rem3A_113, %rem3A_114 : i32
        %mul3A_116 = arith.constant 128 : i32
        %mul3A_117 = arith.muli %mul3A_116, %add3A_63 : i32
        %dma_start3A_118 = arith.constant 0 : i32
        %dma_start3A_119 = arith.constant 0 : i32
        %dma_start3A_120 = tpu.memref_slice %run_scoped3A_49[%rem3A_115, %dma_start3A_118, %dma_start3A_119] : memref<2x1x128xi32, #tpu.memory_space<vmem>> -> memref<1x1x128xi32, #tpu.memory_space<vmem>>
        %dma_start3A_121 = tpu.memref_squeeze %dma_start3A_120 : memref<1x1x128xi32, #tpu.memory_space<vmem>> -> memref<1x128xi32, #tpu.memory_space<vmem>>
        %dma_start3A_122 = arith.constant 0 : i32
        %dma_start3A_123 = tpu.memref_slice %arg3[%dma_start3A_122, %mul3A_117] : memref<1x160000xi32, #tpu.memory_space<hbm>> -> memref<1x128xi32, #tpu.memory_space<hbm>>
        %dma_start3A_124 = tpu.memref_slice %run_scoped3A_50[%rem3A_115] : memref<2x!tpu.dma_semaphore, #tpu.memory_space<semaphore_mem>> -> memref<1x!tpu.dma_semaphore, #tpu.memory_space<semaphore_mem>>
        %dma_start3A_125 = tpu.memref_squeeze %dma_start3A_124 : memref<1x!tpu.dma_semaphore, #tpu.memory_space<semaphore_mem>> -> memref<!tpu.dma_semaphore, #tpu.memory_space<semaphore_mem>>
        %dma_start3A_126 = arith.constant 0 : i32
        %dma_start3A_127 = arith.constant 0 : i32
        %dma_start3A_128 = tpu.memref_slice %run_scoped3A_49[%rem3A_115, %dma_start3A_126, %dma_start3A_127] : memref<2x1x128xi32, #tpu.memory_space<vmem>> -> memref<1x1x128xi32, #tpu.memory_space<vmem>>
        %dma_start3A_129 = tpu.memref_squeeze %dma_start3A_128 : memref<1x1x128xi32, #tpu.memory_space<vmem>> -> memref<1x128xi32, #tpu.memory_space<vmem>>
        %dma_start3A_130 = arith.constant 0 : i32
        %dma_start3A_131 = tpu.memref_slice %arg3[%dma_start3A_130, %mul3A_117] : memref<1x160000xi32, #tpu.memory_space<hbm>> -> memref<1x128xi32, #tpu.memory_space<hbm>>
        tpu.enqueue_dma source(%dma_start3A_131 : memref<1x128xi32, #tpu.memory_space<hbm>>) target(%dma_start3A_129 : memref<1x128xi32, #tpu.memory_space<vmem>>) target_semaphore(%dma_start3A_125 : memref<!tpu.dma_semaphore, #tpu.memory_space<semaphore_mem>>)
        %add3A_132 = arith.constant 0 : i32
        %add3A_133 = arith.constant 1 : i32
        %add3A_134 = arith.addi %add3A_132, %add3A_133 : i32
        %select_n3A_135 = arith.constant true
        %select_n3A_136 = arith.constant 0 : i32
        %select_n3A_137 = arith.select %select_n3A_135, %add3A_134, %select_n3A_136 : i32
        %rem3A_138 = arith.constant 0 : i32
        %rem3A_139 = arith.constant 2 : i32
        %rem3A_140 = arith.remui %rem3A_138, %rem3A_139 : i32
        %mul3A_141 = arith.constant 128 : i32
        %mul3A_142 = arith.muli %mul3A_141, %add3A_63 : i32
        %dma_start3A_143 = arith.constant 0 : i32
        %dma_start3A_144 = arith.constant 0 : i32
        %dma_start3A_145 = tpu.memref_slice %run_scoped3A_51[%rem3A_140, %dma_start3A_143, %dma_start3A_144] : memref<2x1x128xi32, #tpu.memory_space<vmem>> -> memref<1x1x128xi32, #tpu.memory_space<vmem>>
        %dma_start3A_146 = tpu.memref_squeeze %dma_start3A_145 : memref<1x1x128xi32, #tpu.memory_space<vmem>> -> memref<1x128xi32, #tpu.memory_space<vmem>>
        %dma_start3A_147 = arith.constant 0 : i32
        %dma_start3A_148 = tpu.memref_slice %arg4[%dma_start3A_147, %mul3A_142] : memref<1x160000xi32, #tpu.memory_space<hbm>> -> memref<1x128xi32, #tpu.memory_space<hbm>>
        %dma_start3A_149 = tpu.memref_slice %run_scoped3A_52[%rem3A_140] : memref<2x!tpu.dma_semaphore, #tpu.memory_space<semaphore_mem>> -> memref<1x!tpu.dma_semaphore, #tpu.memory_space<semaphore_mem>>
        %dma_start3A_150 = tpu.memref_squeeze %dma_start3A_149 : memref<1x!tpu.dma_semaphore, #tpu.memory_space<semaphore_mem>> -> memref<!tpu.dma_semaphore, #tpu.memory_space<semaphore_mem>>
        %dma_start3A_151 = arith.constant 0 : i32
        %dma_start3A_152 = arith.constant 0 : i32
        %dma_start3A_153 = tpu.memref_slice %run_scoped3A_51[%rem3A_140, %dma_start3A_151, %dma_start3A_152] : memref<2x1x128xi32, #tpu.memory_space<vmem>> -> memref<1x1x128xi32, #tpu.memory_space<vmem>>
        %dma_start3A_154 = tpu.memref_squeeze %dma_start3A_153 : memref<1x1x128xi32, #tpu.memory_space<vmem>> -> memref<1x128xi32, #tpu.memory_space<vmem>>
        %dma_start3A_155 = arith.constant 0 : i32
        %dma_start3A_156 = tpu.memref_slice %arg4[%dma_start3A_155, %mul3A_142] : memref<1x160000xi32, #tpu.memory_space<hbm>> -> memref<1x128xi32, #tpu.memory_space<hbm>>
        tpu.enqueue_dma source(%dma_start3A_156 : memref<1x128xi32, #tpu.memory_space<hbm>>) target(%dma_start3A_154 : memref<1x128xi32, #tpu.memory_space<vmem>>) target_semaphore(%dma_start3A_150 : memref<!tpu.dma_semaphore, #tpu.memory_space<semaphore_mem>>)
        %add3A_157 = arith.constant 0 : i32
        %add3A_158 = arith.constant 1 : i32
        %add3A_159 = arith.addi %add3A_157, %add3A_158 : i32
        %select_n3A_160 = arith.constant true
        %select_n3A_161 = arith.constant 0 : i32
        %select_n3A_162 = arith.select %select_n3A_160, %add3A_159, %select_n3A_161 : i32
        %while3A = arith.constant 0 : i32
        %while3A_163 = arith.constant 0 : i32
        %while3A_164 = arith.constant 0 : i32
        %while3A_165 = arith.constant 0 : i32
        %while3A_166 = arith.constant 0 : i32
        "tpu.trace_stop"() : () -> ()
        %while3A_167 = arith.subi %mul3A_36, %while3A : i32
        %while3A_168 = arith.addi %while3A, %while3A_167 : i32
        %while3A_169 = arith.constant 1 : i32
        %while3A_170 = arith.divsi %while3A_167, %while3A_169 : i32
        %while3A_171 = arith.muli %while3A_170, %while3A_169 : i32
        %while3A_172 = arith.addi %while3A, %while3A_171 : i32
        %while3A_173 = arith.constant 1 : i32
        %while3A_174:7 = scf.for %while3A_231 = %while3A to %while3A_172 step %while3A_173 iter_args(%while3A_232 = %select_n3A_112, %while3A_233 = %while3A_163, %while3A_234 = %select_n3A_137, %while3A_235 = %while3A_164, %while3A_236 = %select_n3A_162, %while3A_237 = %while3A_165, %while3A_238 = %while3A_166) -> (i32, i32, i32, i32, i32, i32, i32)  : i32 {
          %mul3A_239 = arith.constant 1 : i32
          %mul3A_240 = arith.muli %mul3A_239, %select_n3A_26 : i32
          %eq3A_241 = arith.constant 0 : i32
          %eq3A_242 = arith.cmpi eq, %while3A_231, %eq3A_241 : i32
          %sub3A_243 = arith.constant 1 : i32
          %sub3A_244 = arith.subi %mul3A_240, %sub3A_243 : i32
          %eq3A_245 = arith.cmpi eq, %while3A_231, %sub3A_244 : i32
          %add3A_246 = arith.addi %while3A_238, %select_n3A_34 : i32
          %sub3A_247 = arith.constant 1 : i32
          %sub3A_248 = arith.subi %while3A_238, %sub3A_247 : i32
          %select_n3A_249 = arith.constant true
          %select_n3A_250 = arith.select %select_n3A_249, %sub3A_248, %while3A_238 : i32
          %eq3A_251 = arith.constant -1 : i32
          %eq3A_252 = arith.cmpi eq, %select_n3A_250, %eq3A_251 : i32
          %sub3A_253 = arith.constant 1 : i32
          %sub3A_254 = arith.subi %select_n3A_26, %sub3A_253 : i32
          %select_n3A_255 = arith.select %eq3A_252, %sub3A_254, %select_n3A_250 : i32
          %add3A_256 = arith.addi %select_n3A_255, %select_n3A_34 : i32
          %add3A_257 = arith.constant 1 : i32
          %add3A_258 = arith.addi %while3A_238, %add3A_257 : i32
          %select_n3A_259 = arith.constant true
          %select_n3A_260 = arith.select %select_n3A_259, %add3A_258, %while3A_238 : i32
          %eq3A_261 = arith.cmpi eq, %select_n3A_260, %select_n3A_26 : i32
          %select_n3A_262 = arith.constant 0 : i32
          %select_n3A_263 = arith.select %eq3A_261, %select_n3A_262, %select_n3A_260 : i32
          %add3A_264 = arith.addi %select_n3A_263, %select_n3A_34 : i32
          %add3A_265 = arith.constant 1 : i32
          %add3A_266 = arith.addi %select_n3A_263, %add3A_265 : i32
          %select_n3A_267 = arith.constant true
          %select_n3A_268 = arith.select %select_n3A_267, %add3A_266, %select_n3A_263 : i32
          %eq3A_269 = arith.cmpi eq, %select_n3A_268, %select_n3A_26 : i32
          %select_n3A_270 = arith.constant 0 : i32
          %select_n3A_271 = arith.select %eq3A_269, %select_n3A_270, %select_n3A_268 : i32
          %add3A_272 = arith.addi %select_n3A_271, %select_n3A_34 : i32
          %ne3A = arith.cmpi ne, %add3A_246, %add3A_264 : i32
          %or3A = arith.constant false
          %or3A_273 = arith.ori %or3A, %ne3A : i1
          %or3A_274 = arith.constant false
          %or3A_275 = arith.ori %or3A_273, %or3A_274 : i1
          %sub3A_276 = arith.constant 2 : i32
          %sub3A_277 = arith.subi %mul3A_240, %sub3A_276 : i32
          %add3A_278 = arith.constant 1 : i32
          %add3A_279 = arith.addi %sub3A_277, %add3A_278 : i32
          %ge3A = arith.cmpi sge, %while3A_231, %add3A_279 : i32
          %not3A = arith.constant true
          %not3A_280 = arith.xori %ge3A, %not3A : i1
          %and3A = arith.andi %or3A_275, %not3A_280 : i1
          %convert_element_type3A_281 = arith.extui %and3A : i1 to i32
          %cond3A_282 = arith.constant 0 : i32
          %cond3A_283 = arith.cmpi ne, %convert_element_type3A_281, %cond3A_282 : i32
          scf.if %cond3A_283 {
            "tpu.trace_start"() <{level = 10 : i32, message = "ep_copy_in"}> : () -> ()
            %rem3A_452 = arith.constant 2 : i32
            %rem3A_453 = arith.remui %while3A_232, %rem3A_452 : i32
            %mul3A_454 = arith.constant 128 : i32
            %mul3A_455 = arith.muli %mul3A_454, %add3A_264 : i32
            %dma_start3A_456 = arith.constant 0 : i32
            %dma_start3A_457 = arith.constant 0 : i32
            %dma_start3A_458 = tpu.memref_slice %run_scoped3A[%rem3A_453, %dma_start3A_456, %dma_start3A_457] : memref<2x128x128xf32, #tpu.memory_space<vmem>> -> memref<1x128x128xf32, #tpu.memory_space<vmem>>
            %dma_start3A_459 = tpu.memref_squeeze %dma_start3A_458 : memref<1x128x128xf32, #tpu.memory_space<vmem>> -> memref<128x128xf32, #tpu.memory_space<vmem>>
            %dma_start3A_460 = arith.constant 0 : i32
            %dma_start3A_461 = tpu.memref_slice %arg2[%mul3A_455, %dma_start3A_460] : memref<160000x128xf32, #tpu.memory_space<hbm>> -> memref<128x128xf32, #tpu.memory_space<hbm>>
            %dma_start3A_462 = tpu.memref_slice %run_scoped3A_48[%rem3A_453] : memref<2x!tpu.dma_semaphore, #tpu.memory_space<semaphore_mem>> -> memref<1x!tpu.dma_semaphore, #tpu.memory_space<semaphore_mem>>
            %dma_start3A_463 = tpu.memref_squeeze %dma_start3A_462 : memref<1x!tpu.dma_semaphore, #tpu.memory_space<semaphore_mem>> -> memref<!tpu.dma_semaphore, #tpu.memory_space<semaphore_mem>>
            %dma_start3A_464 = arith.constant 0 : i32
            %dma_start3A_465 = arith.constant 0 : i32
            %dma_start3A_466 = tpu.memref_slice %run_scoped3A[%rem3A_453, %dma_start3A_464, %dma_start3A_465] : memref<2x128x128xf32, #tpu.memory_space<vmem>> -> memref<1x128x128xf32, #tpu.memory_space<vmem>>
            %dma_start3A_467 = tpu.memref_squeeze %dma_start3A_466 : memref<1x128x128xf32, #tpu.memory_space<vmem>> -> memref<128x128xf32, #tpu.memory_space<vmem>>
            %dma_start3A_468 = arith.constant 0 : i32
            %dma_start3A_469 = tpu.memref_slice %arg2[%mul3A_455, %dma_start3A_468] : memref<160000x128xf32, #tpu.memory_space<hbm>> -> memref<128x128xf32, #tpu.memory_space<hbm>>
            tpu.enqueue_dma source(%dma_start3A_469 : memref<128x128xf32, #tpu.memory_space<hbm>>) target(%dma_start3A_467 : memref<128x128xf32, #tpu.memory_space<vmem>>) target_semaphore(%dma_start3A_463 : memref<!tpu.dma_semaphore, #tpu.memory_space<semaphore_mem>>)
            "tpu.trace_stop"() : () -> ()
          } else {
          }
          %and3A_284 = arith.constant true
          %and3A_285 = arith.andi %and3A, %and3A_284 : i1
          %add3A_286 = arith.constant 1 : i32
          %add3A_287 = arith.addi %while3A_232, %add3A_286 : i32
          %select_n3A_288 = arith.select %and3A_285, %add3A_287, %while3A_232 : i32
          %ne3A_289 = arith.cmpi ne, %add3A_246, %add3A_264 : i32
          %or3A_290 = arith.constant false
          %or3A_291 = arith.ori %or3A_290, %ne3A_289 : i1
          %sub3A_292 = arith.constant 2 : i32
          %sub3A_293 = arith.subi %mul3A_240, %sub3A_292 : i32
          %add3A_294 = arith.constant 1 : i32
          %add3A_295 = arith.addi %sub3A_293, %add3A_294 : i32
          %ge3A_296 = arith.cmpi sge, %while3A_231, %add3A_295 : i32
          %not3A_297 = arith.constant true
          %not3A_298 = arith.xori %ge3A_296, %not3A_297 : i1
          %and3A_299 = arith.andi %or3A_291, %not3A_298 : i1
          %convert_element_type3A_300 = arith.extui %and3A_299 : i1 to i32
          %cond3A_301 = arith.constant 0 : i32
          %cond3A_302 = arith.cmpi ne, %convert_element_type3A_300, %cond3A_301 : i32
          scf.if %cond3A_302 {
            "tpu.trace_start"() <{level = 10 : i32, message = "ep_copy_in"}> : () -> ()
            %rem3A_452 = arith.constant 2 : i32
            %rem3A_453 = arith.remui %while3A_234, %rem3A_452 : i32
            %mul3A_454 = arith.constant 128 : i32
            %mul3A_455 = arith.muli %mul3A_454, %add3A_264 : i32
            %dma_start3A_456 = arith.constant 0 : i32
            %dma_start3A_457 = arith.constant 0 : i32
            %dma_start3A_458 = tpu.memref_slice %run_scoped3A_49[%rem3A_453, %dma_start3A_456, %dma_start3A_457] : memref<2x1x128xi32, #tpu.memory_space<vmem>> -> memref<1x1x128xi32, #tpu.memory_space<vmem>>
            %dma_start3A_459 = tpu.memref_squeeze %dma_start3A_458 : memref<1x1x128xi32, #tpu.memory_space<vmem>> -> memref<1x128xi32, #tpu.memory_space<vmem>>
            %dma_start3A_460 = arith.constant 0 : i32
            %dma_start3A_461 = tpu.memref_slice %arg3[%dma_start3A_460, %mul3A_455] : memref<1x160000xi32, #tpu.memory_space<hbm>> -> memref<1x128xi32, #tpu.memory_space<hbm>>
            %dma_start3A_462 = tpu.memref_slice %run_scoped3A_50[%rem3A_453] : memref<2x!tpu.dma_semaphore, #tpu.memory_space<semaphore_mem>> -> memref<1x!tpu.dma_semaphore, #tpu.memory_space<semaphore_mem>>
            %dma_start3A_463 = tpu.memref_squeeze %dma_start3A_462 : memref<1x!tpu.dma_semaphore, #tpu.memory_space<semaphore_mem>> -> memref<!tpu.dma_semaphore, #tpu.memory_space<semaphore_mem>>
            %dma_start3A_464 = arith.constant 0 : i32
            %dma_start3A_465 = arith.constant 0 : i32
            %dma_start3A_466 = tpu.memref_slice %run_scoped3A_49[%rem3A_453, %dma_start3A_464, %dma_start3A_465] : memref<2x1x128xi32, #tpu.memory_space<vmem>> -> memref<1x1x128xi32, #tpu.memory_space<vmem>>
            %dma_start3A_467 = tpu.memref_squeeze %dma_start3A_466 : memref<1x1x128xi32, #tpu.memory_space<vmem>> -> memref<1x128xi32, #tpu.memory_space<vmem>>
            %dma_start3A_468 = arith.constant 0 : i32
            %dma_start3A_469 = tpu.memref_slice %arg3[%dma_start3A_468, %mul3A_455] : memref<1x160000xi32, #tpu.memory_space<hbm>> -> memref<1x128xi32, #tpu.memory_space<hbm>>
            tpu.enqueue_dma source(%dma_start3A_469 : memref<1x128xi32, #tpu.memory_space<hbm>>) target(%dma_start3A_467 : memref<1x128xi32, #tpu.memory_space<vmem>>) target_semaphore(%dma_start3A_463 : memref<!tpu.dma_semaphore, #tpu.memory_space<semaphore_mem>>)
            "tpu.trace_stop"() : () -> ()
          } else {
          }
          %and3A_303 = arith.constant true
          %and3A_304 = arith.andi %and3A_299, %and3A_303 : i1
          %add3A_305 = arith.constant 1 : i32
          %add3A_306 = arith.addi %while3A_234, %add3A_305 : i32
          %select_n3A_307 = arith.select %and3A_304, %add3A_306, %while3A_234 : i32
          %ne3A_308 = arith.cmpi ne, %add3A_246, %add3A_264 : i32
          %or3A_309 = arith.constant false
          %or3A_310 = arith.ori %or3A_309, %ne3A_308 : i1
          %sub3A_311 = arith.constant 2 : i32
          %sub3A_312 = arith.subi %mul3A_240, %sub3A_311 : i32
          %add3A_313 = arith.constant 1 : i32
          %add3A_314 = arith.addi %sub3A_312, %add3A_313 : i32
          %ge3A_315 = arith.cmpi sge, %while3A_231, %add3A_314 : i32
          %not3A_316 = arith.constant true
          %not3A_317 = arith.xori %ge3A_315, %not3A_316 : i1
          %and3A_318 = arith.andi %or3A_310, %not3A_317 : i1
          %convert_element_type3A_319 = arith.extui %and3A_318 : i1 to i32
          %cond3A_320 = arith.constant 0 : i32
          %cond3A_321 = arith.cmpi ne, %convert_element_type3A_319, %cond3A_320 : i32
          scf.if %cond3A_321 {
            "tpu.trace_start"() <{level = 10 : i32, message = "ep_copy_in"}> : () -> ()
            %rem3A_452 = arith.constant 2 : i32
            %rem3A_453 = arith.remui %while3A_236, %rem3A_452 : i32
            %mul3A_454 = arith.constant 128 : i32
            %mul3A_455 = arith.muli %mul3A_454, %add3A_264 : i32
            %dma_start3A_456 = arith.constant 0 : i32
            %dma_start3A_457 = arith.constant 0 : i32
            %dma_start3A_458 = tpu.memref_slice %run_scoped3A_51[%rem3A_453, %dma_start3A_456, %dma_start3A_457] : memref<2x1x128xi32, #tpu.memory_space<vmem>> -> memref<1x1x128xi32, #tpu.memory_space<vmem>>
            %dma_start3A_459 = tpu.memref_squeeze %dma_start3A_458 : memref<1x1x128xi32, #tpu.memory_space<vmem>> -> memref<1x128xi32, #tpu.memory_space<vmem>>
            %dma_start3A_460 = arith.constant 0 : i32
            %dma_start3A_461 = tpu.memref_slice %arg4[%dma_start3A_460, %mul3A_455] : memref<1x160000xi32, #tpu.memory_space<hbm>> -> memref<1x128xi32, #tpu.memory_space<hbm>>
            %dma_start3A_462 = tpu.memref_slice %run_scoped3A_52[%rem3A_453] : memref<2x!tpu.dma_semaphore, #tpu.memory_space<semaphore_mem>> -> memref<1x!tpu.dma_semaphore, #tpu.memory_space<semaphore_mem>>
            %dma_start3A_463 = tpu.memref_squeeze %dma_start3A_462 : memref<1x!tpu.dma_semaphore, #tpu.memory_space<semaphore_mem>> -> memref<!tpu.dma_semaphore, #tpu.memory_space<semaphore_mem>>
            %dma_start3A_464 = arith.constant 0 : i32
            %dma_start3A_465 = arith.constant 0 : i32
            %dma_start3A_466 = tpu.memref_slice %run_scoped3A_51[%rem3A_453, %dma_start3A_464, %dma_start3A_465] : memref<2x1x128xi32, #tpu.memory_space<vmem>> -> memref<1x1x128xi32, #tpu.memory_space<vmem>>
            %dma_start3A_467 = tpu.memref_squeeze %dma_start3A_466 : memref<1x1x128xi32, #tpu.memory_space<vmem>> -> memref<1x128xi32, #tpu.memory_space<vmem>>
            %dma_start3A_468 = arith.constant 0 : i32
            %dma_start3A_469 = tpu.memref_slice %arg4[%dma_start3A_468, %mul3A_455] : memref<1x160000xi32, #tpu.memory_space<hbm>> -> memref<1x128xi32, #tpu.memory_space<hbm>>
            tpu.enqueue_dma source(%dma_start3A_469 : memref<1x128xi32, #tpu.memory_space<hbm>>) target(%dma_start3A_467 : memref<1x128xi32, #tpu.memory_space<vmem>>) target_semaphore(%dma_start3A_463 : memref<!tpu.dma_semaphore, #tpu.memory_space<semaphore_mem>>)
            "tpu.trace_stop"() : () -> ()
          } else {
          }
          %and3A_322 = arith.constant true
          %and3A_323 = arith.andi %and3A_318, %and3A_322 : i1
          %add3A_324 = arith.constant 1 : i32
          %add3A_325 = arith.addi %while3A_236, %add3A_324 : i32
          %select_n3A_326 = arith.select %and3A_323, %add3A_325, %while3A_236 : i32
          %ne3A_327 = arith.cmpi ne, %add3A_246, %add3A_256 : i32
          %or3A_328 = arith.constant false
          %or3A_329 = arith.ori %or3A_328, %ne3A_327 : i1
          %or3A_330 = arith.constant false
          %or3A_331 = arith.ori %or3A_329, %or3A_330 : i1
          %or3A_332 = arith.ori %or3A_331, %eq3A_242 : i1
          %convert_element_type3A_333 = arith.extui %or3A_332 : i1 to i32
          %cond3A_334 = arith.constant 0 : i32
          %cond3A_335 = arith.cmpi ne, %convert_element_type3A_333, %cond3A_334 : i32
          scf.if %cond3A_335 {
            "tpu.trace_start"() <{level = 10 : i32, message = "ep_wait_in"}> : () -> ()
            %mul3A_452 = arith.constant 128 : i32
            %mul3A_453 = arith.muli %mul3A_452, %add3A_246 : i32
            %rem3A_454 = arith.constant 2 : i32
            %rem3A_455 = arith.remui %while3A_233, %rem3A_454 : i32
            %dma_wait3A = arith.constant 0 : i32
            %dma_wait3A_456 = arith.constant 0 : i32
            %dma_wait3A_457 = tpu.memref_slice %run_scoped3A[%rem3A_455, %dma_wait3A, %dma_wait3A_456] : memref<2x128x128xf32, #tpu.memory_space<vmem>> -> memref<1x128x128xf32, #tpu.memory_space<vmem>>
            %dma_wait3A_458 = tpu.memref_squeeze %dma_wait3A_457 : memref<1x128x128xf32, #tpu.memory_space<vmem>> -> memref<128x128xf32, #tpu.memory_space<vmem>>
            %dma_wait3A_459 = arith.constant 0 : i32
            %dma_wait3A_460 = tpu.memref_slice %arg2[%mul3A_453, %dma_wait3A_459] : memref<160000x128xf32, #tpu.memory_space<hbm>> -> memref<128x128xf32, #tpu.memory_space<hbm>>
            %dma_wait3A_461 = tpu.memref_slice %run_scoped3A_48[%rem3A_455] : memref<2x!tpu.dma_semaphore, #tpu.memory_space<semaphore_mem>> -> memref<1x!tpu.dma_semaphore, #tpu.memory_space<semaphore_mem>>
            %dma_wait3A_462 = tpu.memref_squeeze %dma_wait3A_461 : memref<1x!tpu.dma_semaphore, #tpu.memory_space<semaphore_mem>> -> memref<!tpu.dma_semaphore, #tpu.memory_space<semaphore_mem>>
            %dma_wait3A_463 = arith.constant 0 : i32
            %dma_wait3A_464 = arith.constant 0 : i32
            %dma_wait3A_465 = tpu.memref_slice %run_scoped3A[%rem3A_455, %dma_wait3A_463, %dma_wait3A_464] : memref<2x128x128xf32, #tpu.memory_space<vmem>> -> memref<1x128x128xf32, #tpu.memory_space<vmem>>
            %dma_wait3A_466 = tpu.memref_squeeze %dma_wait3A_465 : memref<1x128x128xf32, #tpu.memory_space<vmem>> -> memref<128x128xf32, #tpu.memory_space<vmem>>
            %dma_wait3A_467 = arith.constant 0 : i32
            %dma_wait3A_468 = tpu.memref_slice %arg2[%mul3A_453, %dma_wait3A_467] : memref<160000x128xf32, #tpu.memory_space<hbm>> -> memref<128x128xf32, #tpu.memory_space<hbm>>
            tpu.wait_dma2 semaphore(%dma_wait3A_462 : memref<!tpu.dma_semaphore, #tpu.memory_space<semaphore_mem>>) src(%dma_wait3A_468 : memref<128x128xf32, #tpu.memory_space<hbm>>) dst(%dma_wait3A_466 : memref<128x128xf32, #tpu.memory_space<vmem>>)
            "tpu.trace_stop"() : () -> ()
          } else {
          }
          %ne3A_336 = arith.cmpi ne, %add3A_246, %add3A_256 : i32
          %or3A_337 = arith.constant false
          %or3A_338 = arith.ori %or3A_337, %ne3A_336 : i1
          %or3A_339 = arith.ori %or3A_338, %eq3A_242 : i1
          %convert_element_type3A_340 = arith.extui %or3A_339 : i1 to i32
          %cond3A_341 = arith.constant 0 : i32
          %cond3A_342 = arith.cmpi ne, %convert_element_type3A_340, %cond3A_341 : i32
          scf.if %cond3A_342 {
            "tpu.trace_start"() <{level = 10 : i32, message = "ep_wait_in"}> : () -> ()
            %mul3A_452 = arith.constant 128 : i32
            %mul3A_453 = arith.muli %mul3A_452, %add3A_246 : i32
            %rem3A_454 = arith.constant 2 : i32
            %rem3A_455 = arith.remui %while3A_235, %rem3A_454 : i32
            %dma_wait3A = arith.constant 0 : i32
            %dma_wait3A_456 = arith.constant 0 : i32
            %dma_wait3A_457 = tpu.memref_slice %run_scoped3A_49[%rem3A_455, %dma_wait3A, %dma_wait3A_456] : memref<2x1x128xi32, #tpu.memory_space<vmem>> -> memref<1x1x128xi32, #tpu.memory_space<vmem>>
            %dma_wait3A_458 = tpu.memref_squeeze %dma_wait3A_457 : memref<1x1x128xi32, #tpu.memory_space<vmem>> -> memref<1x128xi32, #tpu.memory_space<vmem>>
            %dma_wait3A_459 = arith.constant 0 : i32
            %dma_wait3A_460 = tpu.memref_slice %arg3[%dma_wait3A_459, %mul3A_453] : memref<1x160000xi32, #tpu.memory_space<hbm>> -> memref<1x128xi32, #tpu.memory_space<hbm>>
            %dma_wait3A_461 = tpu.memref_slice %run_scoped3A_50[%rem3A_455] : memref<2x!tpu.dma_semaphore, #tpu.memory_space<semaphore_mem>> -> memref<1x!tpu.dma_semaphore, #tpu.memory_space<semaphore_mem>>
            %dma_wait3A_462 = tpu.memref_squeeze %dma_wait3A_461 : memref<1x!tpu.dma_semaphore, #tpu.memory_space<semaphore_mem>> -> memref<!tpu.dma_semaphore, #tpu.memory_space<semaphore_mem>>
            %dma_wait3A_463 = arith.constant 0 : i32
            %dma_wait3A_464 = arith.constant 0 : i32
            %dma_wait3A_465 = tpu.memref_slice %run_scoped3A_49[%rem3A_455, %dma_wait3A_463, %dma_wait3A_464] : memref<2x1x128xi32, #tpu.memory_space<vmem>> -> memref<1x1x128xi32, #tpu.memory_space<vmem>>
            %dma_wait3A_466 = tpu.memref_squeeze %dma_wait3A_465 : memref<1x1x128xi32, #tpu.memory_space<vmem>> -> memref<1x128xi32, #tpu.memory_space<vmem>>
            %dma_wait3A_467 = arith.constant 0 : i32
            %dma_wait3A_468 = tpu.memref_slice %arg3[%dma_wait3A_467, %mul3A_453] : memref<1x160000xi32, #tpu.memory_space<hbm>> -> memref<1x128xi32, #tpu.memory_space<hbm>>
            tpu.wait_dma2 semaphore(%dma_wait3A_462 : memref<!tpu.dma_semaphore, #tpu.memory_space<semaphore_mem>>) src(%dma_wait3A_468 : memref<1x128xi32, #tpu.memory_space<hbm>>) dst(%dma_wait3A_466 : memref<1x128xi32, #tpu.memory_space<vmem>>)
            "tpu.trace_stop"() : () -> ()
          } else {
          }
          %ne3A_343 = arith.cmpi ne, %add3A_246, %add3A_256 : i32
          %or3A_344 = arith.constant false
          %or3A_345 = arith.ori %or3A_344, %ne3A_343 : i1
          %or3A_346 = arith.ori %or3A_345, %eq3A_242 : i1
          %convert_element_type3A_347 = arith.extui %or3A_346 : i1 to i32
          %cond3A_348 = arith.constant 0 : i32
          %cond3A_349 = arith.cmpi ne, %convert_element_type3A_347, %cond3A_348 : i32
          scf.if %cond3A_349 {
            "tpu.trace_start"() <{level = 10 : i32, message = "ep_wait_in"}> : () -> ()
            %mul3A_452 = arith.constant 128 : i32
            %mul3A_453 = arith.muli %mul3A_452, %add3A_246 : i32
            %rem3A_454 = arith.constant 2 : i32
            %rem3A_455 = arith.remui %while3A_237, %rem3A_454 : i32
            %dma_wait3A = arith.constant 0 : i32
            %dma_wait3A_456 = arith.constant 0 : i32
            %dma_wait3A_457 = tpu.memref_slice %run_scoped3A_51[%rem3A_455, %dma_wait3A, %dma_wait3A_456] : memref<2x1x128xi32, #tpu.memory_space<vmem>> -> memref<1x1x128xi32, #tpu.memory_space<vmem>>
            %dma_wait3A_458 = tpu.memref_squeeze %dma_wait3A_457 : memref<1x1x128xi32, #tpu.memory_space<vmem>> -> memref<1x128xi32, #tpu.memory_space<vmem>>
            %dma_wait3A_459 = arith.constant 0 : i32
            %dma_wait3A_460 = tpu.memref_slice %arg4[%dma_wait3A_459, %mul3A_453] : memref<1x160000xi32, #tpu.memory_space<hbm>> -> memref<1x128xi32, #tpu.memory_space<hbm>>
            %dma_wait3A_461 = tpu.memref_slice %run_scoped3A_52[%rem3A_455] : memref<2x!tpu.dma_semaphore, #tpu.memory_space<semaphore_mem>> -> memref<1x!tpu.dma_semaphore, #tpu.memory_space<semaphore_mem>>
            %dma_wait3A_462 = tpu.memref_squeeze %dma_wait3A_461 : memref<1x!tpu.dma_semaphore, #tpu.memory_space<semaphore_mem>> -> memref<!tpu.dma_semaphore, #tpu.memory_space<semaphore_mem>>
            %dma_wait3A_463 = arith.constant 0 : i32
            %dma_wait3A_464 = arith.constant 0 : i32
            %dma_wait3A_465 = tpu.memref_slice %run_scoped3A_51[%rem3A_455, %dma_wait3A_463, %dma_wait3A_464] : memref<2x1x128xi32, #tpu.memory_space<vmem>> -> memref<1x1x128xi32, #tpu.memory_space<vmem>>
            %dma_wait3A_466 = tpu.memref_squeeze %dma_wait3A_465 : memref<1x1x128xi32, #tpu.memory_space<vmem>> -> memref<1x128xi32, #tpu.memory_space<vmem>>
            %dma_wait3A_467 = arith.constant 0 : i32
            %dma_wait3A_468 = tpu.memref_slice %arg4[%dma_wait3A_467, %mul3A_453] : memref<1x160000xi32, #tpu.memory_space<hbm>> -> memref<1x128xi32, #tpu.memory_space<hbm>>
            tpu.wait_dma2 semaphore(%dma_wait3A_462 : memref<!tpu.dma_semaphore, #tpu.memory_space<semaphore_mem>>) src(%dma_wait3A_468 : memref<1x128xi32, #tpu.memory_space<hbm>>) dst(%dma_wait3A_466 : memref<1x128xi32, #tpu.memory_space<vmem>>)
            "tpu.trace_stop"() : () -> ()
          } else {
          }
          %rem3A_350 = arith.constant 2 : i32
          %rem3A_351 = arith.remui %while3A_233, %rem3A_350 : i32
          %rem3A_352 = arith.constant 2 : i32
          %rem3A_353 = arith.remui %while3A_235, %rem3A_352 : i32
          %rem3A_354 = arith.constant 2 : i32
          %rem3A_355 = arith.remui %while3A_237, %rem3A_354 : i32
          %run_scoped3A_356 = arith.constant 0 : i32
          "tpu.trace_start"() <{level = 10 : i32, message = "ep_run_kernel"}> : () -> ()
          "tpu.region"() ({
            %run_scoped3A_452 = tpu.sem_alloc : memref<!tpu.dma_semaphore, #tpu.memory_space<semaphore_mem>>
            %dma_start3A_453 = arith.constant 0 : i32
            %dma_start3A_454 = arith.constant 0 : i32
            %dma_start3A_455 = tpu.memref_slice %run_scoped3A[%rem3A_351, %dma_start3A_453, %dma_start3A_454] : memref<2x128x128xf32, #tpu.memory_space<vmem>> -> memref<1x128x128xf32, #tpu.memory_space<vmem>>
            %dma_start3A_456 = tpu.memref_squeeze %dma_start3A_455 : memref<1x128x128xf32, #tpu.memory_space<vmem>> -> memref<128x128xf32, #tpu.memory_space<vmem>>
            %dma_start3A_457 = arith.constant 0 : i32
            %dma_start3A_458 = arith.constant 0 : i32
            %dma_start3A_459 = tpu.memref_slice %run_scoped3A_49[%rem3A_353, %dma_start3A_457, %dma_start3A_458] : memref<2x1x128xi32, #tpu.memory_space<vmem>> -> memref<1x1x128xi32, #tpu.memory_space<vmem>>
            %dma_start3A_460 = tpu.memref_squeeze %dma_start3A_459 : memref<1x1x128xi32, #tpu.memory_space<vmem>> -> memref<1x128xi32, #tpu.memory_space<vmem>>
            %dma_start3A_461 = arith.constant 0 : i32
            %dma_start3A_462 = tpu.memref_slice %dma_start3A_460[%run_scoped3A_356, %dma_start3A_461] : memref<1x128xi32, #tpu.memory_space<vmem>> -> memref<1x128xi32, #tpu.memory_space<vmem>>
            %dma_start3A_463 = tpu.memref_squeeze %dma_start3A_462 : memref<1x128xi32, #tpu.memory_space<vmem>> -> memref<128xi32, #tpu.memory_space<vmem>>
            %dma_start3A_464 = arith.constant 0 : i32
            %dma_start3A_465 = arith.constant 0 : i32
            %dma_start3A_466 = tpu.memref_slice %arg7[%dma_start3A_464, %dma_start3A_465] : memref<10000x128xf32, #tpu.memory_space<vmem_shared>> -> memref<10000x128xf32, #tpu.memory_space<vmem_shared>>
            tpu.enqueue_indirect_dma source(%dma_start3A_456 : memref<128x128xf32, #tpu.memory_space<vmem>>) target(%dma_start3A_466 : memref<10000x128xf32, #tpu.memory_space<vmem_shared>>) offsets(%dma_start3A_463 : memref<128xi32, #tpu.memory_space<vmem>>) semaphore(%run_scoped3A_452 : memref<!tpu.dma_semaphore, #tpu.memory_space<semaphore_mem>>) {add = true}
            %dma_wait3A = arith.constant 0 : i32
            %dma_wait3A_467 = arith.constant 0 : i32
            %dma_wait3A_468 = tpu.memref_slice %run_scoped3A[%rem3A_351, %dma_wait3A, %dma_wait3A_467] : memref<2x128x128xf32, #tpu.memory_space<vmem>> -> memref<1x128x128xf32, #tpu.memory_space<vmem>>
            %dma_wait3A_469 = tpu.memref_squeeze %dma_wait3A_468 : memref<1x128x128xf32, #tpu.memory_space<vmem>> -> memref<128x128xf32, #tpu.memory_space<vmem>>
            %dma_wait3A_470 = arith.constant 0 : i32
            %dma_wait3A_471 = arith.constant 0 : i32
            %dma_wait3A_472 = tpu.memref_slice %run_scoped3A_49[%rem3A_353, %dma_wait3A_470, %dma_wait3A_471] : memref<2x1x128xi32, #tpu.memory_space<vmem>> -> memref<1x1x128xi32, #tpu.memory_space<vmem>>
            %dma_wait3A_473 = tpu.memref_squeeze %dma_wait3A_472 : memref<1x1x128xi32, #tpu.memory_space<vmem>> -> memref<1x128xi32, #tpu.memory_space<vmem>>
            %dma_wait3A_474 = arith.constant 0 : i32
            %dma_wait3A_475 = tpu.memref_slice %dma_wait3A_473[%run_scoped3A_356, %dma_wait3A_474] : memref<1x128xi32, #tpu.memory_space<vmem>> -> memref<1x128xi32, #tpu.memory_space<vmem>>
            %dma_wait3A_476 = tpu.memref_squeeze %dma_wait3A_475 : memref<1x128xi32, #tpu.memory_space<vmem>> -> memref<128xi32, #tpu.memory_space<vmem>>
            %dma_wait3A_477 = arith.constant 0 : i32
            %dma_wait3A_478 = arith.constant 0 : i32
            %dma_wait3A_479 = tpu.memref_slice %arg7[%dma_wait3A_477, %dma_wait3A_478] : memref<10000x128xf32, #tpu.memory_space<vmem_shared>> -> memref<10000x128xf32, #tpu.memory_space<vmem_shared>>
            tpu.wait_indirect_dma semaphore(%run_scoped3A_452 : memref<!tpu.dma_semaphore, #tpu.memory_space<semaphore_mem>>) src(%dma_wait3A_469 : memref<128x128xf32, #tpu.memory_space<vmem>>) dst(%dma_wait3A_479 : memref<10000x128xf32, #tpu.memory_space<vmem_shared>>)
            tpu.yield
          }) : () -> ()
          %run_scoped3A_357 = arith.constant 0 : i32
          "tpu.region"() ({
            %run_scoped3A_452 = tpu.sem_alloc : memref<!tpu.dma_semaphore, #tpu.memory_space<semaphore_mem>>
            %dma_start3A_453 = arith.constant 0 : i32
            %dma_start3A_454 = arith.constant 0 : i32
            %dma_start3A_455 = tpu.memref_slice %run_scoped3A_51[%rem3A_355, %dma_start3A_453, %dma_start3A_454] : memref<2x1x128xi32, #tpu.memory_space<vmem>> -> memref<1x1x128xi32, #tpu.memory_space<vmem>>
            %dma_start3A_456 = tpu.memref_squeeze %dma_start3A_455 : memref<1x1x128xi32, #tpu.memory_space<vmem>> -> memref<1x128xi32, #tpu.memory_space<vmem>>
            %dma_start3A_457 = arith.constant 0 : i32
            %dma_start3A_458 = tpu.memref_slice %dma_start3A_456[%run_scoped3A_357, %dma_start3A_457] : memref<1x128xi32, #tpu.memory_space<vmem>> -> memref<1x128xi32, #tpu.memory_space<vmem>>
            %dma_start3A_459 = tpu.memref_squeeze %dma_start3A_458 : memref<1x128xi32, #tpu.memory_space<vmem>> -> memref<128xi32, #tpu.memory_space<vmem>>
            %dma_start3A_460 = arith.constant 0 : i32
            %dma_start3A_461 = arith.constant 0 : i32
            %dma_start3A_462 = tpu.memref_slice %arg7[%dma_start3A_460, %dma_start3A_461] : memref<10000x128xf32, #tpu.memory_space<vmem_shared>> -> memref<10000x128xf32, #tpu.memory_space<vmem_shared>>
            tpu.enqueue_indirect_dma source(%arg8 : memref<128x128xf32, #tpu.memory_space<vmem>>) target(%dma_start3A_462 : memref<10000x128xf32, #tpu.memory_space<vmem_shared>>) offsets(%dma_start3A_459 : memref<128xi32, #tpu.memory_space<vmem>>) semaphore(%run_scoped3A_452 : memref<!tpu.dma_semaphore, #tpu.memory_space<semaphore_mem>>) {add = true}
            %dma_wait3A = arith.constant 0 : i32
            %dma_wait3A_463 = arith.constant 0 : i32
            %dma_wait3A_464 = tpu.memref_slice %run_scoped3A_51[%rem3A_355, %dma_wait3A, %dma_wait3A_463] : memref<2x1x128xi32, #tpu.memory_space<vmem>> -> memref<1x1x128xi32, #tpu.memory_space<vmem>>
            %dma_wait3A_465 = tpu.memref_squeeze %dma_wait3A_464 : memref<1x1x128xi32, #tpu.memory_space<vmem>> -> memref<1x128xi32, #tpu.memory_space<vmem>>
            %dma_wait3A_466 = arith.constant 0 : i32
            %dma_wait3A_467 = tpu.memref_slice %dma_wait3A_465[%run_scoped3A_357, %dma_wait3A_466] : memref<1x128xi32, #tpu.memory_space<vmem>> -> memref<1x128xi32, #tpu.memory_space<vmem>>
            %dma_wait3A_468 = tpu.memref_squeeze %dma_wait3A_467 : memref<1x128xi32, #tpu.memory_space<vmem>> -> memref<128xi32, #tpu.memory_space<vmem>>
            %dma_wait3A_469 = arith.constant 0 : i32
            %dma_wait3A_470 = arith.constant 0 : i32
            %dma_wait3A_471 = tpu.memref_slice %arg7[%dma_wait3A_469, %dma_wait3A_470] : memref<10000x128xf32, #tpu.memory_space<vmem_shared>> -> memref<10000x128xf32, #tpu.memory_space<vmem_shared>>
            tpu.wait_indirect_dma semaphore(%run_scoped3A_452 : memref<!tpu.dma_semaphore, #tpu.memory_space<semaphore_mem>>) src(%arg8 : memref<128x128xf32, #tpu.memory_space<vmem>>) dst(%dma_wait3A_471 : memref<10000x128xf32, #tpu.memory_space<vmem_shared>>)
            tpu.yield
          }) : () -> ()
          "tpu.trace_stop"() : () -> ()
          %ne3A_358 = arith.cmpi ne, %add3A_246, %add3A_264 : i32
          %or3A_359 = arith.constant false
          %or3A_360 = arith.ori %or3A_359, %ne3A_358 : i1
          %or3A_361 = arith.constant false
          %or3A_362 = arith.ori %or3A_360, %or3A_361 : i1
          %or3A_363 = arith.ori %or3A_362, %eq3A_245 : i1
          %convert_element_type3A_364 = arith.extui %or3A_363 : i1 to i32
          %cond3A_365 = arith.constant 0 : i32
          %cond3A_366 = arith.cmpi ne, %convert_element_type3A_364, %cond3A_365 : i32
          scf.if %cond3A_366 {
          } else {
          }
          %and3A_367 = arith.constant false
          %and3A_368 = arith.andi %or3A_363, %and3A_367 : i1
          %ne3A_369 = arith.cmpi ne, %add3A_246, %add3A_264 : i32
          %or3A_370 = arith.constant false
          %or3A_371 = arith.ori %or3A_370, %ne3A_369 : i1
          %or3A_372 = arith.ori %or3A_371, %eq3A_245 : i1
          %convert_element_type3A_373 = arith.extui %or3A_372 : i1 to i32
          %cond3A_374 = arith.constant 0 : i32
          %cond3A_375 = arith.cmpi ne, %convert_element_type3A_373, %cond3A_374 : i32
          scf.if %cond3A_375 {
          } else {
          }
          %and3A_376 = arith.constant false
          %and3A_377 = arith.andi %or3A_372, %and3A_376 : i1
          %ne3A_378 = arith.cmpi ne, %add3A_246, %add3A_264 : i32
          %or3A_379 = arith.constant false
          %or3A_380 = arith.ori %or3A_379, %ne3A_378 : i1
          %or3A_381 = arith.ori %or3A_380, %eq3A_245 : i1
          %convert_element_type3A_382 = arith.extui %or3A_381 : i1 to i32
          %cond3A_383 = arith.constant 0 : i32
          %cond3A_384 = arith.cmpi ne, %convert_element_type3A_382, %cond3A_383 : i32
          scf.if %cond3A_384 {
          } else {
          }
          %and3A_385 = arith.constant false
          %and3A_386 = arith.andi %or3A_381, %and3A_385 : i1
          %ne3A_387 = arith.cmpi ne, %add3A_246, %add3A_256 : i32
          %or3A_388 = arith.constant false
          %or3A_389 = arith.ori %or3A_388, %ne3A_387 : i1
          %or3A_390 = arith.constant false
          %or3A_391 = arith.ori %or3A_389, %or3A_390 : i1
          %not3A_392 = arith.constant true
          %not3A_393 = arith.xori %eq3A_242, %not3A_392 : i1
          %and3A_394 = arith.andi %or3A_391, %not3A_393 : i1
          %convert_element_type3A_395 = arith.extui %and3A_394 : i1 to i32
          %cond3A_396 = arith.constant 0 : i32
          %cond3A_397 = arith.cmpi ne, %convert_element_type3A_395, %cond3A_396 : i32
          scf.if %cond3A_397 {
          } else {
          }
          %and3A_398 = arith.constant false
          %and3A_399 = arith.andi %and3A_394, %and3A_398 : i1
          %ne3A_400 = arith.cmpi ne, %add3A_246, %add3A_256 : i32
          %or3A_401 = arith.constant false
          %or3A_402 = arith.ori %or3A_401, %ne3A_400 : i1
          %not3A_403 = arith.constant true
          %not3A_404 = arith.xori %eq3A_242, %not3A_403 : i1
          %and3A_405 = arith.andi %or3A_402, %not3A_404 : i1
          %convert_element_type3A_406 = arith.extui %and3A_405 : i1 to i32
          %cond3A_407 = arith.constant 0 : i32
          %cond3A_408 = arith.cmpi ne, %convert_element_type3A_406, %cond3A_407 : i32
          scf.if %cond3A_408 {
          } else {
          }
          %and3A_409 = arith.constant false
          %and3A_410 = arith.andi %and3A_405, %and3A_409 : i1
          %ne3A_411 = arith.cmpi ne, %add3A_246, %add3A_256 : i32
          %or3A_412 = arith.constant false
          %or3A_413 = arith.ori %or3A_412, %ne3A_411 : i1
          %not3A_414 = arith.constant true
          %not3A_415 = arith.xori %eq3A_242, %not3A_414 : i1
          %and3A_416 = arith.andi %or3A_413, %not3A_415 : i1
          %convert_element_type3A_417 = arith.extui %and3A_416 : i1 to i32
          %cond3A_418 = arith.constant 0 : i32
          %cond3A_419 = arith.cmpi ne, %convert_element_type3A_417, %cond3A_418 : i32
          scf.if %cond3A_419 {
          } else {
          }
          %and3A_420 = arith.constant false
          %and3A_421 = arith.andi %and3A_416, %and3A_420 : i1
          %ne3A_422 = arith.cmpi ne, %add3A_246, %add3A_264 : i32
          %or3A_423 = arith.constant false
          %or3A_424 = arith.ori %or3A_423, %ne3A_422 : i1
          %or3A_425 = arith.constant false
          %or3A_426 = arith.ori %or3A_424, %or3A_425 : i1
          %or3A_427 = arith.ori %or3A_426, %eq3A_245 : i1
          %add3A_428 = arith.constant 1 : i32
          %add3A_429 = arith.addi %while3A_233, %add3A_428 : i32
          %select_n3A_430 = arith.select %or3A_427, %add3A_429, %while3A_233 : i32
          %ne3A_431 = arith.cmpi ne, %add3A_246, %add3A_264 : i32
          %or3A_432 = arith.constant false
          %or3A_433 = arith.ori %or3A_432, %ne3A_431 : i1
          %or3A_434 = arith.ori %or3A_433, %eq3A_245 : i1
          %add3A_435 = arith.constant 1 : i32
          %add3A_436 = arith.addi %while3A_235, %add3A_435 : i32
          %select_n3A_437 = arith.select %or3A_434, %add3A_436, %while3A_235 : i32
          %ne3A_438 = arith.cmpi ne, %add3A_246, %add3A_264 : i32
          %or3A_439 = arith.constant false
          %or3A_440 = arith.ori %or3A_439, %ne3A_438 : i1
          %or3A_441 = arith.ori %or3A_440, %eq3A_245 : i1
          %add3A_442 = arith.constant 1 : i32
          %add3A_443 = arith.addi %while3A_237, %add3A_442 : i32
          %select_n3A_444 = arith.select %or3A_441, %add3A_443, %while3A_237 : i32
          %add3A_445 = arith.constant 1 : i32
          %add3A_446 = arith.addi %while3A_238, %add3A_445 : i32
          %select_n3A_447 = arith.constant true
          %select_n3A_448 = arith.select %select_n3A_447, %add3A_446, %while3A_238 : i32
          %eq3A_449 = arith.cmpi eq, %select_n3A_448, %select_n3A_26 : i32
          %select_n3A_450 = arith.constant 0 : i32
          %select_n3A_451 = arith.select %eq3A_449, %select_n3A_450, %select_n3A_448 : i32
          scf.yield %select_n3A_288, %select_n3A_430, %select_n3A_307, %select_n3A_437, %select_n3A_326, %select_n3A_444, %select_n3A_451 : i32, i32, i32, i32, i32, i32, i32
        }
        %while3A_175 = arith.constant 1 : i32
        %while3A_176:7 = scf.for %while3A_231 = %while3A_172 to %while3A_168 step %while3A_175 iter_args(%while3A_232 = %while3A_174#0, %while3A_233 = %while3A_174#1, %while3A_234 = %while3A_174#2, %while3A_235 = %while3A_174#3, %while3A_236 = %while3A_174#4, %while3A_237 = %while3A_174#5, %while3A_238 = %while3A_174#6) -> (i32, i32, i32, i32, i32, i32, i32)  : i32 {
          %mul3A_239 = arith.constant 1 : i32
          %mul3A_240 = arith.muli %mul3A_239, %select_n3A_26 : i32
          %eq3A_241 = arith.constant 0 : i32
          %eq3A_242 = arith.cmpi eq, %while3A_231, %eq3A_241 : i32
          %sub3A_243 = arith.constant 1 : i32
          %sub3A_244 = arith.subi %mul3A_240, %sub3A_243 : i32
          %eq3A_245 = arith.cmpi eq, %while3A_231, %sub3A_244 : i32
          %add3A_246 = arith.addi %while3A_238, %select_n3A_34 : i32
          %sub3A_247 = arith.constant 1 : i32
          %sub3A_248 = arith.subi %while3A_238, %sub3A_247 : i32
          %select_n3A_249 = arith.constant true
          %select_n3A_250 = arith.select %select_n3A_249, %sub3A_248, %while3A_238 : i32
          %eq3A_251 = arith.constant -1 : i32
          %eq3A_252 = arith.cmpi eq, %select_n3A_250, %eq3A_251 : i32
          %sub3A_253 = arith.constant 1 : i32
          %sub3A_254 = arith.subi %select_n3A_26, %sub3A_253 : i32
          %select_n3A_255 = arith.select %eq3A_252, %sub3A_254, %select_n3A_250 : i32
          %add3A_256 = arith.addi %select_n3A_255, %select_n3A_34 : i32
          %add3A_257 = arith.constant 1 : i32
          %add3A_258 = arith.addi %while3A_238, %add3A_257 : i32
          %select_n3A_259 = arith.constant true
          %select_n3A_260 = arith.select %select_n3A_259, %add3A_258, %while3A_238 : i32
          %eq3A_261 = arith.cmpi eq, %select_n3A_260, %select_n3A_26 : i32
          %select_n3A_262 = arith.constant 0 : i32
          %select_n3A_263 = arith.select %eq3A_261, %select_n3A_262, %select_n3A_260 : i32
          %add3A_264 = arith.addi %select_n3A_263, %select_n3A_34 : i32
          %add3A_265 = arith.constant 1 : i32
          %add3A_266 = arith.addi %select_n3A_263, %add3A_265 : i32
          %select_n3A_267 = arith.constant true
          %select_n3A_268 = arith.select %select_n3A_267, %add3A_266, %select_n3A_263 : i32
          %eq3A_269 = arith.cmpi eq, %select_n3A_268, %select_n3A_26 : i32
          %select_n3A_270 = arith.constant 0 : i32
          %select_n3A_271 = arith.select %eq3A_269, %select_n3A_270, %select_n3A_268 : i32
          %add3A_272 = arith.addi %select_n3A_271, %select_n3A_34 : i32
          %ne3A = arith.cmpi ne, %add3A_246, %add3A_264 : i32
          %or3A = arith.constant false
          %or3A_273 = arith.ori %or3A, %ne3A : i1
          %or3A_274 = arith.constant false
          %or3A_275 = arith.ori %or3A_273, %or3A_274 : i1
          %sub3A_276 = arith.constant 2 : i32
          %sub3A_277 = arith.subi %mul3A_240, %sub3A_276 : i32
          %add3A_278 = arith.constant 1 : i32
          %add3A_279 = arith.addi %sub3A_277, %add3A_278 : i32
          %ge3A = arith.cmpi sge, %while3A_231, %add3A_279 : i32
          %not3A = arith.constant true
          %not3A_280 = arith.xori %ge3A, %not3A : i1
          %and3A = arith.andi %or3A_275, %not3A_280 : i1
          %convert_element_type3A_281 = arith.extui %and3A : i1 to i32
          %cond3A_282 = arith.constant 0 : i32
          %cond3A_283 = arith.cmpi ne, %convert_element_type3A_281, %cond3A_282 : i32
          scf.if %cond3A_283 {
            "tpu.trace_start"() <{level = 10 : i32, message = "ep_copy_in"}> : () -> ()
            %rem3A_452 = arith.constant 2 : i32
            %rem3A_453 = arith.remui %while3A_232, %rem3A_452 : i32
            %mul3A_454 = arith.constant 128 : i32
            %mul3A_455 = arith.muli %mul3A_454, %add3A_264 : i32
            %dma_start3A_456 = arith.constant 0 : i32
            %dma_start3A_457 = arith.constant 0 : i32
            %dma_start3A_458 = tpu.memref_slice %run_scoped3A[%rem3A_453, %dma_start3A_456, %dma_start3A_457] : memref<2x128x128xf32, #tpu.memory_space<vmem>> -> memref<1x128x128xf32, #tpu.memory_space<vmem>>
            %dma_start3A_459 = tpu.memref_squeeze %dma_start3A_458 : memref<1x128x128xf32, #tpu.memory_space<vmem>> -> memref<128x128xf32, #tpu.memory_space<vmem>>
            %dma_start3A_460 = arith.constant 0 : i32
            %dma_start3A_461 = tpu.memref_slice %arg2[%mul3A_455, %dma_start3A_460] : memref<160000x128xf32, #tpu.memory_space<hbm>> -> memref<128x128xf32, #tpu.memory_space<hbm>>
            %dma_start3A_462 = tpu.memref_slice %run_scoped3A_48[%rem3A_453] : memref<2x!tpu.dma_semaphore, #tpu.memory_space<semaphore_mem>> -> memref<1x!tpu.dma_semaphore, #tpu.memory_space<semaphore_mem>>
            %dma_start3A_463 = tpu.memref_squeeze %dma_start3A_462 : memref<1x!tpu.dma_semaphore, #tpu.memory_space<semaphore_mem>> -> memref<!tpu.dma_semaphore, #tpu.memory_space<semaphore_mem>>
            %dma_start3A_464 = arith.constant 0 : i32
            %dma_start3A_465 = arith.constant 0 : i32
            %dma_start3A_466 = tpu.memref_slice %run_scoped3A[%rem3A_453, %dma_start3A_464, %dma_start3A_465] : memref<2x128x128xf32, #tpu.memory_space<vmem>> -> memref<1x128x128xf32, #tpu.memory_space<vmem>>
            %dma_start3A_467 = tpu.memref_squeeze %dma_start3A_466 : memref<1x128x128xf32, #tpu.memory_space<vmem>> -> memref<128x128xf32, #tpu.memory_space<vmem>>
            %dma_start3A_468 = arith.constant 0 : i32
            %dma_start3A_469 = tpu.memref_slice %arg2[%mul3A_455, %dma_start3A_468] : memref<160000x128xf32, #tpu.memory_space<hbm>> -> memref<128x128xf32, #tpu.memory_space<hbm>>
            tpu.enqueue_dma source(%dma_start3A_469 : memref<128x128xf32, #tpu.memory_space<hbm>>) target(%dma_start3A_467 : memref<128x128xf32, #tpu.memory_space<vmem>>) target_semaphore(%dma_start3A_463 : memref<!tpu.dma_semaphore, #tpu.memory_space<semaphore_mem>>)
            "tpu.trace_stop"() : () -> ()
          } else {
          }
          %and3A_284 = arith.constant true
          %and3A_285 = arith.andi %and3A, %and3A_284 : i1
          %add3A_286 = arith.constant 1 : i32
          %add3A_287 = arith.addi %while3A_232, %add3A_286 : i32
          %select_n3A_288 = arith.select %and3A_285, %add3A_287, %while3A_232 : i32
          %ne3A_289 = arith.cmpi ne, %add3A_246, %add3A_264 : i32
          %or3A_290 = arith.constant false
          %or3A_291 = arith.ori %or3A_290, %ne3A_289 : i1
          %sub3A_292 = arith.constant 2 : i32
          %sub3A_293 = arith.subi %mul3A_240, %sub3A_292 : i32
          %add3A_294 = arith.constant 1 : i32
          %add3A_295 = arith.addi %sub3A_293, %add3A_294 : i32
          %ge3A_296 = arith.cmpi sge, %while3A_231, %add3A_295 : i32
          %not3A_297 = arith.constant true
          %not3A_298 = arith.xori %ge3A_296, %not3A_297 : i1
          %and3A_299 = arith.andi %or3A_291, %not3A_298 : i1
          %convert_element_type3A_300 = arith.extui %and3A_299 : i1 to i32
          %cond3A_301 = arith.constant 0 : i32
          %cond3A_302 = arith.cmpi ne, %convert_element_type3A_300, %cond3A_301 : i32
          scf.if %cond3A_302 {
            "tpu.trace_start"() <{level = 10 : i32, message = "ep_copy_in"}> : () -> ()
            %rem3A_452 = arith.constant 2 : i32
            %rem3A_453 = arith.remui %while3A_234, %rem3A_452 : i32
            %mul3A_454 = arith.constant 128 : i32
            %mul3A_455 = arith.muli %mul3A_454, %add3A_264 : i32
            %dma_start3A_456 = arith.constant 0 : i32
            %dma_start3A_457 = arith.constant 0 : i32
            %dma_start3A_458 = tpu.memref_slice %run_scoped3A_49[%rem3A_453, %dma_start3A_456, %dma_start3A_457] : memref<2x1x128xi32, #tpu.memory_space<vmem>> -> memref<1x1x128xi32, #tpu.memory_space<vmem>>
            %dma_start3A_459 = tpu.memref_squeeze %dma_start3A_458 : memref<1x1x128xi32, #tpu.memory_space<vmem>> -> memref<1x128xi32, #tpu.memory_space<vmem>>
            %dma_start3A_460 = arith.constant 0 : i32
            %dma_start3A_461 = tpu.memref_slice %arg3[%dma_start3A_460, %mul3A_455] : memref<1x160000xi32, #tpu.memory_space<hbm>> -> memref<1x128xi32, #tpu.memory_space<hbm>>
            %dma_start3A_462 = tpu.memref_slice %run_scoped3A_50[%rem3A_453] : memref<2x!tpu.dma_semaphore, #tpu.memory_space<semaphore_mem>> -> memref<1x!tpu.dma_semaphore, #tpu.memory_space<semaphore_mem>>
            %dma_start3A_463 = tpu.memref_squeeze %dma_start3A_462 : memref<1x!tpu.dma_semaphore, #tpu.memory_space<semaphore_mem>> -> memref<!tpu.dma_semaphore, #tpu.memory_space<semaphore_mem>>
            %dma_start3A_464 = arith.constant 0 : i32
            %dma_start3A_465 = arith.constant 0 : i32
            %dma_start3A_466 = tpu.memref_slice %run_scoped3A_49[%rem3A_453, %dma_start3A_464, %dma_start3A_465] : memref<2x1x128xi32, #tpu.memory_space<vmem>> -> memref<1x1x128xi32, #tpu.memory_space<vmem>>
            %dma_start3A_467 = tpu.memref_squeeze %dma_start3A_466 : memref<1x1x128xi32, #tpu.memory_space<vmem>> -> memref<1x128xi32, #tpu.memory_space<vmem>>
            %dma_start3A_468 = arith.constant 0 : i32
            %dma_start3A_469 = tpu.memref_slice %arg3[%dma_start3A_468, %mul3A_455] : memref<1x160000xi32, #tpu.memory_space<hbm>> -> memref<1x128xi32, #tpu.memory_space<hbm>>
            tpu.enqueue_dma source(%dma_start3A_469 : memref<1x128xi32, #tpu.memory_space<hbm>>) target(%dma_start3A_467 : memref<1x128xi32, #tpu.memory_space<vmem>>) target_semaphore(%dma_start3A_463 : memref<!tpu.dma_semaphore, #tpu.memory_space<semaphore_mem>>)
            "tpu.trace_stop"() : () -> ()
          } else {
          }
          %and3A_303 = arith.constant true
          %and3A_304 = arith.andi %and3A_299, %and3A_303 : i1
          %add3A_305 = arith.constant 1 : i32
          %add3A_306 = arith.addi %while3A_234, %add3A_305 : i32
          %select_n3A_307 = arith.select %and3A_304, %add3A_306, %while3A_234 : i32
          %ne3A_308 = arith.cmpi ne, %add3A_246, %add3A_264 : i32
          %or3A_309 = arith.constant false
          %or3A_310 = arith.ori %or3A_309, %ne3A_308 : i1
          %sub3A_311 = arith.constant 2 : i32
          %sub3A_312 = arith.subi %mul3A_240, %sub3A_311 : i32
          %add3A_313 = arith.constant 1 : i32
          %add3A_314 = arith.addi %sub3A_312, %add3A_313 : i32
          %ge3A_315 = arith.cmpi sge, %while3A_231, %add3A_314 : i32
          %not3A_316 = arith.constant true
          %not3A_317 = arith.xori %ge3A_315, %not3A_316 : i1
          %and3A_318 = arith.andi %or3A_310, %not3A_317 : i1
          %convert_element_type3A_319 = arith.extui %and3A_318 : i1 to i32
          %cond3A_320 = arith.constant 0 : i32
          %cond3A_321 = arith.cmpi ne, %convert_element_type3A_319, %cond3A_320 : i32
          scf.if %cond3A_321 {
            "tpu.trace_start"() <{level = 10 : i32, message = "ep_copy_in"}> : () -> ()
            %rem3A_452 = arith.constant 2 : i32
            %rem3A_453 = arith.remui %while3A_236, %rem3A_452 : i32
            %mul3A_454 = arith.constant 128 : i32
            %mul3A_455 = arith.muli %mul3A_454, %add3A_264 : i32
            %dma_start3A_456 = arith.constant 0 : i32
            %dma_start3A_457 = arith.constant 0 : i32
            %dma_start3A_458 = tpu.memref_slice %run_scoped3A_51[%rem3A_453, %dma_start3A_456, %dma_start3A_457] : memref<2x1x128xi32, #tpu.memory_space<vmem>> -> memref<1x1x128xi32, #tpu.memory_space<vmem>>
            %dma_start3A_459 = tpu.memref_squeeze %dma_start3A_458 : memref<1x1x128xi32, #tpu.memory_space<vmem>> -> memref<1x128xi32, #tpu.memory_space<vmem>>
            %dma_start3A_460 = arith.constant 0 : i32
            %dma_start3A_461 = tpu.memref_slice %arg4[%dma_start3A_460, %mul3A_455] : memref<1x160000xi32, #tpu.memory_space<hbm>> -> memref<1x128xi32, #tpu.memory_space<hbm>>
            %dma_start3A_462 = tpu.memref_slice %run_scoped3A_52[%rem3A_453] : memref<2x!tpu.dma_semaphore, #tpu.memory_space<semaphore_mem>> -> memref<1x!tpu.dma_semaphore, #tpu.memory_space<semaphore_mem>>
            %dma_start3A_463 = tpu.memref_squeeze %dma_start3A_462 : memref<1x!tpu.dma_semaphore, #tpu.memory_space<semaphore_mem>> -> memref<!tpu.dma_semaphore, #tpu.memory_space<semaphore_mem>>
            %dma_start3A_464 = arith.constant 0 : i32
            %dma_start3A_465 = arith.constant 0 : i32
            %dma_start3A_466 = tpu.memref_slice %run_scoped3A_51[%rem3A_453, %dma_start3A_464, %dma_start3A_465] : memref<2x1x128xi32, #tpu.memory_space<vmem>> -> memref<1x1x128xi32, #tpu.memory_space<vmem>>
            %dma_start3A_467 = tpu.memref_squeeze %dma_start3A_466 : memref<1x1x128xi32, #tpu.memory_space<vmem>> -> memref<1x128xi32, #tpu.memory_space<vmem>>
            %dma_start3A_468 = arith.constant 0 : i32
            %dma_start3A_469 = tpu.memref_slice %arg4[%dma_start3A_468, %mul3A_455] : memref<1x160000xi32, #tpu.memory_space<hbm>> -> memref<1x128xi32, #tpu.memory_space<hbm>>
            tpu.enqueue_dma source(%dma_start3A_469 : memref<1x128xi32, #tpu.memory_space<hbm>>) target(%dma_start3A_467 : memref<1x128xi32, #tpu.memory_space<vmem>>) target_semaphore(%dma_start3A_463 : memref<!tpu.dma_semaphore, #tpu.memory_space<semaphore_mem>>)
            "tpu.trace_stop"() : () -> ()
          } else {
          }
          %and3A_322 = arith.constant true
          %and3A_323 = arith.andi %and3A_318, %and3A_322 : i1
          %add3A_324 = arith.constant 1 : i32
          %add3A_325 = arith.addi %while3A_236, %add3A_324 : i32
          %select_n3A_326 = arith.select %and3A_323, %add3A_325, %while3A_236 : i32
          %ne3A_327 = arith.cmpi ne, %add3A_246, %add3A_256 : i32
          %or3A_328 = arith.constant false
          %or3A_329 = arith.ori %or3A_328, %ne3A_327 : i1
          %or3A_330 = arith.constant false
          %or3A_331 = arith.ori %or3A_329, %or3A_330 : i1
          %or3A_332 = arith.ori %or3A_331, %eq3A_242 : i1
          %convert_element_type3A_333 = arith.extui %or3A_332 : i1 to i32
          %cond3A_334 = arith.constant 0 : i32
          %cond3A_335 = arith.cmpi ne, %convert_element_type3A_333, %cond3A_334 : i32
          scf.if %cond3A_335 {
            "tpu.trace_start"() <{level = 10 : i32, message = "ep_wait_in"}> : () -> ()
            %mul3A_452 = arith.constant 128 : i32
            %mul3A_453 = arith.muli %mul3A_452, %add3A_246 : i32
            %rem3A_454 = arith.constant 2 : i32
            %rem3A_455 = arith.remui %while3A_233, %rem3A_454 : i32
            %dma_wait3A = arith.constant 0 : i32
            %dma_wait3A_456 = arith.constant 0 : i32
            %dma_wait3A_457 = tpu.memref_slice %run_scoped3A[%rem3A_455, %dma_wait3A, %dma_wait3A_456] : memref<2x128x128xf32, #tpu.memory_space<vmem>> -> memref<1x128x128xf32, #tpu.memory_space<vmem>>
            %dma_wait3A_458 = tpu.memref_squeeze %dma_wait3A_457 : memref<1x128x128xf32, #tpu.memory_space<vmem>> -> memref<128x128xf32, #tpu.memory_space<vmem>>
            %dma_wait3A_459 = arith.constant 0 : i32
            %dma_wait3A_460 = tpu.memref_slice %arg2[%mul3A_453, %dma_wait3A_459] : memref<160000x128xf32, #tpu.memory_space<hbm>> -> memref<128x128xf32, #tpu.memory_space<hbm>>
            %dma_wait3A_461 = tpu.memref_slice %run_scoped3A_48[%rem3A_455] : memref<2x!tpu.dma_semaphore, #tpu.memory_space<semaphore_mem>> -> memref<1x!tpu.dma_semaphore, #tpu.memory_space<semaphore_mem>>
            %dma_wait3A_462 = tpu.memref_squeeze %dma_wait3A_461 : memref<1x!tpu.dma_semaphore, #tpu.memory_space<semaphore_mem>> -> memref<!tpu.dma_semaphore, #tpu.memory_space<semaphore_mem>>
            %dma_wait3A_463 = arith.constant 0 : i32
            %dma_wait3A_464 = arith.constant 0 : i32
            %dma_wait3A_465 = tpu.memref_slice %run_scoped3A[%rem3A_455, %dma_wait3A_463, %dma_wait3A_464] : memref<2x128x128xf32, #tpu.memory_space<vmem>> -> memref<1x128x128xf32, #tpu.memory_space<vmem>>
            %dma_wait3A_466 = tpu.memref_squeeze %dma_wait3A_465 : memref<1x128x128xf32, #tpu.memory_space<vmem>> -> memref<128x128xf32, #tpu.memory_space<vmem>>
            %dma_wait3A_467 = arith.constant 0 : i32
            %dma_wait3A_468 = tpu.memref_slice %arg2[%mul3A_453, %dma_wait3A_467] : memref<160000x128xf32, #tpu.memory_space<hbm>> -> memref<128x128xf32, #tpu.memory_space<hbm>>
            tpu.wait_dma2 semaphore(%dma_wait3A_462 : memref<!tpu.dma_semaphore, #tpu.memory_space<semaphore_mem>>) src(%dma_wait3A_468 : memref<128x128xf32, #tpu.memory_space<hbm>>) dst(%dma_wait3A_466 : memref<128x128xf32, #tpu.memory_space<vmem>>)
            "tpu.trace_stop"() : () -> ()
          } else {
          }
          %ne3A_336 = arith.cmpi ne, %add3A_246, %add3A_256 : i32
          %or3A_337 = arith.constant false
          %or3A_338 = arith.ori %or3A_337, %ne3A_336 : i1
          %or3A_339 = arith.ori %or3A_338, %eq3A_242 : i1
          %convert_element_type3A_340 = arith.extui %or3A_339 : i1 to i32
          %cond3A_341 = arith.constant 0 : i32
          %cond3A_342 = arith.cmpi ne, %convert_element_type3A_340, %cond3A_341 : i32
          scf.if %cond3A_342 {
            "tpu.trace_start"() <{level = 10 : i32, message = "ep_wait_in"}> : () -> ()
            %mul3A_452 = arith.constant 128 : i32
            %mul3A_453 = arith.muli %mul3A_452, %add3A_246 : i32
            %rem3A_454 = arith.constant 2 : i32
            %rem3A_455 = arith.remui %while3A_235, %rem3A_454 : i32
            %dma_wait3A = arith.constant 0 : i32
            %dma_wait3A_456 = arith.constant 0 : i32
            %dma_wait3A_457 = tpu.memref_slice %run_scoped3A_49[%rem3A_455, %dma_wait3A, %dma_wait3A_456] : memref<2x1x128xi32, #tpu.memory_space<vmem>> -> memref<1x1x128xi32, #tpu.memory_space<vmem>>
            %dma_wait3A_458 = tpu.memref_squeeze %dma_wait3A_457 : memref<1x1x128xi32, #tpu.memory_space<vmem>> -> memref<1x128xi32, #tpu.memory_space<vmem>>
            %dma_wait3A_459 = arith.constant 0 : i32
            %dma_wait3A_460 = tpu.memref_slice %arg3[%dma_wait3A_459, %mul3A_453] : memref<1x160000xi32, #tpu.memory_space<hbm>> -> memref<1x128xi32, #tpu.memory_space<hbm>>
            %dma_wait3A_461 = tpu.memref_slice %run_scoped3A_50[%rem3A_455] : memref<2x!tpu.dma_semaphore, #tpu.memory_space<semaphore_mem>> -> memref<1x!tpu.dma_semaphore, #tpu.memory_space<semaphore_mem>>
            %dma_wait3A_462 = tpu.memref_squeeze %dma_wait3A_461 : memref<1x!tpu.dma_semaphore, #tpu.memory_space<semaphore_mem>> -> memref<!tpu.dma_semaphore, #tpu.memory_space<semaphore_mem>>
            %dma_wait3A_463 = arith.constant 0 : i32
            %dma_wait3A_464 = arith.constant 0 : i32
            %dma_wait3A_465 = tpu.memref_slice %run_scoped3A_49[%rem3A_455, %dma_wait3A_463, %dma_wait3A_464] : memref<2x1x128xi32, #tpu.memory_space<vmem>> -> memref<1x1x128xi32, #tpu.memory_space<vmem>>
            %dma_wait3A_466 = tpu.memref_squeeze %dma_wait3A_465 : memref<1x1x128xi32, #tpu.memory_space<vmem>> -> memref<1x128xi32, #tpu.memory_space<vmem>>
            %dma_wait3A_467 = arith.constant 0 : i32
            %dma_wait3A_468 = tpu.memref_slice %arg3[%dma_wait3A_467, %mul3A_453] : memref<1x160000xi32, #tpu.memory_space<hbm>> -> memref<1x128xi32, #tpu.memory_space<hbm>>
            tpu.wait_dma2 semaphore(%dma_wait3A_462 : memref<!tpu.dma_semaphore, #tpu.memory_space<semaphore_mem>>) src(%dma_wait3A_468 : memref<1x128xi32, #tpu.memory_space<hbm>>) dst(%dma_wait3A_466 : memref<1x128xi32, #tpu.memory_space<vmem>>)
            "tpu.trace_stop"() : () -> ()
          } else {
          }
          %ne3A_343 = arith.cmpi ne, %add3A_246, %add3A_256 : i32
          %or3A_344 = arith.constant false
          %or3A_345 = arith.ori %or3A_344, %ne3A_343 : i1
          %or3A_346 = arith.ori %or3A_345, %eq3A_242 : i1
          %convert_element_type3A_347 = arith.extui %or3A_346 : i1 to i32
          %cond3A_348 = arith.constant 0 : i32
          %cond3A_349 = arith.cmpi ne, %convert_element_type3A_347, %cond3A_348 : i32
          scf.if %cond3A_349 {
            "tpu.trace_start"() <{level = 10 : i32, message = "ep_wait_in"}> : () -> ()
            %mul3A_452 = arith.constant 128 : i32
            %mul3A_453 = arith.muli %mul3A_452, %add3A_246 : i32
            %rem3A_454 = arith.constant 2 : i32
            %rem3A_455 = arith.remui %while3A_237, %rem3A_454 : i32
            %dma_wait3A = arith.constant 0 : i32
            %dma_wait3A_456 = arith.constant 0 : i32
            %dma_wait3A_457 = tpu.memref_slice %run_scoped3A_51[%rem3A_455, %dma_wait3A, %dma_wait3A_456] : memref<2x1x128xi32, #tpu.memory_space<vmem>> -> memref<1x1x128xi32, #tpu.memory_space<vmem>>
            %dma_wait3A_458 = tpu.memref_squeeze %dma_wait3A_457 : memref<1x1x128xi32, #tpu.memory_space<vmem>> -> memref<1x128xi32, #tpu.memory_space<vmem>>
            %dma_wait3A_459 = arith.constant 0 : i32
            %dma_wait3A_460 = tpu.memref_slice %arg4[%dma_wait3A_459, %mul3A_453] : memref<1x160000xi32, #tpu.memory_space<hbm>> -> memref<1x128xi32, #tpu.memory_space<hbm>>
            %dma_wait3A_461 = tpu.memref_slice %run_scoped3A_52[%rem3A_455] : memref<2x!tpu.dma_semaphore, #tpu.memory_space<semaphore_mem>> -> memref<1x!tpu.dma_semaphore, #tpu.memory_space<semaphore_mem>>
            %dma_wait3A_462 = tpu.memref_squeeze %dma_wait3A_461 : memref<1x!tpu.dma_semaphore, #tpu.memory_space<semaphore_mem>> -> memref<!tpu.dma_semaphore, #tpu.memory_space<semaphore_mem>>
            %dma_wait3A_463 = arith.constant 0 : i32
            %dma_wait3A_464 = arith.constant 0 : i32
            %dma_wait3A_465 = tpu.memref_slice %run_scoped3A_51[%rem3A_455, %dma_wait3A_463, %dma_wait3A_464] : memref<2x1x128xi32, #tpu.memory_space<vmem>> -> memref<1x1x128xi32, #tpu.memory_space<vmem>>
            %dma_wait3A_466 = tpu.memref_squeeze %dma_wait3A_465 : memref<1x1x128xi32, #tpu.memory_space<vmem>> -> memref<1x128xi32, #tpu.memory_space<vmem>>
            %dma_wait3A_467 = arith.constant 0 : i32
            %dma_wait3A_468 = tpu.memref_slice %arg4[%dma_wait3A_467, %mul3A_453] : memref<1x160000xi32, #tpu.memory_space<hbm>> -> memref<1x128xi32, #tpu.memory_space<hbm>>
            tpu.wait_dma2 semaphore(%dma_wait3A_462 : memref<!tpu.dma_semaphore, #tpu.memory_space<semaphore_mem>>) src(%dma_wait3A_468 : memref<1x128xi32, #tpu.memory_space<hbm>>) dst(%dma_wait3A_466 : memref<1x128xi32, #tpu.memory_space<vmem>>)
            "tpu.trace_stop"() : () -> ()
          } else {
          }
          %rem3A_350 = arith.constant 2 : i32
          %rem3A_351 = arith.remui %while3A_233, %rem3A_350 : i32
          %rem3A_352 = arith.constant 2 : i32
          %rem3A_353 = arith.remui %while3A_235, %rem3A_352 : i32
          %rem3A_354 = arith.constant 2 : i32
          %rem3A_355 = arith.remui %while3A_237, %rem3A_354 : i32
          %run_scoped3A_356 = arith.constant 0 : i32
          "tpu.trace_start"() <{level = 10 : i32, message = "ep_run_kernel"}> : () -> ()
          "tpu.region"() ({
            %run_scoped3A_452 = tpu.sem_alloc : memref<!tpu.dma_semaphore, #tpu.memory_space<semaphore_mem>>
            %dma_start3A_453 = arith.constant 0 : i32
            %dma_start3A_454 = arith.constant 0 : i32
            %dma_start3A_455 = tpu.memref_slice %run_scoped3A[%rem3A_351, %dma_start3A_453, %dma_start3A_454] : memref<2x128x128xf32, #tpu.memory_space<vmem>> -> memref<1x128x128xf32, #tpu.memory_space<vmem>>
            %dma_start3A_456 = tpu.memref_squeeze %dma_start3A_455 : memref<1x128x128xf32, #tpu.memory_space<vmem>> -> memref<128x128xf32, #tpu.memory_space<vmem>>
            %dma_start3A_457 = arith.constant 0 : i32
            %dma_start3A_458 = arith.constant 0 : i32
            %dma_start3A_459 = tpu.memref_slice %run_scoped3A_49[%rem3A_353, %dma_start3A_457, %dma_start3A_458] : memref<2x1x128xi32, #tpu.memory_space<vmem>> -> memref<1x1x128xi32, #tpu.memory_space<vmem>>
            %dma_start3A_460 = tpu.memref_squeeze %dma_start3A_459 : memref<1x1x128xi32, #tpu.memory_space<vmem>> -> memref<1x128xi32, #tpu.memory_space<vmem>>
            %dma_start3A_461 = arith.constant 0 : i32
            %dma_start3A_462 = tpu.memref_slice %dma_start3A_460[%run_scoped3A_356, %dma_start3A_461] : memref<1x128xi32, #tpu.memory_space<vmem>> -> memref<1x128xi32, #tpu.memory_space<vmem>>
            %dma_start3A_463 = tpu.memref_squeeze %dma_start3A_462 : memref<1x128xi32, #tpu.memory_space<vmem>> -> memref<128xi32, #tpu.memory_space<vmem>>
            %dma_start3A_464 = arith.constant 0 : i32
            %dma_start3A_465 = arith.constant 0 : i32
            %dma_start3A_466 = tpu.memref_slice %arg7[%dma_start3A_464, %dma_start3A_465] : memref<10000x128xf32, #tpu.memory_space<vmem_shared>> -> memref<10000x128xf32, #tpu.memory_space<vmem_shared>>
            tpu.enqueue_indirect_dma source(%dma_start3A_456 : memref<128x128xf32, #tpu.memory_space<vmem>>) target(%dma_start3A_466 : memref<10000x128xf32, #tpu.memory_space<vmem_shared>>) offsets(%dma_start3A_463 : memref<128xi32, #tpu.memory_space<vmem>>) semaphore(%run_scoped3A_452 : memref<!tpu.dma_semaphore, #tpu.memory_space<semaphore_mem>>) {add = true}
            %dma_wait3A = arith.constant 0 : i32
            %dma_wait3A_467 = arith.constant 0 : i32
            %dma_wait3A_468 = tpu.memref_slice %run_scoped3A[%rem3A_351, %dma_wait3A, %dma_wait3A_467] : memref<2x128x128xf32, #tpu.memory_space<vmem>> -> memref<1x128x128xf32, #tpu.memory_space<vmem>>
            %dma_wait3A_469 = tpu.memref_squeeze %dma_wait3A_468 : memref<1x128x128xf32, #tpu.memory_space<vmem>> -> memref<128x128xf32, #tpu.memory_space<vmem>>
            %dma_wait3A_470 = arith.constant 0 : i32
            %dma_wait3A_471 = arith.constant 0 : i32
            %dma_wait3A_472 = tpu.memref_slice %run_scoped3A_49[%rem3A_353, %dma_wait3A_470, %dma_wait3A_471] : memref<2x1x128xi32, #tpu.memory_space<vmem>> -> memref<1x1x128xi32, #tpu.memory_space<vmem>>
            %dma_wait3A_473 = tpu.memref_squeeze %dma_wait3A_472 : memref<1x1x128xi32, #tpu.memory_space<vmem>> -> memref<1x128xi32, #tpu.memory_space<vmem>>
            %dma_wait3A_474 = arith.constant 0 : i32
            %dma_wait3A_475 = tpu.memref_slice %dma_wait3A_473[%run_scoped3A_356, %dma_wait3A_474] : memref<1x128xi32, #tpu.memory_space<vmem>> -> memref<1x128xi32, #tpu.memory_space<vmem>>
            %dma_wait3A_476 = tpu.memref_squeeze %dma_wait3A_475 : memref<1x128xi32, #tpu.memory_space<vmem>> -> memref<128xi32, #tpu.memory_space<vmem>>
            %dma_wait3A_477 = arith.constant 0 : i32
            %dma_wait3A_478 = arith.constant 0 : i32
            %dma_wait3A_479 = tpu.memref_slice %arg7[%dma_wait3A_477, %dma_wait3A_478] : memref<10000x128xf32, #tpu.memory_space<vmem_shared>> -> memref<10000x128xf32, #tpu.memory_space<vmem_shared>>
            tpu.wait_indirect_dma semaphore(%run_scoped3A_452 : memref<!tpu.dma_semaphore, #tpu.memory_space<semaphore_mem>>) src(%dma_wait3A_469 : memref<128x128xf32, #tpu.memory_space<vmem>>) dst(%dma_wait3A_479 : memref<10000x128xf32, #tpu.memory_space<vmem_shared>>)
            tpu.yield
          }) : () -> ()
          %run_scoped3A_357 = arith.constant 0 : i32
          "tpu.region"() ({
            %run_scoped3A_452 = tpu.sem_alloc : memref<!tpu.dma_semaphore, #tpu.memory_space<semaphore_mem>>
            %dma_start3A_453 = arith.constant 0 : i32
            %dma_start3A_454 = arith.constant 0 : i32
            %dma_start3A_455 = tpu.memref_slice %run_scoped3A_51[%rem3A_355, %dma_start3A_453, %dma_start3A_454] : memref<2x1x128xi32, #tpu.memory_space<vmem>> -> memref<1x1x128xi32, #tpu.memory_space<vmem>>
            %dma_start3A_456 = tpu.memref_squeeze %dma_start3A_455 : memref<1x1x128xi32, #tpu.memory_space<vmem>> -> memref<1x128xi32, #tpu.memory_space<vmem>>
            %dma_start3A_457 = arith.constant 0 : i32
            %dma_start3A_458 = tpu.memref_slice %dma_start3A_456[%run_scoped3A_357, %dma_start3A_457] : memref<1x128xi32, #tpu.memory_space<vmem>> -> memref<1x128xi32, #tpu.memory_space<vmem>>
            %dma_start3A_459 = tpu.memref_squeeze %dma_start3A_458 : memref<1x128xi32, #tpu.memory_space<vmem>> -> memref<128xi32, #tpu.memory_space<vmem>>
            %dma_start3A_460 = arith.constant 0 : i32
            %dma_start3A_461 = arith.constant 0 : i32
            %dma_start3A_462 = tpu.memref_slice %arg7[%dma_start3A_460, %dma_start3A_461] : memref<10000x128xf32, #tpu.memory_space<vmem_shared>> -> memref<10000x128xf32, #tpu.memory_space<vmem_shared>>
            tpu.enqueue_indirect_dma source(%arg8 : memref<128x128xf32, #tpu.memory_space<vmem>>) target(%dma_start3A_462 : memref<10000x128xf32, #tpu.memory_space<vmem_shared>>) offsets(%dma_start3A_459 : memref<128xi32, #tpu.memory_space<vmem>>) semaphore(%run_scoped3A_452 : memref<!tpu.dma_semaphore, #tpu.memory_space<semaphore_mem>>) {add = true}
            %dma_wait3A = arith.constant 0 : i32
            %dma_wait3A_463 = arith.constant 0 : i32
            %dma_wait3A_464 = tpu.memref_slice %run_scoped3A_51[%rem3A_355, %dma_wait3A, %dma_wait3A_463] : memref<2x1x128xi32, #tpu.memory_space<vmem>> -> memref<1x1x128xi32, #tpu.memory_space<vmem>>
            %dma_wait3A_465 = tpu.memref_squeeze %dma_wait3A_464 : memref<1x1x128xi32, #tpu.memory_space<vmem>> -> memref<1x128xi32, #tpu.memory_space<vmem>>
            %dma_wait3A_466 = arith.constant 0 : i32
            %dma_wait3A_467 = tpu.memref_slice %dma_wait3A_465[%run_scoped3A_357, %dma_wait3A_466] : memref<1x128xi32, #tpu.memory_space<vmem>> -> memref<1x128xi32, #tpu.memory_space<vmem>>
            %dma_wait3A_468 = tpu.memref_squeeze %dma_wait3A_467 : memref<1x128xi32, #tpu.memory_space<vmem>> -> memref<128xi32, #tpu.memory_space<vmem>>
            %dma_wait3A_469 = arith.constant 0 : i32
            %dma_wait3A_470 = arith.constant 0 : i32
            %dma_wait3A_471 = tpu.memref_slice %arg7[%dma_wait3A_469, %dma_wait3A_470] : memref<10000x128xf32, #tpu.memory_space<vmem_shared>> -> memref<10000x128xf32, #tpu.memory_space<vmem_shared>>
            tpu.wait_indirect_dma semaphore(%run_scoped3A_452 : memref<!tpu.dma_semaphore, #tpu.memory_space<semaphore_mem>>) src(%arg8 : memref<128x128xf32, #tpu.memory_space<vmem>>) dst(%dma_wait3A_471 : memref<10000x128xf32, #tpu.memory_space<vmem_shared>>)
            tpu.yield
          }) : () -> ()
          "tpu.trace_stop"() : () -> ()
          %ne3A_358 = arith.cmpi ne, %add3A_246, %add3A_264 : i32
          %or3A_359 = arith.constant false
          %or3A_360 = arith.ori %or3A_359, %ne3A_358 : i1
          %or3A_361 = arith.constant false
          %or3A_362 = arith.ori %or3A_360, %or3A_361 : i1
          %or3A_363 = arith.ori %or3A_362, %eq3A_245 : i1
          %convert_element_type3A_364 = arith.extui %or3A_363 : i1 to i32
          %cond3A_365 = arith.constant 0 : i32
          %cond3A_366 = arith.cmpi ne, %convert_element_type3A_364, %cond3A_365 : i32
          scf.if %cond3A_366 {
          } else {
          }
          %and3A_367 = arith.constant false
          %and3A_368 = arith.andi %or3A_363, %and3A_367 : i1
          %ne3A_369 = arith.cmpi ne, %add3A_246, %add3A_264 : i32
          %or3A_370 = arith.constant false
          %or3A_371 = arith.ori %or3A_370, %ne3A_369 : i1
          %or3A_372 = arith.ori %or3A_371, %eq3A_245 : i1
          %convert_element_type3A_373 = arith.extui %or3A_372 : i1 to i32
          %cond3A_374 = arith.constant 0 : i32
          %cond3A_375 = arith.cmpi ne, %convert_element_type3A_373, %cond3A_374 : i32
          scf.if %cond3A_375 {
          } else {
          }
          %and3A_376 = arith.constant false
          %and3A_377 = arith.andi %or3A_372, %and3A_376 : i1
          %ne3A_378 = arith.cmpi ne, %add3A_246, %add3A_264 : i32
          %or3A_379 = arith.constant false
          %or3A_380 = arith.ori %or3A_379, %ne3A_378 : i1
          %or3A_381 = arith.ori %or3A_380, %eq3A_245 : i1
          %convert_element_type3A_382 = arith.extui %or3A_381 : i1 to i32
          %cond3A_383 = arith.constant 0 : i32
          %cond3A_384 = arith.cmpi ne, %convert_element_type3A_382, %cond3A_383 : i32
          scf.if %cond3A_384 {
          } else {
          }
          %and3A_385 = arith.constant false
          %and3A_386 = arith.andi %or3A_381, %and3A_385 : i1
          %ne3A_387 = arith.cmpi ne, %add3A_246, %add3A_256 : i32
          %or3A_388 = arith.constant false
          %or3A_389 = arith.ori %or3A_388, %ne3A_387 : i1
          %or3A_390 = arith.constant false
          %or3A_391 = arith.ori %or3A_389, %or3A_390 : i1
          %not3A_392 = arith.constant true
          %not3A_393 = arith.xori %eq3A_242, %not3A_392 : i1
          %and3A_394 = arith.andi %or3A_391, %not3A_393 : i1
          %convert_element_type3A_395 = arith.extui %and3A_394 : i1 to i32
          %cond3A_396 = arith.constant 0 : i32
          %cond3A_397 = arith.cmpi ne, %convert_element_type3A_395, %cond3A_396 : i32
          scf.if %cond3A_397 {
          } else {
          }
          %and3A_398 = arith.constant false
          %and3A_399 = arith.andi %and3A_394, %and3A_398 : i1
          %ne3A_400 = arith.cmpi ne, %add3A_246, %add3A_256 : i32
          %or3A_401 = arith.constant false
          %or3A_402 = arith.ori %or3A_401, %ne3A_400 : i1
          %not3A_403 = arith.constant true
          %not3A_404 = arith.xori %eq3A_242, %not3A_403 : i1
          %and3A_405 = arith.andi %or3A_402, %not3A_404 : i1
          %convert_element_type3A_406 = arith.extui %and3A_405 : i1 to i32
          %cond3A_407 = arith.constant 0 : i32
          %cond3A_408 = arith.cmpi ne, %convert_element_type3A_406, %cond3A_407 : i32
          scf.if %cond3A_408 {
          } else {
          }
          %and3A_409 = arith.constant false
          %and3A_410 = arith.andi %and3A_405, %and3A_409 : i1
          %ne3A_411 = arith.cmpi ne, %add3A_246, %add3A_256 : i32
          %or3A_412 = arith.constant false
          %or3A_413 = arith.ori %or3A_412, %ne3A_411 : i1
          %not3A_414 = arith.constant true
          %not3A_415 = arith.xori %eq3A_242, %not3A_414 : i1
          %and3A_416 = arith.andi %or3A_413, %not3A_415 : i1
          %convert_element_type3A_417 = arith.extui %and3A_416 : i1 to i32
          %cond3A_418 = arith.constant 0 : i32
          %cond3A_419 = arith.cmpi ne, %convert_element_type3A_417, %cond3A_418 : i32
          scf.if %cond3A_419 {
          } else {
          }
          %and3A_420 = arith.constant false
          %and3A_421 = arith.andi %and3A_416, %and3A_420 : i1
          %ne3A_422 = arith.cmpi ne, %add3A_246, %add3A_264 : i32
          %or3A_423 = arith.constant false
          %or3A_424 = arith.ori %or3A_423, %ne3A_422 : i1
          %or3A_425 = arith.constant false
          %or3A_426 = arith.ori %or3A_424, %or3A_425 : i1
          %or3A_427 = arith.ori %or3A_426, %eq3A_245 : i1
          %add3A_428 = arith.constant 1 : i32
          %add3A_429 = arith.addi %while3A_233, %add3A_428 : i32
          %select_n3A_430 = arith.select %or3A_427, %add3A_429, %while3A_233 : i32
          %ne3A_431 = arith.cmpi ne, %add3A_246, %add3A_264 : i32
          %or3A_432 = arith.constant false
          %or3A_433 = arith.ori %or3A_432, %ne3A_431 : i1
          %or3A_434 = arith.ori %or3A_433, %eq3A_245 : i1
          %add3A_435 = arith.constant 1 : i32
          %add3A_436 = arith.addi %while3A_235, %add3A_435 : i32
          %select_n3A_437 = arith.select %or3A_434, %add3A_436, %while3A_235 : i32
          %ne3A_438 = arith.cmpi ne, %add3A_246, %add3A_264 : i32
          %or3A_439 = arith.constant false
          %or3A_440 = arith.ori %or3A_439, %ne3A_438 : i1
          %or3A_441 = arith.ori %or3A_440, %eq3A_245 : i1
          %add3A_442 = arith.constant 1 : i32
          %add3A_443 = arith.addi %while3A_237, %add3A_442 : i32
          %select_n3A_444 = arith.select %or3A_441, %add3A_443, %while3A_237 : i32
          %add3A_445 = arith.constant 1 : i32
          %add3A_446 = arith.addi %while3A_238, %add3A_445 : i32
          %select_n3A_447 = arith.constant true
          %select_n3A_448 = arith.select %select_n3A_447, %add3A_446, %while3A_238 : i32
          %eq3A_449 = arith.cmpi eq, %select_n3A_448, %select_n3A_26 : i32
          %select_n3A_450 = arith.constant 0 : i32
          %select_n3A_451 = arith.select %eq3A_449, %select_n3A_450, %select_n3A_448 : i32
          scf.yield %select_n3A_288, %select_n3A_430, %select_n3A_307, %select_n3A_437, %select_n3A_326, %select_n3A_444, %select_n3A_451 : i32, i32, i32, i32, i32, i32, i32
        }
        %sub3A_177 = arith.constant 1 : i32
        %sub3A_178 = arith.subi %while3A_176#6, %sub3A_177 : i32
        %select_n3A_179 = arith.constant true
        %select_n3A_180 = arith.select %select_n3A_179, %sub3A_178, %while3A_176#6 : i32
        %eq3A_181 = arith.constant -1 : i32
        %eq3A_182 = arith.cmpi eq, %select_n3A_180, %eq3A_181 : i32
        %sub3A_183 = arith.constant 1 : i32
        %sub3A_184 = arith.subi %select_n3A_26, %sub3A_183 : i32
        %select_n3A_185 = arith.select %eq3A_182, %sub3A_184, %select_n3A_180 : i32
        %sub3A_186 = arith.constant 1 : i32
        %sub3A_187 = arith.subi %mul3A_36, %sub3A_186 : i32
        %mul3A_188 = arith.constant 1 : i32
        %mul3A_189 = arith.muli %mul3A_188, %select_n3A_26 : i32
        %eq3A_190 = arith.constant 0 : i32
        %eq3A_191 = arith.cmpi eq, %sub3A_187, %eq3A_190 : i32
        %sub3A_192 = arith.constant 1 : i32
        %sub3A_193 = arith.subi %mul3A_189, %sub3A_192 : i32
        %eq3A_194 = arith.cmpi eq, %sub3A_187, %sub3A_193 : i32
        %add3A_195 = arith.addi %select_n3A_185, %select_n3A_34 : i32
        %sub3A_196 = arith.constant 1 : i32
        %sub3A_197 = arith.subi %select_n3A_185, %sub3A_196 : i32
        %select_n3A_198 = arith.constant true
        %select_n3A_199 = arith.select %select_n3A_198, %sub3A_197, %select_n3A_185 : i32
        %eq3A_200 = arith.constant -1 : i32
        %eq3A_201 = arith.cmpi eq, %select_n3A_199, %eq3A_200 : i32
        %sub3A_202 = arith.constant 1 : i32
        %sub3A_203 = arith.subi %select_n3A_26, %sub3A_202 : i32
        %select_n3A_204 = arith.select %eq3A_201, %sub3A_203, %select_n3A_199 : i32
        %add3A_205 = arith.addi %select_n3A_204, %select_n3A_34 : i32
        %add3A_206 = arith.constant 1 : i32
        %add3A_207 = arith.addi %select_n3A_185, %add3A_206 : i32
        %select_n3A_208 = arith.constant true
        %select_n3A_209 = arith.select %select_n3A_208, %add3A_207, %select_n3A_185 : i32
        %eq3A_210 = arith.cmpi eq, %select_n3A_209, %select_n3A_26 : i32
        %select_n3A_211 = arith.constant 0 : i32
        %select_n3A_212 = arith.select %eq3A_210, %select_n3A_211, %select_n3A_209 : i32
        %add3A_213 = arith.addi %select_n3A_212, %select_n3A_34 : i32
        %add3A_214 = arith.constant 1 : i32
        %add3A_215 = arith.addi %select_n3A_212, %add3A_214 : i32
        %select_n3A_216 = arith.constant true
        %select_n3A_217 = arith.select %select_n3A_216, %add3A_215, %select_n3A_212 : i32
        %eq3A_218 = arith.cmpi eq, %select_n3A_217, %select_n3A_26 : i32
        %select_n3A_219 = arith.constant 0 : i32
        %select_n3A_220 = arith.select %eq3A_218, %select_n3A_219, %select_n3A_217 : i32
        %add3A_221 = arith.addi %select_n3A_220, %select_n3A_34 : i32
        %convert_element_type3A_222 = arith.extui %eq3A_194 : i1 to i32
        %cond3A_223 = arith.constant 0 : i32
        %cond3A_224 = arith.cmpi ne, %convert_element_type3A_222, %cond3A_223 : i32
        scf.if %cond3A_224 {
        } else {
        }
        %convert_element_type3A_225 = arith.extui %eq3A_194 : i1 to i32
        %cond3A_226 = arith.constant 0 : i32
        %cond3A_227 = arith.cmpi ne, %convert_element_type3A_225, %cond3A_226 : i32
        scf.if %cond3A_227 {
        } else {
        }
        %convert_element_type3A_228 = arith.extui %eq3A_194 : i1 to i32
        %cond3A_229 = arith.constant 0 : i32
        %cond3A_230 = arith.cmpi ne, %convert_element_type3A_228, %cond3A_229 : i32
        scf.if %cond3A_230 {
        } else {
        }
      } else {
      }
      tpu.yield
    }) : () -> ()
    %barrier3A_37 = arith.constant 0 : index
    tpu.barrier barrier_id(%barrier3A_37)
    %lt3A_38 = arith.constant 15 : i32
    %lt3A_39 = arith.cmpi slt, %arg1, %lt3A_38 : i32
    %convert_element_type3A_40 = arith.extui %lt3A_39 : i1 to i32
    %cond3A_41 = arith.constant 0 : i32
    %cond3A_42 = arith.cmpi ne, %convert_element_type3A_40, %cond3A_41 : i32
    scf.if %cond3A_42 {
      %mul3A_48 = arith.constant 640 : i32
      %mul3A_49 = arith.muli %arg1, %mul3A_48 : i32
      %mul3A_50 = arith.constant 10000 : i32
      %mul3A_51 = arith.muli %arg0, %mul3A_50 : i32
      %mul3A_52 = arith.constant 640 : i32
      %mul3A_53 = arith.muli %arg1, %mul3A_52 : i32
      %add3A_54 = arith.addi %mul3A_51, %mul3A_53 : i32
      "tpu.region"() ({
        %run_scoped3A = tpu.sem_alloc : memref<!tpu.dma_semaphore, #tpu.memory_space<semaphore_mem>>
        %dma_start3A = arith.constant 0 : i32
        %dma_start3A_55 = tpu.memref_slice %arg6[%add3A_54, %dma_start3A] : memref<20000x128xf32, #tpu.memory_space<hbm>> -> memref<640x128xf32, #tpu.memory_space<hbm>>
        %dma_start3A_56 = arith.constant 0 : i32
        %dma_start3A_57 = tpu.memref_slice %arg7[%mul3A_49, %dma_start3A_56] : memref<10000x128xf32, #tpu.memory_space<vmem_shared>> -> memref<640x128xf32, #tpu.memory_space<vmem_shared>>
        tpu.enqueue_dma source(%dma_start3A_57 : memref<640x128xf32, #tpu.memory_space<vmem_shared>>) target(%dma_start3A_55 : memref<640x128xf32, #tpu.memory_space<hbm>>) target_semaphore(%run_scoped3A : memref<!tpu.dma_semaphore, #tpu.memory_space<semaphore_mem>>)
        %dma_wait3A = arith.constant 0 : i32
        %dma_wait3A_58 = tpu.memref_slice %arg6[%add3A_54, %dma_wait3A] : memref<20000x128xf32, #tpu.memory_space<hbm>> -> memref<640x128xf32, #tpu.memory_space<hbm>>
        %dma_wait3A_59 = arith.constant 0 : i32
        %dma_wait3A_60 = tpu.memref_slice %arg7[%mul3A_49, %dma_wait3A_59] : memref<10000x128xf32, #tpu.memory_space<vmem_shared>> -> memref<640x128xf32, #tpu.memory_space<vmem_shared>>
        tpu.wait_dma2 semaphore(%run_scoped3A : memref<!tpu.dma_semaphore, #tpu.memory_space<semaphore_mem>>) src(%dma_wait3A_60 : memref<640x128xf32, #tpu.memory_space<vmem_shared>>) dst(%dma_wait3A_58 : memref<640x128xf32, #tpu.memory_space<hbm>>)
        tpu.yield
      }) : () -> ()
    } else {
    }
    %eq3A_43 = arith.constant 15 : i32
    %eq3A_44 = arith.cmpi eq, %arg1, %eq3A_43 : i32
    %convert_element_type3A_45 = arith.extui %eq3A_44 : i1 to i32
    %cond3A_46 = arith.constant 0 : i32
    %cond3A_47 = arith.cmpi ne, %convert_element_type3A_45, %cond3A_46 : i32
    scf.if %cond3A_47 {
      %mul3A_48 = arith.constant 10000 : i32
      %mul3A_49 = arith.muli %arg0, %mul3A_48 : i32
      %add3A_50 = arith.constant 9600 : i32
      %add3A_51 = arith.addi %mul3A_49, %add3A_50 : i32
      "tpu.region"() ({
        %run_scoped3A = tpu.sem_alloc : memref<!tpu.dma_semaphore, #tpu.memory_space<semaphore_mem>>
        %dma_start3A = arith.constant 0 : i32
        %dma_start3A_52 = tpu.memref_slice %arg6[%add3A_51, %dma_start3A] : memref<20000x128xf32, #tpu.memory_space<hbm>> -> memref<400x128xf32, #tpu.memory_space<hbm>>
        %dma_start3A_53 = arith.constant 9600 : i32
        %dma_start3A_54 = arith.constant 0 : i32
        %dma_start3A_55 = tpu.memref_slice %arg7[%dma_start3A_53, %dma_start3A_54] : memref<10000x128xf32, #tpu.memory_space<vmem_shared>> -> memref<400x128xf32, #tpu.memory_space<vmem_shared>>
        tpu.enqueue_dma source(%dma_start3A_55 : memref<400x128xf32, #tpu.memory_space<vmem_shared>>) target(%dma_start3A_52 : memref<400x128xf32, #tpu.memory_space<hbm>>) target_semaphore(%run_scoped3A : memref<!tpu.dma_semaphore, #tpu.memory_space<semaphore_mem>>)
        %dma_wait3A = arith.constant 0 : i32
        %dma_wait3A_56 = tpu.memref_slice %arg6[%add3A_51, %dma_wait3A] : memref<20000x128xf32, #tpu.memory_space<hbm>> -> memref<400x128xf32, #tpu.memory_space<hbm>>
        %dma_wait3A_57 = arith.constant 9600 : i32
        %dma_wait3A_58 = arith.constant 0 : i32
        %dma_wait3A_59 = tpu.memref_slice %arg7[%dma_wait3A_57, %dma_wait3A_58] : memref<10000x128xf32, #tpu.memory_space<vmem_shared>> -> memref<400x128xf32, #tpu.memory_space<vmem_shared>>
        tpu.wait_dma2 semaphore(%run_scoped3A : memref<!tpu.dma_semaphore, #tpu.memory_space<semaphore_mem>>) src(%dma_wait3A_59 : memref<400x128xf32, #tpu.memory_space<vmem_shared>>) dst(%dma_wait3A_56 : memref<400x128xf32, #tpu.memory_space<hbm>>)
        tpu.yield
      }) : () -> ()
    } else {
    }
    return
  }
}

module attributes {stable_mosaic.version = 14 : i64} {
  func.func @body(%arg0: i32, %arg1: memref<1000x128xf32, #tpu.memory_space<vmem>>, %arg2: memref<1000x16xf32, #tpu.memory_space<vmem>>, %arg3: memref<1000x4xf32, #tpu.memory_space<vmem>>, %arg4: memref<16x16xf32, #tpu.memory_space<vmem>>, %arg5: memref<1x16xf32, #tpu.memory_space<vmem>>, %arg6: memref<16x1536xf32, #tpu.memory_space<vmem>>, %arg7: memref<1x1536xf32, #tpu.memory_space<vmem>>, %arg8: memref<256x16xf32, #tpu.memory_space<vmem>>, %arg9: memref<1000x128xf32, #tpu.memory_space<vmem>>) attributes {dimension_semantics = [#tpu.dimension_semantics<arbitrary>], iteration_bounds = array<i64: 160>, scalar_prefetch = 0 : i64, scratch_operands = 0 : i64, tpu.core_type = #tpu.core_type<tc>, window_params = [{transform_indices = @transform_0, window_bounds = array<i64: 1000, 128>}, {transform_indices = @transform_1, window_bounds = array<i64: 1000, 16>}, {transform_indices = @transform_2, window_bounds = array<i64: 1000, 4>}, {pipeline_mode = #tpu.pipeline_mode<synchronous>, transform_indices = @transform_3, window_bounds = array<i64: 16, 16>}, {pipeline_mode = #tpu.pipeline_mode<synchronous>, transform_indices = @transform_4, window_bounds = array<i64: 1, 16>}, {pipeline_mode = #tpu.pipeline_mode<synchronous>, transform_indices = @transform_5, window_bounds = array<i64: 16, 1536>}, {pipeline_mode = #tpu.pipeline_mode<synchronous>, transform_indices = @transform_6, window_bounds = array<i64: 1, 1536>}, {pipeline_mode = #tpu.pipeline_mode<synchronous>, transform_indices = @transform_7, window_bounds = array<i64: 256, 16>}, {transform_indices = @transform_8, window_bounds = array<i64: 1000, 128>}]} {
    %get3A = arith.constant 0 : index
    %get3A_0 = arith.constant 0 : index
    %get3A_1 = vector.load %arg1[%get3A, %get3A_0] : memref<1000x128xf32, #tpu.memory_space<vmem>>, vector<1000x128xf32>
    %get3A_2 = arith.constant 0 : index
    %get3A_3 = arith.constant 0 : index
    %get3A_4 = vector.load %arg3[%get3A_2, %get3A_3] : memref<1000x4xf32, #tpu.memory_space<vmem>>, vector<1000x4xf32>
    %get3A_5 = arith.constant 0 : index
    %get3A_6 = arith.constant 0 : index
    %get3A_7 = vector.load %arg2[%get3A_5, %get3A_6] : memref<1000x16xf32, #tpu.memory_space<vmem>>, vector<1000x16xf32>
    %get3A_8 = arith.constant 0 : index
    %get3A_9 = arith.constant 0 : index
    %get3A_10 = vector.load %arg4[%get3A_8, %get3A_9] : memref<16x16xf32, #tpu.memory_space<vmem>>, vector<16x16xf32>
    %dot_general3A = arith.constant dense<0.000000e+00> : vector<1000x16xf32>
    %dot_general3A_11 = tpu.matmul %get3A_7, %get3A_10, %dot_general3A {dimension_numbers = #tpu.dot_dimension_numbers<[1], [0], [0], [1], [0, 0, 1, 1], [], []>, transpose_lhs_hint = false} : vector<1000x16xf32>, vector<16x16xf32>, vector<1000x16xf32> -> vector<1000x16xf32>
    %get3A_12 = arith.constant 0 : index
    %get3A_13 = arith.constant 0 : index
    %get3A_14 = vector.load %arg5[%get3A_12, %get3A_13] : memref<1x16xf32, #tpu.memory_space<vmem>>, vector<1x16xf32>
    %add3A = vector.broadcast %get3A_14 : vector<1x16xf32> to vector<1000x16xf32>
    %add3A_15 = arith.addf %dot_general3A_11, %add3A : vector<1000x16xf32>
    %neg3A = arith.constant 0.000000e+00 : f32
    %neg3A_16 = vector.broadcast %neg3A : f32 to vector<1000x16xf32>
    %neg3A_17 = arith.subf %neg3A_16, %add3A_15 : vector<1000x16xf32>
    %exp3A = math.exp %neg3A_17 : vector<1000x16xf32>
    %add3A_18 = arith.constant 1.000000e+00 : f32
    %add3A_19 = vector.broadcast %add3A_18 : f32 to vector<1000x16xf32>
    %add3A_20 = arith.addf %add3A_19, %exp3A : vector<1000x16xf32>
    %div3A = arith.constant 1.000000e+00 : f32
    %div3A_21 = vector.broadcast %div3A : f32 to vector<1000x16xf32>
    %div3A_22 = arith.divf %div3A_21, %add3A_20 : vector<1000x16xf32>
    %mul3A = arith.mulf %add3A_15, %div3A_22 : vector<1000x16xf32>
    %get3A_23 = arith.constant 0 : index
    %get3A_24 = arith.constant 0 : index
    %get3A_25 = vector.load %arg6[%get3A_23, %get3A_24] : memref<16x1536xf32, #tpu.memory_space<vmem>>, vector<16x1536xf32>
    %dot_general3A_26 = arith.constant dense<0.000000e+00> : vector<1000x1536xf32>
    %dot_general3A_27 = tpu.matmul %mul3A, %get3A_25, %dot_general3A_26 {dimension_numbers = #tpu.dot_dimension_numbers<[1], [0], [0], [1], [0, 0, 1, 1], [], []>, transpose_lhs_hint = false} : vector<1000x16xf32>, vector<16x1536xf32>, vector<1000x1536xf32> -> vector<1000x1536xf32>
    %get3A_28 = arith.constant 0 : index
    %get3A_29 = arith.constant 0 : index
    %get3A_30 = vector.load %arg7[%get3A_28, %get3A_29] : memref<1x1536xf32, #tpu.memory_space<vmem>>, vector<1x1536xf32>
    %add3A_31 = vector.broadcast %get3A_30 : vector<1x1536xf32> to vector<1000x1536xf32>
    %add3A_32 = arith.addf %dot_general3A_27, %add3A_31 : vector<1000x1536xf32>
    %slice3A = vector.extract_strided_slice %get3A_1 {offsets = [0, 0], sizes = [1000, 16], strides = [1, 1]} : vector<1000x128xf32> to vector<1000x16xf32>
    %slice3A_33 = vector.extract_strided_slice %get3A_1 {offsets = [0, 16], sizes = [1000, 16], strides = [1, 1]} : vector<1000x128xf32> to vector<1000x16xf32>
    %slice3A_34 = vector.extract_strided_slice %get3A_1 {offsets = [0, 32], sizes = [1000, 16], strides = [1, 1]} : vector<1000x128xf32> to vector<1000x16xf32>
    %slice3A_35 = vector.extract_strided_slice %get3A_1 {offsets = [0, 48], sizes = [1000, 16], strides = [1, 1]} : vector<1000x128xf32> to vector<1000x16xf32>
    %slice3A_36 = vector.extract_strided_slice %get3A_4 {offsets = [0, 0], sizes = [1000, 1], strides = [1, 1]} : vector<1000x4xf32> to vector<1000x1xf32>
    %slice3A_37 = vector.extract_strided_slice %get3A_4 {offsets = [0, 1], sizes = [1000, 1], strides = [1, 1]} : vector<1000x4xf32> to vector<1000x1xf32>
    %slice3A_38 = vector.extract_strided_slice %get3A_4 {offsets = [0, 2], sizes = [1000, 1], strides = [1, 1]} : vector<1000x4xf32> to vector<1000x1xf32>
    %slice3A_39 = vector.extract_strided_slice %get3A_4 {offsets = [0, 3], sizes = [1000, 1], strides = [1, 1]} : vector<1000x4xf32> to vector<1000x1xf32>
    %mul3A_40 = vector.broadcast %slice3A_36 : vector<1000x1xf32> to vector<1000x16xf32>
    %mul3A_41 = arith.mulf %slice3A, %mul3A_40 : vector<1000x16xf32>
    %mul3A_42 = vector.broadcast %slice3A_37 : vector<1000x1xf32> to vector<1000x16xf32>
    %mul3A_43 = arith.mulf %slice3A_33, %mul3A_42 : vector<1000x16xf32>
    %mul3A_44 = vector.broadcast %slice3A_38 : vector<1000x1xf32> to vector<1000x16xf32>
    %mul3A_45 = arith.mulf %slice3A_34, %mul3A_44 : vector<1000x16xf32>
    %add3A_46 = arith.addf %mul3A_43, %mul3A_45 : vector<1000x16xf32>
    %mul3A_47 = vector.broadcast %slice3A_39 : vector<1000x1xf32> to vector<1000x16xf32>
    %mul3A_48 = arith.mulf %slice3A_35, %mul3A_47 : vector<1000x16xf32>
    %add3A_49 = arith.addf %add3A_46, %mul3A_48 : vector<1000x16xf32>
    %mul3A_50 = arith.constant 0.577350259 : f32
    %mul3A_51 = vector.broadcast %mul3A_50 : f32 to vector<1000x16xf32>
    %mul3A_52 = arith.mulf %add3A_49, %mul3A_51 : vector<1000x16xf32>
    %mul3A_53 = vector.broadcast %slice3A_36 : vector<1000x1xf32> to vector<1000x16xf32>
    %mul3A_54 = arith.mulf %slice3A_33, %mul3A_53 : vector<1000x16xf32>
    %mul3A_55 = vector.broadcast %slice3A_36 : vector<1000x1xf32> to vector<1000x16xf32>
    %mul3A_56 = arith.mulf %slice3A_34, %mul3A_55 : vector<1000x16xf32>
    %mul3A_57 = vector.broadcast %slice3A_36 : vector<1000x1xf32> to vector<1000x16xf32>
    %mul3A_58 = arith.mulf %slice3A_35, %mul3A_57 : vector<1000x16xf32>
    %concatenate3A = tpu.concatenate %mul3A_41, %mul3A_41, %mul3A_41, %mul3A_41, %mul3A_41, %mul3A_41, %mul3A_41, %mul3A_41, %mul3A_41, %mul3A_41, %mul3A_41, %mul3A_41, %mul3A_41, %mul3A_41, %mul3A_41, %mul3A_41 in 1 : vector<1000x16xf32>, vector<1000x16xf32>, vector<1000x16xf32>, vector<1000x16xf32>, vector<1000x16xf32>, vector<1000x16xf32>, vector<1000x16xf32>, vector<1000x16xf32>, vector<1000x16xf32>, vector<1000x16xf32>, vector<1000x16xf32>, vector<1000x16xf32>, vector<1000x16xf32>, vector<1000x16xf32>, vector<1000x16xf32>, vector<1000x16xf32> -> vector<1000x256xf32>
    %concatenate3A_59 = tpu.concatenate %mul3A_52, %mul3A_52, %mul3A_52, %mul3A_52, %mul3A_52, %mul3A_52, %mul3A_52, %mul3A_52, %mul3A_52, %mul3A_52, %mul3A_52, %mul3A_52, %mul3A_52, %mul3A_52, %mul3A_52, %mul3A_52 in 1 : vector<1000x16xf32>, vector<1000x16xf32>, vector<1000x16xf32>, vector<1000x16xf32>, vector<1000x16xf32>, vector<1000x16xf32>, vector<1000x16xf32>, vector<1000x16xf32>, vector<1000x16xf32>, vector<1000x16xf32>, vector<1000x16xf32>, vector<1000x16xf32>, vector<1000x16xf32>, vector<1000x16xf32>, vector<1000x16xf32>, vector<1000x16xf32> -> vector<1000x256xf32>
    %concatenate3A_60 = tpu.concatenate %slice3A, %slice3A, %slice3A, %slice3A, %slice3A, %slice3A, %slice3A, %slice3A, %slice3A, %slice3A, %slice3A, %slice3A, %slice3A, %slice3A, %slice3A, %slice3A in 1 : vector<1000x16xf32>, vector<1000x16xf32>, vector<1000x16xf32>, vector<1000x16xf32>, vector<1000x16xf32>, vector<1000x16xf32>, vector<1000x16xf32>, vector<1000x16xf32>, vector<1000x16xf32>, vector<1000x16xf32>, vector<1000x16xf32>, vector<1000x16xf32>, vector<1000x16xf32>, vector<1000x16xf32>, vector<1000x16xf32>, vector<1000x16xf32> -> vector<1000x256xf32>
    %concatenate3A_61 = tpu.concatenate %mul3A_54, %mul3A_54, %mul3A_54, %mul3A_54, %mul3A_54, %mul3A_54, %mul3A_54, %mul3A_54, %mul3A_54, %mul3A_54, %mul3A_54, %mul3A_54, %mul3A_54, %mul3A_54, %mul3A_54, %mul3A_54 in 1 : vector<1000x16xf32>, vector<1000x16xf32>, vector<1000x16xf32>, vector<1000x16xf32>, vector<1000x16xf32>, vector<1000x16xf32>, vector<1000x16xf32>, vector<1000x16xf32>, vector<1000x16xf32>, vector<1000x16xf32>, vector<1000x16xf32>, vector<1000x16xf32>, vector<1000x16xf32>, vector<1000x16xf32>, vector<1000x16xf32>, vector<1000x16xf32> -> vector<1000x256xf32>
    %concatenate3A_62 = tpu.concatenate %mul3A_56, %mul3A_56, %mul3A_56, %mul3A_56, %mul3A_56, %mul3A_56, %mul3A_56, %mul3A_56, %mul3A_56, %mul3A_56, %mul3A_56, %mul3A_56, %mul3A_56, %mul3A_56, %mul3A_56, %mul3A_56 in 1 : vector<1000x16xf32>, vector<1000x16xf32>, vector<1000x16xf32>, vector<1000x16xf32>, vector<1000x16xf32>, vector<1000x16xf32>, vector<1000x16xf32>, vector<1000x16xf32>, vector<1000x16xf32>, vector<1000x16xf32>, vector<1000x16xf32>, vector<1000x16xf32>, vector<1000x16xf32>, vector<1000x16xf32>, vector<1000x16xf32>, vector<1000x16xf32> -> vector<1000x256xf32>
    %concatenate3A_63 = tpu.concatenate %mul3A_58, %mul3A_58, %mul3A_58, %mul3A_58, %mul3A_58, %mul3A_58, %mul3A_58, %mul3A_58, %mul3A_58, %mul3A_58, %mul3A_58, %mul3A_58, %mul3A_58, %mul3A_58, %mul3A_58, %mul3A_58 in 1 : vector<1000x16xf32>, vector<1000x16xf32>, vector<1000x16xf32>, vector<1000x16xf32>, vector<1000x16xf32>, vector<1000x16xf32>, vector<1000x16xf32>, vector<1000x16xf32>, vector<1000x16xf32>, vector<1000x16xf32>, vector<1000x16xf32>, vector<1000x16xf32>, vector<1000x16xf32>, vector<1000x16xf32>, vector<1000x16xf32>, vector<1000x16xf32> -> vector<1000x256xf32>
    %concatenate3A_64 = tpu.concatenate %concatenate3A, %concatenate3A_59, %concatenate3A_60, %concatenate3A_61, %concatenate3A_62, %concatenate3A_63 in 1 : vector<1000x256xf32>, vector<1000x256xf32>, vector<1000x256xf32>, vector<1000x256xf32>, vector<1000x256xf32>, vector<1000x256xf32> -> vector<1000x1536xf32>
    %mul3A_65 = arith.mulf %add3A_32, %concatenate3A_64 : vector<1000x1536xf32>
    %slice3A_66 = vector.extract_strided_slice %mul3A_65 {offsets = [0, 0], sizes = [1000, 256], strides = [1, 1]} : vector<1000x1536xf32> to vector<1000x256xf32>
    %slice3A_67 = vector.extract_strided_slice %mul3A_65 {offsets = [0, 256], sizes = [1000, 256], strides = [1, 1]} : vector<1000x1536xf32> to vector<1000x256xf32>
    %add3A_68 = arith.addf %slice3A_66, %slice3A_67 : vector<1000x256xf32>
    %slice3A_69 = vector.extract_strided_slice %mul3A_65 {offsets = [0, 512], sizes = [1000, 256], strides = [1, 1]} : vector<1000x1536xf32> to vector<1000x256xf32>
    %slice3A_70 = vector.extract_strided_slice %mul3A_65 {offsets = [0, 768], sizes = [1000, 256], strides = [1, 1]} : vector<1000x1536xf32> to vector<1000x256xf32>
    %slice3A_71 = vector.extract_strided_slice %mul3A_65 {offsets = [0, 1024], sizes = [1000, 256], strides = [1, 1]} : vector<1000x1536xf32> to vector<1000x256xf32>
    %slice3A_72 = vector.extract_strided_slice %mul3A_65 {offsets = [0, 1280], sizes = [1000, 256], strides = [1, 1]} : vector<1000x1536xf32> to vector<1000x256xf32>
    %concatenate3A_73 = tpu.concatenate %add3A_68, %slice3A_69, %slice3A_70, %slice3A_71, %slice3A_72 in 0 : vector<1000x256xf32>, vector<1000x256xf32>, vector<1000x256xf32>, vector<1000x256xf32>, vector<1000x256xf32> -> vector<5000x256xf32>
    %get3A_74 = arith.constant 0 : index
    %get3A_75 = arith.constant 0 : index
    %get3A_76 = vector.load %arg8[%get3A_74, %get3A_75] : memref<256x16xf32, #tpu.memory_space<vmem>>, vector<256x16xf32>
    %dot_general3A_77 = arith.constant dense<0.000000e+00> : vector<5000x16xf32>
    %dot_general3A_78 = tpu.matmul %concatenate3A_73, %get3A_76, %dot_general3A_77 {dimension_numbers = #tpu.dot_dimension_numbers<[1], [0], [0], [1], [0, 0, 1, 1], [], []>, transpose_lhs_hint = false} : vector<5000x256xf32>, vector<256x16xf32>, vector<5000x16xf32> -> vector<5000x16xf32>
    %slice3A_79 = vector.extract_strided_slice %dot_general3A_78 {offsets = [0, 0], sizes = [1000, 16], strides = [1, 1]} : vector<5000x16xf32> to vector<1000x16xf32>
    %slice3A_80 = vector.extract_strided_slice %dot_general3A_78 {offsets = [1000, 0], sizes = [1000, 16], strides = [1, 1]} : vector<5000x16xf32> to vector<1000x16xf32>
    %mul3A_81 = vector.broadcast %slice3A_37 : vector<1000x1xf32> to vector<1000x16xf32>
    %mul3A_82 = arith.mulf %slice3A_80, %mul3A_81 : vector<1000x16xf32>
    %slice3A_83 = vector.extract_strided_slice %dot_general3A_78 {offsets = [2000, 0], sizes = [1000, 16], strides = [1, 1]} : vector<5000x16xf32> to vector<1000x16xf32>
    %add3A_84 = arith.addf %mul3A_82, %slice3A_83 : vector<1000x16xf32>
    %mul3A_85 = vector.broadcast %slice3A_38 : vector<1000x1xf32> to vector<1000x16xf32>
    %mul3A_86 = arith.mulf %slice3A_80, %mul3A_85 : vector<1000x16xf32>
    %slice3A_87 = vector.extract_strided_slice %dot_general3A_78 {offsets = [3000, 0], sizes = [1000, 16], strides = [1, 1]} : vector<5000x16xf32> to vector<1000x16xf32>
    %add3A_88 = arith.addf %mul3A_86, %slice3A_87 : vector<1000x16xf32>
    %mul3A_89 = vector.broadcast %slice3A_39 : vector<1000x1xf32> to vector<1000x16xf32>
    %mul3A_90 = arith.mulf %slice3A_80, %mul3A_89 : vector<1000x16xf32>
    %slice3A_91 = vector.extract_strided_slice %dot_general3A_78 {offsets = [4000, 0], sizes = [1000, 16], strides = [1, 1]} : vector<5000x16xf32> to vector<1000x16xf32>
    %add3A_92 = arith.addf %mul3A_90, %slice3A_91 : vector<1000x16xf32>
    %concatenate3A_93 = tpu.concatenate %slice3A_79, %add3A_84, %add3A_88, %add3A_92 in 1 : vector<1000x16xf32>, vector<1000x16xf32>, vector<1000x16xf32>, vector<1000x16xf32> -> vector<1000x64xf32>
    %mul3A_94 = arith.constant 0.176776692 : f32
    %mul3A_95 = vector.broadcast %mul3A_94 : f32 to vector<1000x64xf32>
    %mul3A_96 = arith.mulf %concatenate3A_93, %mul3A_95 : vector<1000x64xf32>
    %broadcast_in_dim3A = arith.constant 0.000000e+00 : f32
    %broadcast_in_dim3A_97 = vector.broadcast %broadcast_in_dim3A : f32 to vector<1000x64xf32>
    %concatenate3A_98 = tpu.concatenate %mul3A_96, %broadcast_in_dim3A_97 in 1 : vector<1000x64xf32>, vector<1000x64xf32> -> vector<1000x128xf32>
    %swap3A = arith.constant 0 : index
    %swap3A_99 = arith.constant 0 : index
    %swap3A_100 = vector.load %arg9[%swap3A, %swap3A_99] : memref<1000x128xf32, #tpu.memory_space<vmem>>, vector<1000x128xf32>
    tpu.vector_store %arg9[%swap3A, %swap3A_99], %concatenate3A_98 {strides = array<i32>} : memref<1000x128xf32, #tpu.memory_space<vmem>>, vector<1000x128xf32>,
    return
  }
  func.func @transform_0(%arg0: i32) -> (i32, i32) {
    %c0_i32 = arith.constant 0 : i32
    %c0_i32_0 = arith.constant 0 : i32
    return %arg0, %c0_i32 : i32, i32
  }
  func.func @transform_1(%arg0: i32) -> (i32, i32) {
    %c0_i32 = arith.constant 0 : i32
    %c0_i32_0 = arith.constant 0 : i32
    return %arg0, %c0_i32 : i32, i32
  }
  func.func @transform_2(%arg0: i32) -> (i32, i32) {
    %c0_i32 = arith.constant 0 : i32
    %c0_i32_0 = arith.constant 0 : i32
    return %arg0, %c0_i32 : i32, i32
  }
  func.func @transform_3(%arg0: i32) -> (i32, i32) {
    %c0_i32 = arith.constant 0 : i32
    %c0_i32_0 = arith.constant 0 : i32
    %c0_i32_1 = arith.constant 0 : i32
    return %c0_i32, %c0_i32_0 : i32, i32
  }
  func.func @transform_4(%arg0: i32) -> (i32, i32) {
    %c0_i32 = arith.constant 0 : i32
    %c0_i32_0 = arith.constant 0 : i32
    %c0_i32_1 = arith.constant 0 : i32
    return %c0_i32, %c0_i32_0 : i32, i32
  }
  func.func @transform_5(%arg0: i32) -> (i32, i32) {
    %c0_i32 = arith.constant 0 : i32
    %c0_i32_0 = arith.constant 0 : i32
    %c0_i32_1 = arith.constant 0 : i32
    return %c0_i32, %c0_i32_0 : i32, i32
  }
  func.func @transform_6(%arg0: i32) -> (i32, i32) {
    %c0_i32 = arith.constant 0 : i32
    %c0_i32_0 = arith.constant 0 : i32
    %c0_i32_1 = arith.constant 0 : i32
    return %c0_i32, %c0_i32_0 : i32, i32
  }
  func.func @transform_7(%arg0: i32) -> (i32, i32) {
    %c0_i32 = arith.constant 0 : i32
    %c0_i32_0 = arith.constant 0 : i32
    %c0_i32_1 = arith.constant 0 : i32
    return %c0_i32, %c0_i32_0 : i32, i32
  }
  func.func @transform_8(%arg0: i32) -> (i32, i32) {
    %c0_i32 = arith.constant 0 : i32
    %c0_i32_0 = arith.constant 0 : i32
    return %arg0, %c0_i32 : i32, i32
  }
}

module attributes {stable_mosaic.version = 14 : i64} {
  func.func @body(%arg0: memref<20000x128xf32, #tpu.memory_space<vmem>>, %arg1: memref<64x64xf32, #tpu.memory_space<vmem>>, %arg2: memref<10000x64xf32, #tpu.memory_space<vmem>>) attributes {dimension_semantics = [], scalar_prefetch = 0 : i64, scratch_operands = 0 : i64, tpu.core_type = #tpu.core_type<tc>} {
    %get3A = arith.constant 0 : index
    %get3A_0 = arith.constant 0 : index
    %get3A_1 = vector.load %arg0[%get3A, %get3A_0] : memref<20000x128xf32, #tpu.memory_space<vmem>>, vector<20000x128xf32>
    %slice3A = vector.extract_strided_slice %get3A_1 {offsets = [0, 0], sizes = [10000, 64], strides = [1, 1]} : vector<20000x128xf32> to vector<10000x64xf32>
    %slice3A_2 = vector.extract_strided_slice %get3A_1 {offsets = [10000, 0], sizes = [10000, 64], strides = [1, 1]} : vector<20000x128xf32> to vector<10000x64xf32>
    %add3A = arith.addf %slice3A, %slice3A_2 : vector<10000x64xf32>
    %slice3A_3 = vector.extract_strided_slice %get3A_1 {offsets = [0, 64], sizes = [10000, 1], strides = [1, 1]} : vector<20000x128xf32> to vector<10000x1xf32>
    %slice3A_4 = vector.extract_strided_slice %get3A_1 {offsets = [10000, 64], sizes = [10000, 1], strides = [1, 1]} : vector<20000x128xf32> to vector<10000x1xf32>
    %add3A_5 = arith.addf %slice3A_3, %slice3A_4 : vector<10000x1xf32>
    %max3A = arith.constant 1.000000e+00 : f32
    %max3A_6 = vector.broadcast %max3A : f32 to vector<10000x1xf32>
    %max3A_7 = arith.maximumf %add3A_5, %max3A_6 : vector<10000x1xf32>
    %div3A = vector.broadcast %max3A_7 : vector<10000x1xf32> to vector<10000x64xf32>
    %div3A_8 = arith.divf %add3A, %div3A : vector<10000x64xf32>
    %get3A_9 = arith.constant 0 : index
    %get3A_10 = arith.constant 0 : index
    %get3A_11 = vector.load %arg1[%get3A_9, %get3A_10] : memref<64x64xf32, #tpu.memory_space<vmem>>, vector<64x64xf32>
    %dot_general3A = arith.constant dense<0.000000e+00> : vector<10000x64xf32>
    %dot_general3A_12 = tpu.matmul %div3A_8, %get3A_11, %dot_general3A {dimension_numbers = #tpu.dot_dimension_numbers<[1], [0], [0], [1], [0, 0, 1, 1], [], []>, transpose_lhs_hint = false} : vector<10000x64xf32>, vector<64x64xf32>, vector<10000x64xf32> -> vector<10000x64xf32>
    %swap3A = arith.constant 0 : index
    %swap3A_13 = arith.constant 0 : index
    %swap3A_14 = vector.load %arg2[%swap3A, %swap3A_13] : memref<10000x64xf32, #tpu.memory_space<vmem>>, vector<10000x64xf32>
    tpu.vector_store %arg2[%swap3A, %swap3A_13], %dot_general3A_12 {strides = array<i32>} : memref<10000x64xf32, #tpu.memory_space<vmem>>, vector<10000x64xf32>,
    return
  }
}

</mosaic_0001>

<sc_bundles>
// kernel: kernel.6.cloned.1.call-start
scs
__scs_entry_jumppad:
0x0: {  	(pc) =	sbr.rel $0x88, $3  }
0x1: {  	(tag) =	ssettag $0x0;
	lr =	simm.s32 $0x1  }
0x2: {  	[smem:$0x3F99] =	sst lr;
	_ =	strace $0xD0000000  }
0x3: {  	_ = 	snop  }
0x4: {  	_ = 	snop  }
0x5: {  	_ = 	snop  }
0x6: {  	_ = 	snop  }
0x7: {  	_ = 	snop  }
__scs_overlays_trampoline_lowered:
0x8: {  	[smem:$0x3FA8] =	sst s0  }
0x9: {  	[smem:$0x3FA9] =	sst s1  }
0xa: {  	[smem:$0x3FAA] =	sst s2  }
0xb: {  	[smem:$0x3FAB] =	sst s3  }
0xc: {  	[smem:$0x3FAC] =	sst s4  }
0xd: {  	[smem:$0x3FAD] =	sst s5  }
0xe: {  	[smem:$0x3FAE] =	sst s6  }
0xf: {  	[smem:$0x3FAF] =	sst s7  }
0x10: {  	[smem:$0x3FB0] =	sst s8  }
0x11: {  	[smem:$0x3FB1] =	sst s9;
	s0 =	simm.s32 @!p0 $0x0  }
0x12: {  	s1 =	sld [smem:$0x3F97];
	s0 =	simm.s32 @p0 $0x1  }
0x13: {  	[smem:$0x3FB2] =	sst s0;
	s0 =	simm.s32 @!p1 $0x0  }
0x14: {  	s2 =	sld [smem:$0x3F96];
	s0 =	simm.s32 @p1 $0x1  }
0x15: {  	[smem:$0x3FB3] =	sst s0;
	s0 =	simm.s32 @!p2 $0x0  }
0x16: {  	s3 =	sld [smem:$0x3FDB];
	s0 =	simm.s32 @p2 $0x1  }
0x17: {  	s4 =	simm.s32 $0x1BF5;
	[smem:$0x3FB5] =	sst s0  }
0x18: {  	s0 =	sld [smem:$0x3F98];
	_ =	swait.ge [sflag:s4], $0x0  }
0x19: {  	s7 =	sld [smem:$0x3F99]  }
0x1a: {  	s8 =	sadd.s32 $0xFFFFE003, lr  }
0x1b: {  	s9 =	sadd.s32 $0xFFFFFEF7, lr;
	s5 =	simm.s32 $0xFFFFFFFF;
	p2 =	slt.u32 s8, $0xFFFFF086  }
0x1c: {  	p1 =	slt.u32 s9, $0xF7A;
	s5 =	simm.s32 @!p2 $0x0  }
0x1d: {  	s5 =	simm.s32 @p1 $0x1;
	p0 =	seq.s32 s7, s2  }
0x1e: {  	s7 =	smul.u32 @!p0 $0xF7A, s2;
	p2 =	seq.s32 @!p0 s5, $0x0  }
0x1f: {  	s9 =	smul.u32 $0xF7A, s1;
	s8 =	simm.s32 @!p0 $0x1BF5;
	p2 =	por !p2, p0  }
0x20: {  	[sflag:s8] =	ssyncset.s32 @!p0 $0xFFFFF086;
	s6 =	sadd.s32 @!p0 s3, s7;
	s7 =	simm.s32 @!p0 $0x108  }
0x21: {  	s3 =	sadd.s32 s3, s9;
	s6 =	sadd.s32 @!p0 $0x88, s6;
	s7 =	simm.s32 @p2 $0x1082  }
0x22: {  	[simem:s7], [sflag:s8] =	dma.local @!p0 [hbm:s6], $0xF7A  }
0x23: {  	s9 =	sor.u32 $0xD0000000, s2;
	s6 =	simm.s32 $0x108;
	_ =	swait.ge @!p0 [sflag:s8], $0x0  }
0x24: {  	s3 =	sadd.s32 $0x88, s3;
	s6 =	simm.s32 @!p1 $0x1082;
	[sflag:s4] =	ssyncset.s32 $0xFFFFF086  }
0x25: {  	[simem:s6], [sflag:s4] =	dma.local [hbm:s3], $0xF7A  }
0x26: {  	[smem:$0x3F99] =	sst s1;
	(tag) =	ssettag s2;
	_ =	strace s9  }
0x27: {  	s1 =	sld [smem:$0x3FA9]  }
0x28: {  	s2 =	sld [smem:$0x3FAA]  }
0x29: {  	s4 =	sld [smem:$0x3FAC]  }
0x2a: {  	p0 =	seq.s32 s5, $0x0;
	s5 =	sld [smem:$0x3FAD]  }
0x2b: {  	s6 =	sld [smem:$0x3FAE]  }
0x2c: {  	s7 =	sld [smem:$0x3FAF]  }
0x2d: {  	s3 =	simm.s32 $0x108;
	s8 =	sld [smem:$0x3FB0]  }
0x2e: {  	s3 =	simm.s32 @!p0 $0x1082;
	s9 =	sld [smem:$0x3FB1]  }
0x2f: {  	lr =	sadd.s32 s0, s3;
	s0 =	sld [smem:$0x3FA8]  }
0x30: {  	s3 =	sld [smem:$0x3FAB]  }
0x31: {  	[smem:$0x3FB4] =	sst s10  }
0x32: {  	s10 =	sld [smem:$0x3FB2];
	_ =	sdelay $0x3  }
0x33: {  	p0 =	seq.s32 s10, $0x1;
	s10 =	sld [smem:$0x3FB4];
	_ =	sdelay $0x3  }
0x34: {  	[smem:$0x3FB4] =	sst s10  }
0x35: {  	s10 =	sld [smem:$0x3FB3];
	_ =	sdelay $0x3  }
0x36: {  	p1 =	seq.s32 s10, $0x1;
	s10 =	sld [smem:$0x3FB4];
	_ =	sdelay $0x3  }
0x37: {  	[smem:$0x3FB4] =	sst s10  }
0x38: {  	s10 =	sld [smem:$0x3FB5]  }
0x39: {  	_ = 	snop;
	(pc) =	sbr.ind lr, $3  }
0x3a: {  	_ = 	snop  }
0x3b: {  	_ = 	snop  }
0x3c: {  	p2 =	seq.s32 s10, $0x1;
	s10 =	sld [smem:$0x3FB4]  }
0x3d: {  	_ =	shalt  }
0x3e: {  	_ =	shalt  }
0x3f: {  	_ =	shalt  }
0x40: {  	_ =	shalt  }
0x41: {  	_ =	shalt  }
0x42: {  	_ =	shalt  }
0x43: {  	_ =	shalt  }
0x44: {  	_ =	shalt  }
0x45: {  	_ =	shalt  }
0x46: {  	_ =	shalt  }
0x47: {  	_ =	shalt  }
0x48: {  	_ =	shalt  }
0x49: {  	_ =	shalt  }
0x4a: {  	_ =	shalt  }
0x4b: {  	_ =	shalt  }
0x4c: {  	_ =	shalt  }
0x4d: {  	_ =	shalt  }
0x4e: {  	_ =	shalt  }
0x4f: {  	_ =	shalt  }
0x50: {  	_ =	shalt  }
0x51: {  	_ =	shalt  }
0x52: {  	_ =	shalt  }
0x53: {  	_ =	shalt  }
0x54: {  	_ =	shalt  }
0x55: {  	_ =	shalt  }
0x56: {  	_ =	shalt  }
0x57: {  	_ =	shalt  }
0x58: {  	_ =	shalt  }
0x59: {  	_ =	shalt  }
0x5a: {  	_ =	shalt  }
0x5b: {  	_ =	shalt  }
0x5c: {  	_ =	shalt  }
0x5d: {  	_ =	shalt  }
0x5e: {  	_ =	shalt  }
0x5f: {  	_ =	shalt  }
0x60: {  	_ =	shalt  }
0x61: {  	_ =	shalt  }
0x62: {  	_ =	shalt  }
0x63: {  	_ =	shalt  }
0x64: {  	_ =	shalt  }
0x65: {  	_ =	shalt  }
0x66: {  	_ =	shalt  }
0x67: {  	_ =	shalt  }
0x68: {  	_ =	shalt  }
0x69: {  	_ =	shalt  }
0x6a: {  	_ =	shalt  }
0x6b: {  	_ =	shalt  }
0x6c: {  	_ =	shalt  }
0x6d: {  	_ =	shalt  }
0x6e: {  	_ =	shalt  }
0x6f: {  	_ =	shalt  }
0x70: {  	_ =	shalt  }
0x71: {  	_ =	shalt  }
0x72: {  	_ =	shalt  }
0x73: {  	_ =	shalt  }
0x74: {  	_ =	shalt  }
0x75: {  	_ =	shalt  }
0x76: {  	_ =	shalt  }
0x77: {  	_ =	shalt  }
0x78: {  	_ =	shalt  }
0x79: {  	_ =	shalt  }
0x7a: {  	_ =	shalt  }
0x7b: {  	_ =	shalt  }
0x7c: {  	_ =	shalt  }
0x7d: {  	_ =	shalt  }
0x7e: {  	_ =	shalt  }
0x7f: {  	_ =	shalt  }
0x80: {  	_ =	shalt  }
0x81: {  	_ =	shalt  }
0x82: {  	_ =	shalt  }
0x83: {  	_ =	shalt  }
0x84: {  	_ =	shalt  }
0x85: {  	_ =	shalt  }
0x86: {  	_ =	shalt  }
0x87: {  	_ =	shalt  }
.Lfunc_end0:
.L_simem_size_0:
called_computation_lowered:
.L_overlay_start_0:
0x88: {  	s2 =	sld [smem:$0x3FD9]  }
0x89: {  	s3 =	sld [smem:$0x3FFE];
	_ =	sdelay $0x1  }
0x8a: {  	s1 =	srdreg.scid  }
0x8b: {  	s0 =	sand.u32 $0x1, s1  }
0x8c: {  	s16 =	sshll.u32 s0, $0xA;
	s2 =	sadd.s32 s3, s2  }
0x8d: {  	s2 =	sadd.s32 s2, s16  }
0x8e: {  	[smem:$0x3FC0] =	sst s2  }
0x8f: {  	_ = 	snop  }
0x90: {  	(tm) =	ssettm $0x1  }
0x91: {  	s17 =	sld [smem:$0x3FFB];
	_ =	sdelay $0x3  }
0x92: {  	_ =	strace s17  }
0x93: {  	s2 =	sld [smem:$0x3FFC];
	_ =	sdelay $0x3  }
0x94: {  	_ =	strace s2  }
0x95: {  	s2 =	sld [smem:$0x3FFD];
	_ =	sdelay $0x3  }
0x96: {  	_ =	strace s2  }
0x97: {  	_ =	strace $0x8FFFFFFF  }
0x98: {  	s18 =	sld [smem:$0x3FDB];
	_ =	sdelay $0x1  }
0x99: {  	s19 =	simm.s32 $_scs_section_size  }
0x9a: {  	s4 =	simm.s32 $_size__tile_overlayer_lowered;
	s5 =	simm.s32 $_tile_overlayer_lowered  }
0x9b: {  	s22 =	simm.s32 $0x1BFF;
	s21 =	sshll.u32 s5, $0x1;
	s2 =	sadd.s32 s19, s18  }
0x9c: {  	s6 =	simm.s32 $0x0;
	s20 =	sshll.u32 s4, $0x1;
	s4 =	sadd.s32 s21, s2  }
0x9d: {  	[timem:s6], [sflag:s22] =	dma.local [hbm:s4], s20  }
0x9e: {  	_ =	swait.ge [sflag:s22], s20  }
0x9f: {  	s3 =	ssub.s32 $0x0, s20;
	[sflag:s22] =	ssyncset.done $0x0  }
0xa0: {  	[sflag:s22] =	ssyncadd.s32 s3;
	_ =	sdelay $0x1  }
0xa1: {  	s23 =	simm.s32 $0x1B8B  }
0xa2: {  	_ =	swait.ge [sflag:s23], $0x1  }
0xa3: {  	[sflag:s23] =	ssyncset.done $0x0  }
0xa4: {  	s25 =	simm.s32 $0x1B8E;
	s24 =	sld [smem:$0x3FFE];
	[sflag:s23] =	ssyncadd.s32 $0xFFFFFFFF  }
0xa5: {  	s26 =	simm.s32 $execute0_lowered;
	[smem:$0x3FD2] =	sst s25  }
0xa6: {  	s4 =	sshll.u32 s26, $0x1;
	_ =	strace $0x80000046;
	[dreg:$0x1] =	wrdreg $0xFFFFFFFF  }
0xa7: {  	s28 =	simm.s32 $_size_execute0_lowered;
	s2 =	sadd.s32 s2, s4;
	[dreg:$0x0] =	wrdreg $0x0  }
0xa8: {  	s4 =	sshll.u32 s28, $0x1;
	[dreg:$0x2] =	wrdreg s2  }
0xa9: {  	[dreg:$0x3] =	wrdreg s4  }
0xaa: {  	[dreg:$0x4] =	wrdreg $0xC0  }
0xab: {  	_ =	task [dreg:s6], $0x5FFFF  }
0xac: {  	[dreg:$0x1] =	wrdreg $0xFFFFFFFF  }
0xad: {  	[dreg:$0x0] =	wrdreg $0x60  }
0xae: {  	[dreg:$0x2] =	wrdreg s24  }
0xaf: {  	[dreg:$0x3] =	wrdreg $0x9  }
0xb0: {  	_ =	task.clear_ibuf [dreg:s6], $0x4FFFF;
	_ =	strace $0x90000046  }
0xb1: {  	s29 =	simm.s32 $0x9;
	_ =	strace $0x8000004F  }
0xb2: {  	_ =	swait.ge [sflag:s29], $0x1  }
0xb3: {  	[sflag:s29] =	ssyncadd.s32 $0xFFFFFFFF  }
0xb4: {  	_ =	strace $0x9000004F  }
0xb5: {  	_ =	sfence  }
0xb6: {  	s30 =	sld [smem:$0x0];
	_ =	sdelay $0x2  }
0xb7: {  	s31 =	sshll.u32 s1, $0xD;
	s1 =	sshrl.u32 s1, $0x2  }
0xb8: {  	s3 =	sand.u32 $0x4000, s31;
	s1 =	sadd.s32 s1, s30  }
0xb9: {  	s0 =	sor.u32 s3, s0;
	s1 =	sshll.u32 s1, $0x11  }
0xba: {  	s0 =	sor.u32 s1, s0  }
0xbb: {  	s0 =	sadd.s32 $0x8F2B, s0  }
0xbc: {  	[sflag:s0] =	ssyncadd.remote.s32 $0x1  }
0xbd: {  	_ =	sfence.sel $0xFFFF  }
0xbe: {  	[dreg:$0x0] =	wrdreg $0xFFFFFFFF;
	(pc) =	sbr.abs _section_cstart, $3  }
0xbf: {  	[dreg:$0x1] =	wrdreg $0xFFFFFFFF  }
0xc0: {  	_ =	task.clear_ibuf [dreg:s6], $0x2FFFF;
	_ =	strace $0x9FFFFFFF  }
0xc1: {  	(tm) =	ssettm $0x7FFFFFFF  }
tec
execute0_lowered:
.L_overlay_start_1:
0x0: {  	(tag) =	ssettag $0x1  }
0x1: {  	s4 =	rddreg [dreg:$0x0];
	s1 =	srdreg.scid  }
0x2: {  	s0 =	rddreg [dreg:$0x1];
	s2 =	simm.s32 $0x0;
	s9 =	simm.s32 $0x1  }
0x3: {  	s10 =	simm.s32 $0x80;
	s11 =	simm.s32 $0x0;
	s5 =	sand.u32 $0x1, s1  }
0x4: {  	s1 =	stileid.u32;
	[smem:$0x7FF] =	sst s2;
	s3 =	sshll.u32 s5, $0x4  }
0x5: {  	s6 =	sadd.s32 $0x8000, s4;
	s8 =	sadd.s32 $0x2F200, s4;
	s3 =	sor.u32 s1, s3  }
0x6: {  	_ =	strace $0x80000047;
	[dreg:$0x2] =	wrdreg s6;
	s7 =	smul.u32 $0x27, s3  }
0x7: {  	s4 =	sadd.s32 $0x3000, s4;
	[dreg:$0x4] =	wrdreg s8;
	s6 =	smul.u32 $0x28, s3  }
0x8: {  	s29 =	ssub.s32 $0x2, s5;
	p0 =	slt.u32 s3, $0x2;
	s3 =	sadd.s32 $0x2, s7  }
0x9: {  	s5 =	simm.s32 $0x28;
	[dreg:$0x3] =	wrdreg s10;
	s3 =	smov.u32 @p0 s6  }
0xa: {  	s10 =	simm.s32 $0x5;
	s31 =	sshrl.u32 s29, $0x1;
	s30 =	sshll.u32 s3, $0x4  }
0xb: {  	s8 =	ssub.s32 s29, s31;
	s5 =	simm.s32 @!p0 $0x27;
	s7 =	sand.u32 $0x1FFFFFF0, s30  }
0xc: {  	s8 =	smax.u32 s8, $0x1;
	s6 =	sadd.s32 s4, s7;
	s7 =	sadd.s32 $0xFFFFFFFF, s5  }
.LBB2_1:
0xd: {  	_ =	strace $0x80000048;
	p2 =	sne.s32 s5, $0x1  }
.Ltmp0:
0xe: {  	p0 =	seq.s32 s5, $0x1;
	s13 =	simm.s32 $0x1;
	(pc) =	sbr.rel @!p2 .LBB2_2-.Ltmp0, $4  }
0xf: {  	[tilespmem:s2], [sflag:$0x1] =	stream.linear.gather [hbm4b:s6+s2], $0x80, $0x200038;
	[tilespmem:$0x8100] =	vst v63  }
0x10: {  	s12 =	simm.s32 $0x1;
	p1 =	por $0x1, $0x1;
	s13 =	simm.s32 @p0 $0x0  }
0x11: {  	p6 =	sgt.u32 s7, $0x0;
	p4 =	por p1, p1;
	p3 =	sne.s32 s13, $0x0  }
0x12: {  	_ =	strace $0x90000048;
	p5 =	por !p6, !p3;
	p6 =	por $0x0, $0x0  }
0x13: {  	p2 =	por !p5, !p5  }
0x14: {  	s21 =	sand.u32 $0x1, s2;
	s19 =	simm.s32 $0x2;
	s14 =	sadd.s32 @p2 s3, s13  }
0x15: {  	p1 =	por p3, p3;
	s15 =	sand.u32 @p2 $0x1, s9;
	s14 =	sshll.u32 @p2 s14, $0x4  }
0x16: {  	_ =	strace @p2 $0x80000049;
	s17 =	simm.s32 @p2 $0x0;
	s14 =	sand.u32 @p2 $0x1FFFFFF0, s14  }
0x17: {  	s16 =	sshll.u32 @p2 s15, $0x7;
	s15 =	sadd.s32 @p2 $0x1, s15;
	s14 =	sadd.s32 @p2 s4, s14  }
0x18: {  	[tilespmem:s16], [sflag:s15] =	stream.linear.gather @p2 [hbm4b:s14+s17], $0x80, $0x200038;
	[tilespmem:$0x8100] =	vst v63  }
0x19: {  	s30 =	simm.s32 $0x0;
	p6 =	por $0x0, $0x0;
	_ =	strace @p2 $0x90000049  }
0x1a: {  	p0 =	sne.s32 s5, $0x2;
	s29 =	sadd.s32 $0x1, s21;
	_ =	strace $0x8000004A  }
0x1b: {  	s24 =	sadd.s32 $0x0, s3;
	p5 =	sgt.u32 s7, $0x1;
	_ =	swait.ge [sflag:s29], $0x80  }
0x1c: {  	s23 =	simm.s32 $0x1;
	s22 =	sshll.u32 s21, $0xE;
	[sflag:s29] =	ssyncset.done $0x0  }
0x1d: {  	s22 =	sor.u32 $0x100, s22;
	s16 =	sand.u32 @!p4 $0x1, s2;
	[sflag:s29] =	ssyncadd.s32 $0xFFFFFF80  }
0x1e: {  	s15 =	simm.s32 $0x1;
	s17 =	sadd.s32 $0x1, s13;
	_ =	strace $0x9000004A  }
0x1f: {  	s14 =	sand.u32 $0x80, s30;
	s15 =	simm.s32 @!p2 $0x0;
	_ =	strace $0x8000004B  }
0x20: {  	p2 =	por p4, p4;
	p4 =	por p6, p6;
	s20 =	rddreg [dreg:$0x3]  }
0x21: {  	p3 =	seq.s32 s17, s5;
	p6 =	seq.s32 s7, $0x0;
	s31 =	rddreg [dreg:$0x2]  }
0x22: {  	[tilespmem:s22], [sflag:$0x5] =	stream.indirect.gather [hbm4b:s31+s20], $0x80, s14, s20, $0x2000b8;
	[tilespmem:$0x8100] =	vst v63  }
.Ltmp1:
0x23: {  	s18 =	sadd.s32 $0x1, s15;
	s17 =	simm.s32 @p3 $0x0;
	(pc) =	sbr.rel @!p0 .LBB2_4-.Ltmp1, $4  }
0x24: {  	p1 =	por p6, p1;
	p6 =	por $0x0, $0x0;
	_ =	swait.ge [sflag:s10], $0x4000  }
0x25: {  	s15 =	simm.s32 $0x0;
	p3 =	sne.s32 s13, s17;
	[sflag:s10] =	ssyncset.done $0x0  }
0x26: {  	s23 =	simm.s32 @!p6 $0x0;
	p5 =	por !p5, !p3;
	[sflag:s10] =	ssyncadd.s32 $0xFFFFC000  }
0x27: {  	s14 =	simm.s32 $0x0;
	s20 =	simm.s32 $0x0;
	_ =	strace $0x9000004B  }
.LBB2_5:
0x28: {  	_ =	strace @p1 $0x8000004C;
	s14 =	sadd.s32 s23, s14;
	s23 =	smov.u32 s12  }
0x29: {  	s12 =	smov.u32 s19;
	s19 =	sadd.s32 $0x1, s19;
	p0 =	por p3, p3  }
0x2a: {  	s29 =	sshll.u32 @p1 s24, $0xB;
	s21 =	sadd.s32 @p1 $0x3, s21;
	s25 =	simm.s32 @!p0 $0x0  }
0x2b: {  	s26 =	rddreg [dreg:$0x4];
	s29 =	sand.u32 @p1 $0x1FFFF800, s29;
	s25 =	simm.s32 @p0 $0x1  }
0x2c: {  	s26 =	sadd.s32 @p1 s26, s29;
	s29 =	simm.s32 @p1 $0x0;
	p0 =	sne.s32 s5, s19  }
0x2d: {  	[hbm4b:s26+s29] =	stream.linear.scatter @p1 [tilespmem:s22], [sflag:s21], $0x4000, $0x200038;
	[tilespmem:$0x8100] =	vst v63  }
0x2e: {  	s21 =	sadd.s32 @!p2 $0x3, s16;
	s16 =	simm.s32 @!p0 $0x0  }
0x2f: {  	s28 =	simm.s32 $0x1;
	[smem:$0x7FC] =	sst s25;
	s16 =	simm.s32 @p0 $0x1  }
0x30: {  	s28 =	simm.s32 @!p1 $0x0;
	_ =	strace @p1 $0x9000004C;
	[smem:$0x7FD] =	sst s16  }
0x31: {  	s20 =	sadd.s32 s28, s20;
	s25 =	sand.u32 @!p4 $0x1, s14;
	_ =	strace @!p2 $0x8000004D  }
0x32: {  	p1 =	por !p5, !p5;
	s16 =	smov.u32 s25;
	_ =	swait.ge @!p2 [sflag:s21], $0x4000  }
0x33: {  	s22 =	sand.u32 @p1 $0x1, s18;
	s25 =	sadd.s32 @p1 s3, s17;
	[sflag:s21] =	ssyncset.done @!p2 $0x0  }
0x34: {  	s26 =	sshll.u32 @p1 s22, $0x7;
	s25 =	sshll.u32 @p1 s25, $0x4;
	[sflag:s21] =	ssyncadd.s32 @!p2 $0xFFFFC000  }
0x35: {  	s21 =	sadd.s32 @p1 $0x1, s22;
	s22 =	sand.u32 @p1 $0x1FFFFFF0, s25;
	_ =	strace @!p2 $0x9000004D  }
0x36: {  	s25 =	simm.s32 @p1 $0x0;
	s22 =	sadd.s32 @p1 s4, s22;
	_ =	strace @p1 $0x80000049  }
0x37: {  	[tilespmem:s26], [sflag:s21] =	stream.linear.gather @p1 [hbm4b:s22+s25], $0x80, $0x200038;
	[tilespmem:$0x8100] =	vst v63  }
0x38: {  	s15 =	sadd.s32 s28, s15;
	s28 =	sand.u32 $0x1, s20;
	_ =	strace @p1 $0x90000049  }
0x39: {  	s28 =	sadd.s32 $0x1, s28;
	_ =	strace $0x8000004A  }
0x3a: {  	_ =	swait.ge [sflag:s28], $0x80  }
0x3b: {  	[sflag:s28] =	ssyncset.done $0x0  }
0x3c: {  	s21 =	simm.s32 $0x1;
	[sflag:s28] =	ssyncadd.s32 $0xFFFFFF80  }
0x3d: {  	s21 =	simm.s32 @!p1 $0x0;
	_ =	strace $0x9000004A  }
0x3e: {  	s18 =	sadd.s32 s21, s18;
	s21 =	sand.u32 $0x1, s15;
	_ =	strace $0x8000004B  }
0x3f: {  	s31 =	sshll.u32 s20, $0x7;
	s29 =	sshll.u32 s21, $0xE;
	s25 =	rddreg [dreg:$0x3]  }
0x40: {  	s31 =	sand.u32 $0x80, s31;
	s22 =	sor.u32 $0x100, s29;
	s26 =	rddreg [dreg:$0x2]  }
0x41: {  	[tilespmem:s22], [sflag:$0x5] =	stream.indirect.gather [hbm4b:s26+s25], $0x80, s31, s25, $0x2000b8;
	[tilespmem:$0x8100] =	vst v63  }
0x42: {  	_ =	swait.ge [sflag:s10], $0x4000  }
0x43: {  	[sflag:s10] =	ssyncset.done $0x0  }
0x44: {  	[sflag:s10] =	ssyncadd.s32 $0xFFFFC000  }
0x45: {  	s30 =	sadd.s32 $0x1, s17;
	_ =	strace $0x9000004B  }
0x46: {  	s24 =	sadd.s32 s3, s13;
	s13 =	smov.u32 s17;
	s31 =	sld [smem:$0x7FD]  }
0x47: {  	p0 =	sne.s32 s23, $0x0;
	s17 =	smov.u32 s30;
	p1 =	seq.s32 s30, s5  }
0x48: {  	s17 =	simm.s32 @p1 $0x0;
	p1 =	seq.s32 s7, s23;
	s23 =	simm.s32 $0x1  }
0x49: {  	s23 =	simm.s32 @!p0 $0x0;
	p0 =	seq.s32 s31, $0x1  }
.Ltmp2:
0x4a: {  	s30 =	sld [smem:$0x7FC];
	(pc) =	sbr.rel @p0 .LBB2_5-.Ltmp2, $4  }
0x4b: {  	p3 =	seq.s32 s12, $0x0  }
0x4c: {  	p6 =	por p3, p3;
	p5 =	slt.u32 s12, s7  }
0x4d: {  	p2 =	por p4, p4;
	p3 =	sne.s32 s13, s17;
	p4 =	seq.s32 s30, $0x1  }
0x4e: {  	p5 =	por !p5, !p3;
	p1 =	por p1, p4;
	p4 =	por p6, p6  }
0x4f: {  	p6 =	por $0x1, $0x1  }
.LBB2_7:
0x50: {  	p0 =	por !p1, !p6  }
0x51: {  	s25 =	simm.s32 $0x1;
	_ =	strace @!p0 $0x8000004C;
	s24 =	sshll.u32 @!p0 s24, $0xB  }
0x52: {  	p2 =	por p2, !p6;
	s19 =	rddreg [dreg:$0x4];
	s24 =	sand.u32 @!p0 $0x1FFFF800, s24  }
0x53: {  	s21 =	sadd.s32 @!p0 $0x3, s21;
	s19 =	sadd.s32 @!p0 s19, s24;
	s24 =	simm.s32 @!p0 $0x0  }
0x54: {  	[hbm4b:s19+s24] =	stream.linear.scatter @!p0 [tilespmem:s22], [sflag:s21], $0x4000, $0x200038;
	[tilespmem:$0x8100] =	vst v63  }
0x55: {  	p1 =	por !p5, !p5;
	s25 =	simm.s32 @p0 $0x0;
	_ =	strace @!p0 $0x9000004C  }
0x56: {  	s16 =	sadd.s32 @!p2 $0x3, s16;
	s17 =	sadd.s32 @p1 s3, s17;
	_ =	strace @!p2 $0x8000004D  }
0x57: {  	s18 =	sand.u32 @p1 $0x1, s18;
	s17 =	sshll.u32 @p1 s17, $0x4;
	_ =	swait.ge @!p2 [sflag:s16], $0x4000  }
0x58: {  	s17 =	sand.u32 @p1 $0x1FFFFFF0, s17;
	s19 =	sadd.s32 @p6 s25, s20;
	[sflag:s16] =	ssyncset.done @!p2 $0x0  }
0x59: {  	s20 =	simm.s32 $0x0;
	s17 =	sadd.s32 @p1 s4, s17;
	[sflag:s16] =	ssyncadd.s32 @!p2 $0xFFFFC000  }
0x5a: {  	s20 =	smov.u32 @p6 s19;
	s19 =	sshll.u32 @p1 s18, $0x7;
	_ =	strace @!p2 $0x9000004D  }
0x5b: {  	s16 =	sadd.s32 @p1 $0x1, s18;
	s18 =	simm.s32 @p1 $0x0;
	_ =	strace @p1 $0x80000049  }
0x5c: {  	[tilespmem:s19], [sflag:s16] =	stream.linear.gather @p1 [hbm4b:s17+s18], $0x80, $0x200038;
	[tilespmem:$0x8100] =	vst v63  }
0x5d: {  	s26 =	sand.u32 $0x1, s20;
	_ =	strace @p1 $0x90000049  }
0x5e: {  	s16 =	sadd.s32 $0x1, s26;
	_ =	strace $0x8000004A  }
0x5f: {  	_ =	swait.ge [sflag:s16], $0x80  }
0x60: {  	[sflag:s16] =	ssyncset.done $0x0  }
0x61: {  	s15 =	sadd.s32 @p6 s25, s15;
	[sflag:s16] =	ssyncadd.s32 $0xFFFFFF80;
	s16 =	simm.s32 $0x0  }
0x62: {  	_ =	strace $0x9000004A;
	s16 =	smov.u32 @p6 s15  }
0x63: {  	_ =	strace $0x8000004B;
	s16 =	sand.u32 $0x1, s16  }
0x64: {  	s30 =	sshll.u32 s20, $0x7;
	s28 =	rddreg [dreg:$0x3];
	s31 =	sshll.u32 s16, $0xE  }
0x65: {  	s18 =	sand.u32 $0x80, s30;
	s29 =	rddreg [dreg:$0x2];
	s19 =	sor.u32 $0x100, s31  }
0x66: {  	[tilespmem:s19], [sflag:$0x5] =	stream.indirect.gather [hbm4b:s29+s28], $0x80, s18, s28, $0x2000b8;
	[tilespmem:$0x8100] =	vst v63  }
0x67: {  	_ =	swait.ge [sflag:s10], $0x4000  }
0x68: {  	p3 =	por p3, p3;
	[sflag:s10] =	ssyncset.done $0x0  }
0x69: {  	p5 =	seq.s32 s7, s12;
	s13 =	sadd.s32 s3, s13;
	[sflag:s10] =	ssyncadd.s32 $0xFFFFC000  }
0x6a: {  	s14 =	sadd.s32 @p6 s23, s14;
	p1 =	por p5, p3;
	_ =	strace $0x9000004B  }
0x6b: {  	s17 =	simm.s32 $0x0;
	s13 =	sshll.u32 @p1 s13, $0xB;
	_ =	strace @p1 $0x8000004C  }
0x6c: {  	s17 =	smov.u32 @p6 s14;
	s13 =	sand.u32 @p1 $0x1FFFF800, s13;
	s15 =	rddreg [dreg:$0x4]  }
0x6d: {  	s14 =	sadd.s32 @p1 $0x3, s16;
	s13 =	sadd.s32 @p1 s15, s13;
	s15 =	simm.s32 @p1 $0x0  }
0x6e: {  	[hbm4b:s13+s15] =	stream.linear.scatter @p1 [tilespmem:s19], [sflag:s14], $0x4000, $0x200038;
	[tilespmem:$0x8100] =	vst v63  }
0x6f: {  	p0 =	por p4, p4;
	s13 =	sand.u32 @!p4 $0x1, s17;
	_ =	strace @p1 $0x9000004C  }
0x70: {  	s13 =	sadd.s32 @!p0 $0x3, s13;
	_ =	strace @!p0 $0x8000004D  }
0x71: {  	p1 =	sne.s32 s12, $0x0;
	s12 =	simm.s32 $0x1;
	_ =	swait.ge @!p0 [sflag:s13], $0x4000  }
0x72: {  	s12 =	simm.s32 @!p1 $0x0;
	[sflag:s13] =	ssyncset.done @!p0 $0x0  }
0x73: {  	s11 =	sadd.s32 $0x1, s11;
	s12 =	sadd.s32 s12, s17;
	[sflag:s13] =	ssyncadd.s32 @!p0 $0xFFFFC000  }
0x74: {  	s12 =	sand.u32 $0x1, s12;
	_ =	strace @!p0 $0x9000004D;
	p0 =	sne.s32 s11, s8  }
.Ltmp3:
0x75: {  	s12 =	sadd.s32 $0x3, s12;
	_ =	strace $0x8000004E;
	(pc) =	sbr.rel @p0 .LBB2_1-.Ltmp3, $4  }
.Ltmp4:
0x76: {  	_ =	swait.ge [sflag:s12], $0x4000;
	(pc) =	sbr.rel @!p0 .LBB2_8-.Ltmp4, $4  }
0x77: {  	[sflag:s12] =	ssyncset.done $0x0  }
0x78: {  	[sflag:s12] =	ssyncadd.s32 $0xFFFFC000  }
0x79: {  	_ =	strace $0x9000004E  }
0x7a: {  	_ = 	snop  }
.LBB2_2:
.Ltmp5:
0x7b: {  	(pc) =	sbr.rel .LBB2_7-.Ltmp5, $4  }
0x7c: {  	_ = 	snop  }
0x7d: {  	s14 =	simm.s32 $0x0  }
0x7e: {  	s12 =	simm.s32 $0x0;
	s15 =	simm.s32 $0x0;
	s17 =	smov.u32 s13  }
0x7f: {  	s20 =	simm.s32 $0x0;
	s18 =	simm.s32 $0x1;
	s13 =	simm.s32 $0x0  }
.LBB2_4:
.Ltmp6:
0x80: {  	(pc) =	sbr.rel .LBB2_7-.Ltmp6, $3  }
0x81: {  	_ =	sdelay $0x1  }
0x82: {  	s14 =	simm.s32 $0x0  }
0x83: {  	s15 =	simm.s32 $0x0;
	s20 =	simm.s32 $0x0;
	p6 =	por $0x1, $0x1  }
.LBB2_8:
0x84: {  	_ =	sfence.sel $0x180000  }
0x85: {  	[bflag:$0x0] =	sbarrier.arrive $0xFFFF  }
0x86: {  	p0 =	sne.s32 s1, $0x0;
	_ =	strace $0x90000047  }
0x87: {  	s0 =	sadd.s32 @!p0 $0x100000, s0;
	[bflag:$0x2] =	sbarrier.arrive $0xFFFF  }
0x88: {  	[sflag:s0] =	ssyncadd.tile.s32 @!p0 $0x1;
	_ =	shalt  }
.Lfunc_end2:
_tile_overlayer_lowered:
.L_overlay_start_2:
0x89: {  	(tag) =	ssettag $0x2  }
0x8a: {  	s0 =	rddreg [dreg:$0x0];
	s2 =	stileid.u32  }
0x8b: {  	s1 =	rddreg [dreg:$0x1];
	p0 =	sne.s32 s2, $0x0  }
0x8c: {  	s3 =	rddreg [dreg:$0x2];
	[bflag:$0x3] =	sbarrier.arrive $0xFFFF;
	s2 =	simm.s32 @!p0 $0x1C01  }
0x8d: {  	[timem:s3], [sflag:s2] =	dma.local @!p0 [hbm:s0], s1  }
0x8e: {  	s0 =	simm.s32 @!p0 $0x1  }
0x8f: {  	_ =	swait.ge @!p0 [sflag:s0], s1  }
0x90: {  	s1 =	ssub.s32 @!p0 $0x0, s1;
	[sflag:s0] =	ssyncset.done @!p0 $0x0  }
0x91: {  	[sflag:s0] =	ssyncadd.s32 @!p0 s1  }
0x92: {  	[bflag:$0x3] =	sbarrier.arrive $0xFFFF  }
0x93: {  	_ =	shalt  }

// kernel: kernel.9.cloned.1.call-start
scs
__scs_entry_jumppad:
0x0: {  	(pc) =	sbr.rel $0x88, $3  }
0x1: {  	(tag) =	ssettag $0x0;
	lr =	simm.s32 $0x1  }
0x2: {  	[smem:$0x3F99] =	sst lr;
	_ =	strace $0xD0000000  }
0x3: {  	_ = 	snop  }
0x4: {  	_ = 	snop  }
0x5: {  	_ = 	snop  }
0x6: {  	_ = 	snop  }
0x7: {  	_ = 	snop  }
__scs_overlays_trampoline_lowered:
0x8: {  	[smem:$0x3FA8] =	sst s0  }
0x9: {  	[smem:$0x3FA9] =	sst s1  }
0xa: {  	[smem:$0x3FAA] =	sst s2  }
0xb: {  	[smem:$0x3FAB] =	sst s3  }
0xc: {  	[smem:$0x3FAC] =	sst s4  }
0xd: {  	[smem:$0x3FAD] =	sst s5  }
0xe: {  	[smem:$0x3FAE] =	sst s6  }
0xf: {  	[smem:$0x3FAF] =	sst s7  }
0x10: {  	[smem:$0x3FB0] =	sst s8  }
0x11: {  	[smem:$0x3FB1] =	sst s9;
	s0 =	simm.s32 @!p0 $0x0  }
0x12: {  	s1 =	sld [smem:$0x3F97];
	s0 =	simm.s32 @p0 $0x1  }
0x13: {  	[smem:$0x3FB2] =	sst s0;
	s0 =	simm.s32 @!p1 $0x0  }
0x14: {  	s2 =	sld [smem:$0x3F96];
	s0 =	simm.s32 @p1 $0x1  }
0x15: {  	[smem:$0x3FB3] =	sst s0;
	s0 =	simm.s32 @!p2 $0x0  }
0x16: {  	s3 =	sld [smem:$0x3FDB];
	s0 =	simm.s32 @p2 $0x1  }
0x17: {  	s4 =	simm.s32 $0x1BF5;
	[smem:$0x3FB5] =	sst s0  }
0x18: {  	s0 =	sld [smem:$0x3F98];
	_ =	swait.ge [sflag:s4], $0x0  }
0x19: {  	s7 =	sld [smem:$0x3F99]  }
0x1a: {  	s8 =	sadd.s32 $0xFFFFE003, lr  }
0x1b: {  	s9 =	sadd.s32 $0xFFFFFEF7, lr;
	s5 =	simm.s32 $0xFFFFFFFF;
	p2 =	slt.u32 s8, $0xFFFFF086  }
0x1c: {  	p1 =	slt.u32 s9, $0xF7A;
	s5 =	simm.s32 @!p2 $0x0  }
0x1d: {  	s5 =	simm.s32 @p1 $0x1;
	p0 =	seq.s32 s7, s2  }
0x1e: {  	s7 =	smul.u32 @!p0 $0xF7A, s2;
	p2 =	seq.s32 @!p0 s5, $0x0  }
0x1f: {  	s9 =	smul.u32 $0xF7A, s1;
	s8 =	simm.s32 @!p0 $0x1BF5;
	p2 =	por !p2, p0  }
0x20: {  	[sflag:s8] =	ssyncset.s32 @!p0 $0xFFFFF086;
	s6 =	sadd.s32 @!p0 s3, s7;
	s7 =	simm.s32 @!p0 $0x108  }
0x21: {  	s3 =	sadd.s32 s3, s9;
	s6 =	sadd.s32 @!p0 $0x88, s6;
	s7 =	simm.s32 @p2 $0x1082  }
0x22: {  	[simem:s7], [sflag:s8] =	dma.local @!p0 [hbm:s6], $0xF7A  }
0x23: {  	s9 =	sor.u32 $0xD0000000, s2;
	s6 =	simm.s32 $0x108;
	_ =	swait.ge @!p0 [sflag:s8], $0x0  }
0x24: {  	s3 =	sadd.s32 $0x88, s3;
	s6 =	simm.s32 @!p1 $0x1082;
	[sflag:s4] =	ssyncset.s32 $0xFFFFF086  }
0x25: {  	[simem:s6], [sflag:s4] =	dma.local [hbm:s3], $0xF7A  }
0x26: {  	[smem:$0x3F99] =	sst s1;
	(tag) =	ssettag s2;
	_ =	strace s9  }
0x27: {  	s1 =	sld [smem:$0x3FA9]  }
0x28: {  	s2 =	sld [smem:$0x3FAA]  }
0x29: {  	s4 =	sld [smem:$0x3FAC]  }
0x2a: {  	p0 =	seq.s32 s5, $0x0;
	s5 =	sld [smem:$0x3FAD]  }
0x2b: {  	s6 =	sld [smem:$0x3FAE]  }
0x2c: {  	s7 =	sld [smem:$0x3FAF]  }
0x2d: {  	s3 =	simm.s32 $0x108;
	s8 =	sld [smem:$0x3FB0]  }
0x2e: {  	s3 =	simm.s32 @!p0 $0x1082;
	s9 =	sld [smem:$0x3FB1]  }
0x2f: {  	lr =	sadd.s32 s0, s3;
	s0 =	sld [smem:$0x3FA8]  }
0x30: {  	s3 =	sld [smem:$0x3FAB]  }
0x31: {  	[smem:$0x3FB4] =	sst s10  }
0x32: {  	s10 =	sld [smem:$0x3FB2];
	_ =	sdelay $0x3  }
0x33: {  	p0 =	seq.s32 s10, $0x1;
	s10 =	sld [smem:$0x3FB4];
	_ =	sdelay $0x3  }
0x34: {  	[smem:$0x3FB4] =	sst s10  }
0x35: {  	s10 =	sld [smem:$0x3FB3];
	_ =	sdelay $0x3  }
0x36: {  	p1 =	seq.s32 s10, $0x1;
	s10 =	sld [smem:$0x3FB4];
	_ =	sdelay $0x3  }
0x37: {  	[smem:$0x3FB4] =	sst s10  }
0x38: {  	s10 =	sld [smem:$0x3FB5]  }
0x39: {  	_ = 	snop;
	(pc) =	sbr.ind lr, $3  }
0x3a: {  	_ = 	snop  }
0x3b: {  	_ = 	snop  }
0x3c: {  	p2 =	seq.s32 s10, $0x1;
	s10 =	sld [smem:$0x3FB4]  }
0x3d: {  	_ =	shalt  }
0x3e: {  	_ =	shalt  }
0x3f: {  	_ =	shalt  }
0x40: {  	_ =	shalt  }
0x41: {  	_ =	shalt  }
0x42: {  	_ =	shalt  }
0x43: {  	_ =	shalt  }
0x44: {  	_ =	shalt  }
0x45: {  	_ =	shalt  }
0x46: {  	_ =	shalt  }
0x47: {  	_ =	shalt  }
0x48: {  	_ =	shalt  }
0x49: {  	_ =	shalt  }
0x4a: {  	_ =	shalt  }
0x4b: {  	_ =	shalt  }
0x4c: {  	_ =	shalt  }
0x4d: {  	_ =	shalt  }
0x4e: {  	_ =	shalt  }
0x4f: {  	_ =	shalt  }
0x50: {  	_ =	shalt  }
0x51: {  	_ =	shalt  }
0x52: {  	_ =	shalt  }
0x53: {  	_ =	shalt  }
0x54: {  	_ =	shalt  }
0x55: {  	_ =	shalt  }
0x56: {  	_ =	shalt  }
0x57: {  	_ =	shalt  }
0x58: {  	_ =	shalt  }
0x59: {  	_ =	shalt  }
0x5a: {  	_ =	shalt  }
0x5b: {  	_ =	shalt  }
0x5c: {  	_ =	shalt  }
0x5d: {  	_ =	shalt  }
0x5e: {  	_ =	shalt  }
0x5f: {  	_ =	shalt  }
0x60: {  	_ =	shalt  }
0x61: {  	_ =	shalt  }
0x62: {  	_ =	shalt  }
0x63: {  	_ =	shalt  }
0x64: {  	_ =	shalt  }
0x65: {  	_ =	shalt  }
0x66: {  	_ =	shalt  }
0x67: {  	_ =	shalt  }
0x68: {  	_ =	shalt  }
0x69: {  	_ =	shalt  }
0x6a: {  	_ =	shalt  }
0x6b: {  	_ =	shalt  }
0x6c: {  	_ =	shalt  }
0x6d: {  	_ =	shalt  }
0x6e: {  	_ =	shalt  }
0x6f: {  	_ =	shalt  }
0x70: {  	_ =	shalt  }
0x71: {  	_ =	shalt  }
0x72: {  	_ =	shalt  }
0x73: {  	_ =	shalt  }
0x74: {  	_ =	shalt  }
0x75: {  	_ =	shalt  }
0x76: {  	_ =	shalt  }
0x77: {  	_ =	shalt  }
0x78: {  	_ =	shalt  }
0x79: {  	_ =	shalt  }
0x7a: {  	_ =	shalt  }
0x7b: {  	_ =	shalt  }
0x7c: {  	_ =	shalt  }
0x7d: {  	_ =	shalt  }
0x7e: {  	_ =	shalt  }
0x7f: {  	_ =	shalt  }
0x80: {  	_ =	shalt  }
0x81: {  	_ =	shalt  }
0x82: {  	_ =	shalt  }
0x83: {  	_ =	shalt  }
0x84: {  	_ =	shalt  }
0x85: {  	_ =	shalt  }
0x86: {  	_ =	shalt  }
0x87: {  	_ =	shalt  }
.Lfunc_end0:
.L_simem_size_0:
called_computation.1_lowered:
.L_overlay_start_0:
0x88: {  	s2 =	sld [smem:$0x3FD9]  }
0x89: {  	s3 =	sld [smem:$0x3FFE];
	_ =	sdelay $0x1  }
0x8a: {  	s1 =	srdreg.scid  }
0x8b: {  	s0 =	sand.u32 $0x1, s1  }
0x8c: {  	s17 =	sshll.u32 s0, $0xA;
	s2 =	sadd.s32 s3, s2  }
0x8d: {  	s2 =	sadd.s32 s2, s17  }
0x8e: {  	[smem:$0x3FC0] =	sst s2  }
0x8f: {  	_ = 	snop  }
0x90: {  	s2 =	sld [smem:$0x3FD0];
	(tm) =	ssettm $0x1  }
0x91: {  	s18 =	sld [smem:$0x3FFB];
	_ =	sdelay $0x3  }
0x92: {  	_ =	strace s18  }
0x93: {  	s3 =	sld [smem:$0x3FFC];
	_ =	sdelay $0x3  }
0x94: {  	_ =	strace s3  }
0x95: {  	s3 =	sld [smem:$0x3FFD];
	_ =	sdelay $0x3  }
0x96: {  	_ =	strace s3  }
0x97: {  	_ =	strace $0x8FFFFFFF  }
0x98: {  	s19 =	sld [smem:$0x3FDB];
	_ =	sdelay $0x1  }
0x99: {  	s4 =	simm.s32 $_scs_section_size  }
0x9a: {  	s5 =	simm.s32 $_size__tile_overlayer_lowered;
	s6 =	simm.s32 $_tile_overlayer_lowered  }
0x9b: {  	s22 =	simm.s32 $0x1BFF;
	s21 =	sshll.u32 s6, $0x1;
	s3 =	sadd.s32 s4, s19  }
0x9c: {  	s7 =	simm.s32 $0x0;
	s20 =	sshll.u32 s5, $0x1;
	s5 =	sadd.s32 s21, s3  }
0x9d: {  	[timem:s7], [sflag:s22] =	dma.local [hbm:s5], s20  }
0x9e: {  	_ =	swait.ge [sflag:s22], s20  }
0x9f: {  	s4 =	ssub.s32 $0x0, s20;
	[sflag:s22] =	ssyncset.done $0x0  }
0xa0: {  	[sflag:s22] =	ssyncadd.s32 s4;
	_ =	sdelay $0x1  }
0xa1: {  	s23 =	simm.s32 $0x1B8B  }
0xa2: {  	_ =	swait.ge [sflag:s23], $0x1  }
0xa3: {  	[sflag:s23] =	ssyncset.done $0x0  }
0xa4: {  	s25 =	simm.s32 $0x1B8E;
	s24 =	sld [smem:$0x3FFE];
	[sflag:s23] =	ssyncadd.s32 $0xFFFFFFFF  }
0xa5: {  	s26 =	simm.s32 $execute0_lowered;
	[smem:$0x3FD2] =	sst s25  }
0xa6: {  	s5 =	sshll.u32 s26, $0x1;
	_ =	strace $0x80000050;
	[dreg:$0x1] =	wrdreg $0xFFFFFFFF  }
0xa7: {  	s28 =	simm.s32 $_size_execute0_lowered;
	s3 =	sadd.s32 s3, s5;
	[dreg:$0x0] =	wrdreg $0x0  }
0xa8: {  	s5 =	sshll.u32 s28, $0x1;
	[dreg:$0x2] =	wrdreg s3  }
0xa9: {  	[dreg:$0x3] =	wrdreg s5  }
0xaa: {  	[dreg:$0x4] =	wrdreg $0xC0  }
0xab: {  	_ =	task [dreg:s7], $0x5FFFF  }
0xac: {  	[dreg:$0x1] =	wrdreg $0xFFFFFFFF  }
0xad: {  	[dreg:$0x0] =	wrdreg $0x60  }
0xae: {  	[dreg:$0x2] =	wrdreg s24  }
0xaf: {  	[dreg:$0x3] =	wrdreg s2  }
0xb0: {  	[dreg:$0x4] =	wrdreg $0x0  }
0xb1: {  	[dreg:$0x5] =	wrdreg $0x9  }
0xb2: {  	_ =	task.clear_ibuf [dreg:s7], $0x6FFFF;
	_ =	strace $0x90000050  }
0xb3: {  	s29 =	simm.s32 $0x9;
	_ =	strace $0x8000005A  }
0xb4: {  	_ =	swait.ge [sflag:s29], $0x1  }
0xb5: {  	[sflag:s29] =	ssyncadd.s32 $0xFFFFFFFF  }
0xb6: {  	_ =	strace $0x9000005A  }
0xb7: {  	_ =	sfence  }
0xb8: {  	s30 =	sld [smem:$0x0];
	_ =	sdelay $0x2  }
0xb9: {  	s31 =	sshll.u32 s1, $0xD;
	s1 =	sshrl.u32 s1, $0x2  }
0xba: {  	s3 =	sand.u32 $0x4000, s31;
	s1 =	sadd.s32 s1, s30  }
0xbb: {  	s0 =	sor.u32 s3, s0;
	s1 =	sshll.u32 s1, $0x11  }
0xbc: {  	s0 =	sor.u32 s1, s0  }
0xbd: {  	s0 =	sadd.s32 $0x8F2B, s0  }
0xbe: {  	[sflag:s0] =	ssyncadd.remote.s32 $0x1  }
0xbf: {  	_ =	sfence.sel $0xFFFF  }
0xc0: {  	[dreg:$0x0] =	wrdreg $0xFFFFFFFF;
	(pc) =	sbr.abs _section_cstart, $3  }
0xc1: {  	[dreg:$0x1] =	wrdreg $0xFFFFFFFF  }
0xc2: {  	_ =	task.clear_ibuf [dreg:s7], $0x2FFFF;
	_ =	strace $0x9FFFFFFF  }
0xc3: {  	(tm) =	ssettm $0x7FFFFFFF  }
tec
execute0_lowered:
.L_overlay_start_1:
0x0: {  	(tag) =	ssettag $0x1  }
0x1: {  	s0 =	rddreg [dreg:$0x0]  }
0x2: {  	s16 =	rddreg [dreg:$0x1]  }
0x3: {  	s1 =	rddreg [dreg:$0x2];
	s3 =	srdreg.scid  }
0x4: {  	s21 =	simm.s32 $0x0;
	s2 =	stileid.u32;
	s29 =	simm.s32 $0x28  }
0x5: {  	s26 =	simm.s32 $0x13880;
	s30 =	simm.s32 $0x1;
	s3 =	sand.u32 $0x1, s3  }
0x6: {  	[smem:$0x7FF] =	sst s21;
	s28 =	sadd.s32 $0x782200, s0;
	s15 =	smul.u32 $0x50000, s2  }
0x7: {  	s25 =	sadd.s32 $0x3000, s0;
	s5 =	sadd.s32 $0x8000, s0;
	s14 =	smul.u32 $0x2800, s2  }
0x8: {  	s4 =	sshll.u32 s3, $0x4;
	_ =	strace $0x80000051;
	[dreg:$0x9] =	wrdreg s5  }
0x9: {  	s9 =	ssub.s32 $0x2, s3;
	s12 =	smul.u32 $0x27100, s3;
	[dreg:$0x4] =	wrdreg s26  }
0xa: {  	s3 =	smul.u32 $0x138800, s3;
	[dreg:$0x5] =	wrdreg s30;
	s4 =	sor.u32 s2, s4  }
0xb: {  	s0 =	sadd.s32 $0x8600, s0;
	[dreg:$0x6] =	wrdreg s28;
	s8 =	smul.u32 $0x27, s4  }
0xc: {  	[dreg:$0x7] =	wrdreg s25;
	s11 =	sshrl.u32 s9, $0x1;
	s10 =	smul.u32 $0x28, s4  }
0xd: {  	p0 =	slt.u32 s4, $0x2;
	s9 =	ssub.s32 s9, s11;
	s22 =	sadd.s32 s14, s12  }
0xe: {  	s3 =	sshrl.u32 s3, $0x3;
	s12 =	sadd.s32 $0x12E800, s1;
	s14 =	sadd.s32 $0x131000, s1  }
0xf: {  	s29 =	simm.s32 @!p0 $0x27;
	s6 =	sadd.s32 s0, s22;
	s0 =	sadd.s32 s0, s3  }
0x10: {  	s24 =	smax.u32 s9, $0x1;
	s8 =	sadd.s32 $0x2, s8;
	[dreg:$0xe] =	wrdreg s6  }
0x11: {  	s0 =	sadd.s32 $0x25800, s0;
	[dreg:$0x10] =	wrdreg s24;
	s8 =	smov.u32 @p0 s10  }
0x12: {  	s10 =	sshrl.u32 s15, $0x2;
	[dreg:$0xf] =	wrdreg s0;
	p0 =	seq.s32 s2, $0xF  }
0x13: {  	s17 =	sshll.u32 s8, $0xB;
	s13 =	sshll.u32 s8, $0x4;
	s2 =	sshrl.u32 @p0 s12, $0x3  }
0x14: {  	s23 =	sadd.s32 s10, s1;
	s12 =	smov.u32 s1;
	[dreg:$0x11] =	wrdreg s2  }
0x15: {  	s11 =	sand.u32 $0x1FFFF800, s17;
	[dreg:$0xd] =	wrdreg s23;
	s31 =	sadd.s32 $0x12C000, s12  }
0x16: {  	s13 =	sand.u32 $0x1FFFFFF0, s13;
	s18 =	sadd.s32 s28, s11;
	[dreg:$0x1c] =	wrdreg s31  }
0x17: {  	s15 =	sadd.s32 $0x133800, s1;
	s19 =	sadd.s32 s16, s13;
	[dreg:$0xa] =	wrdreg s18  }
0x18: {  	s0 =	sadd.s32 $0x2800, s23;
	s20 =	sadd.s32 s25, s13;
	[dreg:$0xb] =	wrdreg s19  }
0x19: {  	s13 =	sadd.s32 $0x136000, s1;
	s1 =	sshrl.u32 @p0 s14, $0x3;
	[dreg:$0xc] =	wrdreg s20  }
0x1a: {  	s0 =	sshrl.u32 @!p0 s0, $0x3;
	[dreg:$0x12] =	wrdreg s1  }
0x1b: {  	s3 =	sadd.s32 $0x5000, s23;
	s1 =	sshrl.u32 @p0 s15, $0x3;
	[dreg:$0x15] =	wrdreg s0  }
0x1c: {  	s4 =	sadd.s32 $0x7800, s23;
	s0 =	sshrl.u32 @!p0 s3, $0x3;
	[dreg:$0x13] =	wrdreg s1  }
0x1d: {  	s10 =	sadd.s32 $0xA000, s23;
	[dreg:$0x16] =	wrdreg s0;
	s0 =	sshrl.u32 @!p0 s4, $0x3  }
0x1e: {  	s11 =	sadd.s32 $0xC800, s23;
	[dreg:$0x17] =	wrdreg s0;
	s0 =	sshrl.u32 @!p0 s10, $0x3  }
0x1f: {  	[dreg:$0x18] =	wrdreg s0;
	s0 =	sshrl.u32 @!p0 s11, $0x3  }
0x20: {  	s1 =	sshrl.u32 @p0 s13, $0x3;
	[dreg:$0x19] =	wrdreg s0;
	s0 =	sadd.s32 $0xF000, s23  }
0x21: {  	s3 =	sadd.s32 $0x11800, s23;
	[dreg:$0x14] =	wrdreg s1;
	s0 =	sshrl.u32 @!p0 s0, $0x3  }
0x22: {  	v0 =	vimm.f32 $0.0e+00;
	vm0 =	vcmask $0x300;
	s9 =	simm.s32 $0x7;
	[dreg:$0x1a] =	wrdreg s0;
	s0 =	sshrl.u32 @!p0 s3, $0x3  }
0x23: {  	v1 =	vsel vm0, $0x3F800000, v0;
	s2 =	simm.s32 $0x80;
	s3 =	sadd.s32 $0xFFFFFFFF, s29;
	[dreg:$0x1b] =	wrdreg s0  }
.LBB2_1:
0x24: {  	s4 =	simm.s32 $0x0;
	s10 =	simm.s32 $0x200  }
.LBB2_2:
0x25: {  	p1 =	sne.s32 s10, $0xFE00;
	[tilespmem:s4+$0x138F0] =	vst v0  }
0x26: {  	[tilespmem:s4+$0x13880] =	vst v0  }
0x27: {  	[tilespmem:s4+$0x13890] =	vst v0  }
.Ltmp0:
0x28: {  	[tilespmem:s4+$0x138A0] =	vst v0;
	(pc) =	sbr.rel @p1 .LBB2_2-.Ltmp0, $4  }
0x29: {  	[tilespmem:s4+$0x138B0] =	vst v0  }
0x2a: {  	[tilespmem:s4+$0x138C0] =	vst v1  }
0x2b: {  	[tilespmem:s4+$0x138D0] =	vst v0  }
0x2c: {  	[tilespmem:s4+$0x138E0] =	vst v0;
	s4 =	sshra.s32 s10, $0x2;
	s10 =	sadd.s32 $0x200, s10  }
0x2d: {  	[tilespmem:s4+$0x138F0] =	vst v0  }
0x2e: {  	[tilespmem:s4+$0x13880] =	vst v0  }
0x2f: {  	[tilespmem:s4+$0x13890] =	vst v0  }
0x30: {  	[tilespmem:s4+$0x138A0] =	vst v0  }
0x31: {  	[tilespmem:s4+$0x138B0] =	vst v0  }
0x32: {  	[tilespmem:s4+$0x138C0] =	vst v1  }
0x33: {  	[tilespmem:s4+$0x138D0] =	vst v0;
	s0 =	rddreg [dreg:$0x1c];
	s14 =	simm.s32 @p0 $0x1FC1  }
0x34: {  	[tilespmem:s4+$0x138E0] =	vst v0;
	s1 =	rddreg [dreg:$0x9];
	s13 =	simm.s32 @p0 $0x1;
	s10 =	sshrl.u32 @p0 s0, $0x3  }
0x35: {  	[spmem:s10], [sflag:s14] =	dma.local @p0 [hbm:s1], $0x500  }
0x36: {  	_ =	swait.ge @p0 [sflag:s13], $0x500  }
0x37: {  	[sflag:s13] =	ssyncset.done @p0 $0x0  }
0x38: {  	s0 =	rddreg [dreg:$0x11];
	[sflag:s13] =	ssyncadd.s32 @p0 $0xFFFFFB00  }
0x39: {  	[spmem:s0], [sflag:s14] =	dma.local @p0 [hbm:s1], $0x500  }
0x3a: {  	_ =	swait.ge @p0 [sflag:s13], $0x500  }
0x3b: {  	[sflag:s13] =	ssyncset.done @p0 $0x0  }
0x3c: {  	s0 =	rddreg [dreg:$0x12];
	[sflag:s13] =	ssyncadd.s32 @p0 $0xFFFFFB00  }
0x3d: {  	[spmem:s0], [sflag:s14] =	dma.local @p0 [hbm:s1], $0x500  }
0x3e: {  	_ =	swait.ge @p0 [sflag:s13], $0x500  }
0x3f: {  	[sflag:s13] =	ssyncset.done @p0 $0x0  }
0x40: {  	s0 =	rddreg [dreg:$0x13];
	[sflag:s13] =	ssyncadd.s32 @p0 $0xFFFFFB00  }
0x41: {  	[spmem:s0], [sflag:s14] =	dma.local @p0 [hbm:s1], $0x500  }
0x42: {  	_ =	swait.ge @p0 [sflag:s13], $0x500  }
0x43: {  	[sflag:s13] =	ssyncset.done @p0 $0x0  }
0x44: {  	s0 =	rddreg [dreg:$0x14];
	[sflag:s13] =	ssyncadd.s32 @p0 $0xFFFFFB00  }
0x45: {  	[spmem:s0], [sflag:s14] =	dma.local @p0 [hbm:s1], $0x500  }
0x46: {  	s0 =	stileid.u32  }
0x47: {  	s4 =	sshll.u32 @!p0 s0, $0x6;
	s0 =	rddreg [dreg:$0xd]  }
0x48: {  	s0 =	sshrl.u32 @!p0 s0, $0x3  }
0x49: {  	s31 =	simm.s32 @!p0 $0x1;
	s4 =	sor.u32 @!p0 $0x1C01, s4;
	[dreg:$0x1f] =	wrdreg s0  }
0x4a: {  	[spmem:s0], [sflag:s4] =	dma.local @!p0 [hbm:s1], $0x500  }
0x4b: {  	_ =	swait.ge @!p0 [sflag:s31], $0x500  }
0x4c: {  	[sflag:s31] =	ssyncset.done @!p0 $0x0  }
0x4d: {  	s0 =	rddreg [dreg:$0x15];
	[sflag:s31] =	ssyncadd.s32 @!p0 $0xFFFFFB00  }
0x4e: {  	[spmem:s0], [sflag:s4] =	dma.local @!p0 [hbm:s1], $0x500  }
0x4f: {  	_ =	swait.ge @!p0 [sflag:s31], $0x500  }
0x50: {  	[sflag:s31] =	ssyncset.done @!p0 $0x0  }
0x51: {  	s0 =	rddreg [dreg:$0x16];
	[sflag:s31] =	ssyncadd.s32 @!p0 $0xFFFFFB00  }
0x52: {  	[spmem:s0], [sflag:s4] =	dma.local @!p0 [hbm:s1], $0x500  }
0x53: {  	_ =	swait.ge @!p0 [sflag:s31], $0x500  }
0x54: {  	[sflag:s31] =	ssyncset.done @!p0 $0x0  }
0x55: {  	s0 =	rddreg [dreg:$0x17];
	[sflag:s31] =	ssyncadd.s32 @!p0 $0xFFFFFB00  }
0x56: {  	[spmem:s0], [sflag:s4] =	dma.local @!p0 [hbm:s1], $0x500  }
0x57: {  	_ =	swait.ge @!p0 [sflag:s31], $0x500  }
0x58: {  	[sflag:s31] =	ssyncset.done @!p0 $0x0  }
0x59: {  	s0 =	rddreg [dreg:$0x18];
	[sflag:s31] =	ssyncadd.s32 @!p0 $0xFFFFFB00  }
0x5a: {  	[spmem:s0], [sflag:s4] =	dma.local @!p0 [hbm:s1], $0x500  }
0x5b: {  	_ =	swait.ge @!p0 [sflag:s31], $0x500  }
0x5c: {  	[sflag:s31] =	ssyncset.done @!p0 $0x0  }
0x5d: {  	s0 =	rddreg [dreg:$0x19];
	[sflag:s31] =	ssyncadd.s32 @!p0 $0xFFFFFB00  }
0x5e: {  	[spmem:s0], [sflag:s4] =	dma.local @!p0 [hbm:s1], $0x500  }
0x5f: {  	_ =	swait.ge @!p0 [sflag:s31], $0x500  }
0x60: {  	[sflag:s31] =	ssyncset.done @!p0 $0x0  }
0x61: {  	s0 =	rddreg [dreg:$0x1a];
	[sflag:s31] =	ssyncadd.s32 @!p0 $0xFFFFFB00  }
0x62: {  	[spmem:s0], [sflag:s4] =	dma.local @!p0 [hbm:s1], $0x500  }
0x63: {  	_ =	swait.ge @!p0 [sflag:s31], $0x500  }
0x64: {  	[dreg:$0x1e] =	wrdreg s4;
	[sflag:s31] =	ssyncset.done @!p0 $0x0  }
0x65: {  	s24 =	simm.s32 $0x1;
	s0 =	rddreg [dreg:$0x1b];
	[sflag:s31] =	ssyncadd.s32 @!p0 $0xFFFFFB00  }
0x66: {  	[spmem:s0], [sflag:s4] =	dma.local @!p0 [hbm:s1], $0x500  }
0x67: {  	_ =	swait.ge [sflag:s24], $0x500  }
0x68: {  	[sflag:s24] =	ssyncset.done $0x0  }
0x69: {  	[sflag:s24] =	ssyncadd.s32 $0xFFFFFB00  }
0x6a: {  	[bflag:$0x0] =	sbarrier.arrive $0xFFFF  }
0x6b: {  	_ =	strace $0x80000052  }
0x6c: {  	s5 =	simm.s32 $0x0;
	s19 =	simm.s32 $0x17880;
	s18 =	rddreg [dreg:$0xa]  }
0x6d: {  	[tilespmem:s19], [sflag:$0x1] =	stream.linear.gather [hbm4b:s18+s5], $0x4000, $0x200038;
	[tilespmem:$0x1FA80] =	vst v63  }
0x6e: {  	s22 =	simm.s32 $0x1F880;
	p1 =	seq.s32 s29, $0x1;
	s18 =	simm.s32 $0x1  }
0x6f: {  	p3 =	sle.u32 s3, $0x0;
	s20 =	rddreg [dreg:$0xb];
	s18 =	simm.s32 @p1 $0x0  }
0x70: {  	[tilespmem:s22], [sflag:$0x3] =	stream.linear.gather [hbm4b:s20+s5], $0x80, $0x200038;
	[tilespmem:$0x1FA80] =	vst v63  }
0x71: {  	s26 =	simm.s32 $0x1F980;
	p5 =	sne.s32 s29, $0x1;
	p4 =	seq.s32 @!p3 s18, $0x0  }
.Ltmp1:
0x72: {  	s23 =	rddreg [dreg:$0xc];
	p2 =	por p4, p3;
	(pc) =	sbr.rel @!p5 .LBB2_4-.Ltmp1, $4  }
0x73: {  	[tilespmem:s26], [sflag:$0x5] =	stream.linear.gather [hbm4b:s23+s5], $0x80, $0x200038;
	[tilespmem:$0x1FA80] =	vst v63  }
0x74: {  	s17 =	simm.s32 $0x1;
	p1 =	por $0x0, $0x0;
	s11 =	sadd.s32 @!p2 s8, s18  }
0x75: {  	s30 =	sand.u32 @!p2 $0x1, s24;
	_ =	strace $0x90000052;
	s4 =	sshll.u32 @!p2 s11, $0xB  }
0x76: {  	s26 =	sshll.u32 @!p2 s30, $0xE;
	s11 =	sshll.u32 @!p2 s11, $0x4;
	s4 =	sand.u32 @!p2 $0x1FFFF800, s4  }
0x77: {  	[dreg:$0x1d] =	wrdreg s10  }
0x78: {  	[dreg:$0x8] =	wrdreg s21;
	s13 =	sadd.s32 @!p2 $0x17880, s26;
	s4 =	sadd.s32 @!p2 s28, s4  }
0x79: {  	s11 =	sand.u32 @!p2 $0x1FFFFFF0, s11;
	s15 =	sadd.s32 @!p2 $0x1, s30;
	s19 =	simm.s32 @!p2 $0x0  }
0x7a: {  	p1 =	por !p4, p3;
	s5 =	sand.u32 $0x1, s5;
	s21 =	simm.s32 $0x1  }
0x7b: {  	s7 =	simm.s32 $0x0;
	s9 =	simm.s32 $0x0;
	_ =	strace @!p2 $0x80000053  }
0x7c: {  	[tilespmem:s13], [sflag:s15] =	stream.linear.gather @!p2 [hbm4b:s4+s19], $0x4000, $0x200038;
	[tilespmem:$0x1FA80] =	vst v63  }
0x7d: {  	s4 =	sadd.s32 @!p2 s16, s11;
	s13 =	sshll.u32 @!p2 s30, $0x7;
	_ =	strace @!p2 $0x90000053  }
0x7e: {  	s15 =	sadd.s32 @!p2 $0x3, s30;
	s20 =	sadd.s32 @!p2 $0x1F880, s13;
	_ =	strace @!p2 $0x80000054  }
0x7f: {  	[tilespmem:s20], [sflag:s15] =	stream.linear.gather @!p2 [hbm4b:s4+s19], $0x80, $0x200038;
	[tilespmem:$0x1FA80] =	vst v63  }
0x80: {  	p6 =	sne.s32 s29, $0x2;
	s4 =	sadd.s32 @!p2 s25, s11;
	_ =	strace @!p2 $0x90000054  }
0x81: {  	s11 =	sadd.s32 @!p2 $0x1F980, s13;
	s13 =	sadd.s32 @!p2 $0x5, s30;
	_ =	strace @!p2 $0x80000055  }
0x82: {  	[tilespmem:s11], [sflag:s13] =	stream.linear.gather @!p2 [hbm4b:s4+s19], $0x80, $0x200038;
	[tilespmem:$0x1FA80] =	vst v63  }
0x83: {  	p5 =	seq.s32 s3, $0x0;
	p4 =	sle.u32 s3, $0x1;
	_ =	strace @!p2 $0x90000055  }
0x84: {  	s6 =	sadd.s32 $0x1, s5;
	s10 =	sand.u32 $0x80, s7;
	_ =	strace $0x80000056  }
0x85: {  	s14 =	sand.u32 $0x4000, s9;
	s22 =	sadd.s32 $0x3, s5;
	_ =	swait.ge [sflag:s6], $0x4000  }
0x86: {  	s23 =	sadd.s32 $0x1F880, s10;
	s31 =	sadd.s32 $0x17880, s14;
	[sflag:s6] =	ssyncset.done $0x0  }
0x87: {  	s15 =	simm.s32 @!p2 $0x2;
	s25 =	sadd.s32 $0x1, s18;
	[sflag:s6] =	ssyncadd.s32 $0xFFFFC000  }
0x88: {  	s21 =	smov.u32 @p1 s15;
	s15 =	sadd.s32 $0x1F980, s10;
	_ =	strace $0x90000056  }
0x89: {  	s21 =	smov.u32 @p3 s24;
	s24 =	simm.s32 $0x2;
	_ =	strace $0x80000057  }
0x8a: {  	s11 =	simm.s32 $0x0;
	s4 =	sadd.s32 $0x5, s5;
	_ =	swait.ge [sflag:s22], $0x80  }
0x8b: {  	s13 =	smov.u32 s21;
	s11 =	simm.s32 @p1 $0x1;
	[sflag:s22] =	ssyncset.done $0x0  }
0x8c: {  	p2 =	seq.s32 s25, s29;
	s11 =	simm.s32 @p3 $0x0;
	[sflag:s22] =	ssyncadd.s32 $0xFFFFFF80  }
0x8d: {  	p3 =	sne.s32 s18, $0x0;
	s25 =	simm.s32 @p2 $0x0;
	_ =	strace $0x90000057  }
0x8e: {  	p3 =	por p5, p3;
	p5 =	seq.s32 @!p4 s18, s25;
	_ =	strace $0x80000058  }
0x8f: {  	p1 =	por $0x1, $0x1;
	p2 =	por p5, p4;
	_ =	swait.ge [sflag:s4], $0x80  }
0x90: {  	s19 =	sadd.s32 $0x1, s11;
	s20 =	sadd.s32 @!p2 s8, s25;
	[sflag:s4] =	ssyncset.done $0x0  }
.Ltmp2:
0x91: {  	s30 =	sand.u32 @!p2 $0x1, s21;
	[sflag:s4] =	ssyncadd.s32 $0xFFFFFF80;
	(pc) =	sbr.rel @!p6 .LBB2_6-.Ltmp2, $4  }
0x92: {  	s26 =	sshll.u32 @!p2 s30, $0xE;
	s11 =	sshll.u32 @!p2 s20, $0x4;
	_ =	strace $0x90000058  }
0x93: {  	s22 =	simm.s32 $0x0;
	s4 =	sshll.u32 @!p2 s20, $0xB;
	_ =	strace $0x80000059  }
0x94: {  	[spmem:s12] =	stream.indirect.scatter.add.f32 [tilespmem:s31], [sflag:$0x7], $0x80, s23, s2, $0x2000b8;
	[tilespmem:$0x1FA80] =	vst v63  }
0x95: {  	s20 =	simm.s32 $0x0;
	s4 =	sand.u32 @!p2 $0x1FFFF800, s4;
	s23 =	simm.s32 $0x0  }
.LBB2_7:
0x96: {  	s31 =	smov.u32 s21  }
0x97: {  	s10 =	sadd.s32 @!p2 $0x17880, s26;
	s4 =	sadd.s32 @!p2 s28, s4;
	s1 =	simm.s32 $0x7  }
0x98: {  	s26 =	smov.u32 s17;
	s17 =	smov.u32 s24;
	s11 =	sand.u32 @!p2 $0x1FFFFFF0, s11  }
0x99: {  	s30 =	sadd.s32 @!p2 $0x1, s30;
	s14 =	sand.u32 @!p2 $0x1, s21;
	s9 =	smov.u32 s3  }
0x9a: {  	s3 =	smov.u32 s29;
	s29 =	smov.u32 s8;
	s8 =	smov.u32 s16  }
0x9b: {  	p5 =	por !p5, p4;
	s5 =	simm.s32 @!p2 $0x0;
	s6 =	simm.s32 $0x0  }
0x9c: {  	s24 =	sadd.s32 $0x1, s24;
	_ =	swait.ge [sflag:s1], $0x4000;
	s7 =	sadd.s32 @!p2 s16, s11  }
0x9d: {  	s16 =	sand.u32 @!p2 $0x1, s19;
	s6 =	simm.s32 @p5 $0x1;
	s28 =	rddreg [dreg:$0x4]  }
0x9e: {  	[sflag:s1] =	ssyncset.done $0x0;
	s0 =	rddreg [dreg:$0x7];
	s6 =	simm.s32 @p4 $0x0  }
0x9f: {  	[sflag:s1] =	ssyncadd.s32 $0xFFFFC000;
	s11 =	sadd.s32 @!p2 s0, s11;
	s0 =	smov.u32 s12  }
0xa0: {  	[spmem:s12] =	stream.indirect.scatter.add.f32 [tilespmem:s28], [sflag:$0x7], $0x80, s15, s2, $0x2000b8;
	[tilespmem:$0x1FA80] =	vst v63  }
0xa1: {  	s19 =	sadd.s32 s19, s6;
	s15 =	sshll.u32 @!p2 s14, $0x7;
	s14 =	sadd.s32 @!p2 $0x3, s14  }
0xa2: {  	s28 =	sshll.u32 @!p2 s16, $0x7;
	s16 =	sadd.s32 @!p2 $0x5, s16;
	s2 =	sadd.s32 @!p2 $0x1, s21  }
0xa3: {  	_ =	swait.ge [sflag:s1], $0x4000;
	s15 =	sadd.s32 @!p2 $0x1F880, s15;
	s12 =	sadd.s32 @!p2 $0x1F980, s28  }
0xa4: {  	s28 =	smov.u32 s13;
	s21 =	smov.u32 @p5 s2;
	[sflag:s1] =	ssyncset.done $0x0  }
0xa5: {  	s2 =	simm.s32 $0x80;
	s21 =	smov.u32 @p4 s31;
	[sflag:s1] =	ssyncadd.s32 $0xFFFFC000  }
0xa6: {  	s31 =	simm.s32 $0x80;
	s1 =	sadd.s32 @!p2 $0x1, s13;
	_ =	strace $0x90000059  }
0xa7: {  	s28 =	smov.u32 @p5 s1;
	s1 =	rddreg [dreg:$0x5];
	_ =	strace @!p2 $0x80000053  }
0xa8: {  	[tilespmem:s10], [sflag:s30] =	stream.linear.gather @!p2 [hbm4b:s4+s5], $0x4000, $0x200038;
	[tilespmem:$0x1FA80] =	vst v63  }
0xa9: {  	s28 =	smov.u32 @p4 s13;
	p4 =	sge.u32 s17, s9;
	_ =	strace @!p2 $0x90000053  }
0xaa: {  	s1 =	simm.s32 @!p3 $0x0;
	p3 =	seq.s32 s9, s26;
	_ =	strace @!p2 $0x80000054  }
0xab: {  	[tilespmem:s15], [sflag:s14] =	stream.linear.gather @!p2 [hbm4b:s7+s5], $0x80, $0x200038;
	[tilespmem:$0x1FA80] =	vst v63  }
0xac: {  	s23 =	sadd.s32 s1, s23;
	s22 =	sadd.s32 s1, s22;
	_ =	strace @!p2 $0x90000054  }
0xad: {  	s20 =	sadd.s32 s1, s20;
	s1 =	sand.u32 $0x1, s22;
	_ =	strace @!p2 $0x80000055  }
0xae: {  	[tilespmem:s12], [sflag:s16] =	stream.linear.gather @!p2 [hbm4b:s11+s5], $0x80, $0x200038;
	[tilespmem:$0x1FA80] =	vst v63  }
0xaf: {  	s10 =	sshll.u32 s20, $0x7;
	s15 =	sand.u32 $0x1, s23;
	_ =	strace @!p2 $0x90000055  }
0xb0: {  	s7 =	sand.u32 $0x80, s10;
	s4 =	sadd.s32 $0x1, s15;
	_ =	strace $0x80000056  }
0xb1: {  	s14 =	sshll.u32 s23, $0xE;
	s1 =	sadd.s32 $0x3, s1;
	_ =	swait.ge [sflag:s4], $0x4000  }
0xb2: {  	s10 =	sand.u32 $0x4000, s14;
	s15 =	sshll.u32 s22, $0x7;
	[sflag:s4] =	ssyncset.done $0x0  }
0xb3: {  	s14 =	sadd.s32 $0x17880, s10;
	s12 =	smov.u32 s0;
	[sflag:s4] =	ssyncadd.s32 $0xFFFFC000  }
0xb4: {  	s16 =	smov.u32 s8;
	s8 =	smov.u32 s29;
	_ =	strace $0x90000056  }
0xb5: {  	s29 =	smov.u32 s3;
	s5 =	sand.u32 $0x1, s20;
	_ =	strace $0x80000057  }
0xb6: {  	s0 =	sand.u32 $0x80, s15;
	p2 =	sne.s32 s18, s25;
	_ =	swait.ge [sflag:s1], $0x80  }
0xb7: {  	s18 =	smov.u32 s25;
	s25 =	sadd.s32 $0x1, s25;
	[sflag:s1] =	ssyncset.done $0x0  }
0xb8: {  	s15 =	sadd.s32 $0x1F980, s7;
	p5 =	seq.s32 s25, s29;
	[sflag:s1] =	ssyncadd.s32 $0xFFFFFF80  }
0xb9: {  	p6 =	sne.s32 s29, s24;
	s25 =	simm.s32 @p5 $0x0;
	_ =	strace $0x90000057  }
0xba: {  	s11 =	sadd.s32 $0x5, s5;
	p5 =	seq.s32 @!p4 s18, s25;
	_ =	strace $0x80000058  }
0xbb: {  	p3 =	por p3, p2;
	p2 =	por p5, p4;
	_ =	swait.ge [sflag:s11], $0x80  }
0xbc: {  	s13 =	sadd.s32 $0x1F880, s0;
	s6 =	sadd.s32 @!p2 s8, s25;
	[sflag:s11] =	ssyncset.done $0x0  }
.Ltmp3:
0xbd: {  	s30 =	sand.u32 @!p2 $0x1, s28;
	[sflag:s11] =	ssyncadd.s32 $0xFFFFFF80;
	(pc) =	sbr.rel @p6 .LBB2_7-.Ltmp3, $4  }
0xbe: {  	s26 =	sshll.u32 @!p2 s30, $0xE;
	s1 =	sshll.u32 @!p2 s6, $0xB;
	_ =	strace $0x90000058  }
0xbf: {  	s3 =	smov.u32 s9;
	s4 =	sand.u32 @!p2 $0x1FFFF800, s1;
	_ =	strace $0x80000059  }
0xc0: {  	[spmem:s12] =	stream.indirect.scatter.add.f32 [tilespmem:s14], [sflag:$0x7], $0x80, s13, s31, $0x2000b8;
	[tilespmem:$0x1FA80] =	vst v63  }
0xc1: {  	s11 =	sshll.u32 @!p2 s6, $0x4;
	s13 =	smov.u32 s28;
	s28 =	rddreg [dreg:$0x6]  }
0xc2: {  	s24 =	smov.u32 s21;
	s21 =	rddreg [dreg:$0x8]  }
0xc3: {  	s25 =	rddreg [dreg:$0x7]  }
0xc4: {  	s9 =	simm.s32 $0x7;
	s10 =	rddreg [dreg:$0x1d]  }
0xc5: {  	s13 =	simm.s32 @p0 $0x1;
	s14 =	simm.s32 @p0 $0x1FC1;
	s31 =	simm.s32 @!p0 $0x1  }
.LBB2_9:
0xc6: {  	_ =	swait.ge @p1 [sflag:s9], $0x4000  }
0xc7: {  	[sflag:s9] =	ssyncset.done @p1 $0x0  }
0xc8: {  	s1 =	rddreg [dreg:$0x4];
	[sflag:s9] =	ssyncadd.s32 @p1 $0xFFFFC000  }
0xc9: {  	[spmem:s12] =	stream.indirect.scatter.add.f32 @p1 [tilespmem:s1], [sflag:$0x7], $0x80, s15, s2, $0x2000b8;
	[tilespmem:$0x1FA80] =	vst v63  }
0xca: {  	_ =	swait.ge @p1 [sflag:s9], $0x4000  }
0xcb: {  	[sflag:s9] =	ssyncset.done @p1 $0x0  }
0xcc: {  	s5 =	sadd.s32 @!p2 $0x1, s30;
	[sflag:s9] =	ssyncadd.s32 @p1 $0xFFFFC000  }
0xcd: {  	s6 =	simm.s32 @!p2 $0x0;
	s1 =	sadd.s32 @!p2 $0x17880, s26;
	_ =	strace @p1 $0x90000059  }
0xce: {  	s2 =	sadd.s32 @!p2 s28, s4;
	s4 =	rddreg [dreg:$0x5];
	_ =	strace @!p2 $0x80000053  }
0xcf: {  	[tilespmem:s1], [sflag:s5] =	stream.linear.gather @!p2 [hbm4b:s2+s6], $0x4000, $0x200038;
	[tilespmem:$0x1FA80] =	vst v63  }
0xd0: {  	p3 =	por !p3, !p1;
	s1 =	sand.u32 @!p2 $0x1FFFFFF0, s11;
	s2 =	sand.u32 @!p2 $0x1, s24  }
0xd1: {  	s5 =	sadd.s32 @!p2 s16, s1;
	s7 =	sshll.u32 @!p2 s2, $0x7;
	_ =	strace @!p2 $0x90000053  }
0xd2: {  	s2 =	sadd.s32 @!p2 $0x3, s2;
	s7 =	sadd.s32 @!p2 $0x1F880, s7;
	_ =	strace @!p2 $0x80000054  }
0xd3: {  	[tilespmem:s7], [sflag:s2] =	stream.linear.gather @!p2 [hbm4b:s5+s6], $0x80, $0x200038;
	[tilespmem:$0x1FA80] =	vst v63  }
0xd4: {  	s4 =	simm.s32 @p3 $0x0;
	s2 =	sand.u32 @!p2 $0x1, s19  }
0xd5: {  	s1 =	sadd.s32 @!p2 s25, s1;
	s5 =	sshll.u32 @!p2 s2, $0x7;
	_ =	strace @!p2 $0x90000054  }
0xd6: {  	s2 =	sadd.s32 @!p2 $0x5, s2;
	s5 =	sadd.s32 @!p2 $0x1F980, s5;
	_ =	strace @!p2 $0x80000055  }
0xd7: {  	[tilespmem:s5], [sflag:s2] =	stream.linear.gather @!p2 [hbm4b:s1+s6], $0x80, $0x200038;
	[tilespmem:$0x1FA80] =	vst v63  }
0xd8: {  	s1 =	sadd.s32 @p1 s4, s23;
	s2 =	simm.s32 $0x0  }
0xd9: {  	s2 =	smov.u32 @p1 s1  }
0xda: {  	_ =	strace @!p2 $0x90000055;
	s1 =	sand.u32 $0x1, s2  }
0xdb: {  	_ =	strace $0x80000056;
	s1 =	sadd.s32 $0x1, s1  }
0xdc: {  	_ =	swait.ge [sflag:s1], $0x4000  }
0xdd: {  	s5 =	sadd.s32 @p1 s4, s22;
	s6 =	simm.s32 $0x0;
	[sflag:s1] =	ssyncset.done $0x0  }
0xde: {  	s6 =	smov.u32 @p1 s5;
	[sflag:s1] =	ssyncadd.s32 $0xFFFFC000  }
0xdf: {  	s19 =	sand.u32 $0x1, s6;
	_ =	strace $0x90000056  }
0xe0: {  	s1 =	sadd.s32 $0x3, s19;
	_ =	strace $0x80000057  }
0xe1: {  	_ =	swait.ge [sflag:s1], $0x80  }
0xe2: {  	s4 =	sadd.s32 @p1 s4, s20;
	s5 =	simm.s32 $0x0;
	[sflag:s1] =	ssyncset.done $0x0  }
0xe3: {  	s5 =	smov.u32 @p1 s4;
	[sflag:s1] =	ssyncadd.s32 $0xFFFFFF80  }
0xe4: {  	s20 =	sand.u32 $0x1, s5;
	_ =	strace $0x90000057  }
0xe5: {  	s1 =	sadd.s32 $0x5, s20;
	_ =	strace $0x80000058  }
0xe6: {  	_ =	swait.ge [sflag:s1], $0x80  }
0xe7: {  	s0 =	simm.s32 $0x80;
	[sflag:s1] =	ssyncset.done $0x0  }
0xe8: {  	s22 =	sshll.u32 s2, $0xE;
	s23 =	sshll.u32 s6, $0x7;
	[sflag:s1] =	ssyncadd.s32 $0xFFFFFF80  }
0xe9: {  	s2 =	sand.u32 $0x80, s23;
	s1 =	sand.u32 $0x4000, s22;
	_ =	strace $0x90000058  }
0xea: {  	s2 =	sadd.s32 $0x1F880, s2;
	s1 =	sadd.s32 $0x17880, s1;
	_ =	strace $0x80000059  }
0xeb: {  	[spmem:s12] =	stream.indirect.scatter.add.f32 [tilespmem:s1], [sflag:$0x7], $0x80, s2, s0, $0x2000b8;
	[tilespmem:$0x1FA80] =	vst v63  }
0xec: {  	s24 =	sshll.u32 s5, $0x7;
	_ =	swait.ge [sflag:s9], $0x4000  }
0xed: {  	s1 =	sand.u32 $0x80, s24;
	[sflag:s9] =	ssyncset.done $0x0  }
0xee: {  	s1 =	sadd.s32 $0x1F980, s1;
	s26 =	rddreg [dreg:$0x4];
	[sflag:s9] =	ssyncadd.s32 $0xFFFFC000  }
0xef: {  	[spmem:s12] =	stream.indirect.scatter.add.f32 [tilespmem:s26], [sflag:$0x7], $0x80, s1, s0, $0x2000b8;
	[tilespmem:$0x1FA80] =	vst v63  }
0xf0: {  	_ =	swait.ge [sflag:s9], $0x4000  }
0xf1: {  	[sflag:s9] =	ssyncset.done $0x0  }
0xf2: {  	[sflag:s9] =	ssyncadd.s32 $0xFFFFC000  }
0xf3: {  	_ =	strace $0x90000059  }
0xf4: {  	[bflag:$0x0] =	sbarrier.arrive $0xFFFF  }
0xf5: {  	s0 =	rddreg [dreg:$0xf]  }
0xf6: {  	[hbm:s0], [sflag:s14] =	dma.local @p0 [spmem:s10], $0x1900  }
0xf7: {  	_ =	swait.ge @p0 [sflag:s13], $0x1900  }
0xf8: {  	s0 =	rddreg [dreg:$0xe]  }
0xf9: {  	[sflag:s13] =	ssyncset.done @p0 $0x0;
	s1 =	rddreg [dreg:$0x1e]  }
0xfa: {  	s4 =	rddreg [dreg:$0x1f];
	[sflag:s13] =	ssyncadd.s32 @p0 $0xFFFFE700  }
0xfb: {  	[hbm:s0], [sflag:s1] =	dma.local @!p0 [spmem:s4], $0x2800  }
0xfc: {  	_ =	swait.ge @!p0 [sflag:s31], $0x2800  }
0xfd: {  	s21 =	sadd.s32 $0x1, s21;
	s30 =	rddreg [dreg:$0x10]  }
0xfe: {  	p1 =	sne.s32 s21, s30  }
.Ltmp4:
0xff: {  	_ = 	snop;
	(pc) =	sbr.rel @p1 .LBB2_1-.Ltmp4, $4  }
.Ltmp5:
0x100: {  	_ = 	snop;
	(pc) =	sbr.rel @!p1 .LBB2_10-.Ltmp5, $4  }
0x101: {  	_ = 	snop  }
0x102: {  	[sflag:s31] =	ssyncset.done @!p0 $0x0  }
0x103: {  	s2 =	simm.s32 $0x80;
	[sflag:s31] =	ssyncadd.s32 @!p0 $0xFFFFD800  }
0x104: {  	_ = 	snop  }
.LBB2_4:
.Ltmp6:
0x105: {  	(pc) =	sbr.rel .LBB2_9-.Ltmp6, $3  }
0x106: {  	_ =	sdelay $0x1  }
0x107: {  	s19 =	simm.s32 $0x1  }
0x108: {  	s23 =	simm.s32 $0x0;
	s22 =	simm.s32 $0x0;
	s20 =	simm.s32 $0x0  }
.LBB2_6:
.Ltmp7:
0x109: {  	(pc) =	sbr.rel .LBB2_9-.Ltmp7, $4  }
0x10a: {  	s24 =	smov.u32 s21;
	s21 =	rddreg [dreg:$0x8]  }
0x10b: {  	s23 =	simm.s32 $0x0;
	s22 =	simm.s32 $0x0;
	s25 =	rddreg [dreg:$0x7]  }
0x10c: {  	s20 =	simm.s32 $0x0;
	s9 =	simm.s32 $0x7;
	s10 =	rddreg [dreg:$0x1d]  }
0x10d: {  	s13 =	simm.s32 @p0 $0x1;
	s14 =	simm.s32 @p0 $0x1FC1;
	s31 =	simm.s32 @!p0 $0x1  }
.LBB2_10:
0x10e: {  	_ =	sfence.sel $0x180000  }
0x10f: {  	[bflag:$0x0] =	sbarrier.arrive $0xFFFF  }
0x110: {  	_ =	strace $0x90000051  }
0x111: {  	s0 =	stileid.u32;
	[bflag:$0x2] =	sbarrier.arrive $0xFFFF  }
0x112: {  	p0 =	sne.s32 s0, $0x0;
	s0 =	rddreg [dreg:$0x3]  }
0x113: {  	s0 =	sadd.s32 @!p0 $0x100000, s0  }
0x114: {  	[sflag:s0] =	ssyncadd.tile.s32 @!p0 $0x1;
	_ =	shalt  }
.Lfunc_end2:
_tile_overlayer_lowered:
.L_overlay_start_2:
0x115: {  	(tag) =	ssettag $0x2  }
0x116: {  	s0 =	rddreg [dreg:$0x0];
	s2 =	stileid.u32  }
0x117: {  	s1 =	rddreg [dreg:$0x1];
	p0 =	sne.s32 s2, $0x0  }
0x118: {  	s3 =	rddreg [dreg:$0x2];
	[bflag:$0x3] =	sbarrier.arrive $0xFFFF;
	s2 =	simm.s32 @!p0 $0x1C01  }
0x119: {  	[timem:s3], [sflag:s2] =	dma.local @!p0 [hbm:s0], s1  }
0x11a: {  	s0 =	simm.s32 @!p0 $0x1  }
0x11b: {  	_ =	swait.ge @!p0 [sflag:s0], s1  }
0x11c: {  	s1 =	ssub.s32 @!p0 $0x0, s1;
	[sflag:s0] =	ssyncset.done @!p0 $0x0  }
0x11d: {  	[sflag:s0] =	ssyncadd.s32 @!p0 s1  }
0x11e: {  	[bflag:$0x3] =	sbarrier.arrive $0xFFFF  }
0x11f: {  	_ =	shalt  }

</sc_bundles>
